<compile_context>
chip_gen: v7x
topology: tpu7x:2x2x1
jax: 0.10.2.dev20260603
libtpu: 0.0.44.dev20260713+nightly
codegen_flags: <defaults>
</compile_context>

<pallas_src>
import functools

import jax
import jax.numpy as jnp
from jax import lax
from jax.experimental import pallas as pl
from jax.experimental.pallas import tpu as pltpu
from jax.experimental.pallas import tpu_sc as plsc

BATCH = 16384
SEQ = 35
N_BEAKERS = SEQ // 5
IDS_PER_ROW = 4 * N_BEAKERS
D = 64
VOCAB = 7

PAIRS_PER_ROW = IDS_PER_ROW // 2
DP = 2 * D
PVOCAB = VOCAB * VOCAB

NUM_CORES = 2
NUM_SUBCORES = 16
NW = NUM_CORES * NUM_SUBCORES
LANES = 16

B_PER_W = BATCH // NW
PAIRS_PER_W = B_PER_W * PAIRS_PER_ROW

IDX_MINOR = 8 * PAIRS_PER_ROW
IDX_ROWS_PER_W = PAIRS_PER_W // IDX_MINOR
CHUNK_IDX_ROWS = 2
CHUNK_ROWS = CHUNK_IDX_ROWS * IDX_MINOR
CHUNK_B = CHUNK_ROWS // PAIRS_PER_ROW
N_CHUNKS = IDX_ROWS_PER_W // CHUNK_IDX_ROWS


def _make_sc_gather():
    mesh = plsc.VectorSubcoreMesh(core_axis_name="c", subcore_axis_name="s")

    @functools.partial(
        pl.kernel,
        mesh=mesh,
        compiler_params=pltpu.CompilerParams(needs_layout_passes=False),
        out_type=jax.ShapeDtypeStruct((BATCH, IDS_PER_ROW * D), jnp.float32),
        scratch_types=[
            pltpu.VMEM_SHARED((PVOCAB, DP), jnp.float32),
            pltpu.VMEM((B_PER_W, SEQ), jnp.int32),
            pltpu.VMEM((PAIRS_PER_W,), jnp.int32),
            pltpu.VMEM((2, CHUNK_ROWS, DP), jnp.float32),
            pltpu.SemaphoreType.DMA,
            pltpu.SemaphoreType.DMA,
        ],
    )
    def sc_gather(table_hbm, x_hbm, out_hbm, table_s, x_v, idx_v, rows_v,
                  sem_g, sem_o):
        wid = lax.axis_index("s") * NUM_CORES + lax.axis_index("c")
        b_base = wid * B_PER_W

        @pl.when(lax.axis_index("s") == 0)
        def _():
            pltpu.sync_copy(table_hbm, table_s)

        pltpu.sync_copy(x_hbm.at[pl.ds(b_base, B_PER_W)], x_v)

        def id_row(r):
            lane = lax.iota(jnp.int32, LANES)
            for k in range(7):
                g = k * LANES + lane
                q = (g * 2341) >> 15
                p = g - PAIRS_PER_ROW * q
                c0 = 5 * (p >> 1) + 1 + 2 * (p & 1)
                b = r * 8 + q
                a = plsc.load_gather(x_v, [b, c0])
                bb = plsc.load_gather(x_v, [b, c0 + 1])
                idx_v[pl.ds(r * IDX_MINOR + k * LANES, LANES)] = a * VOCAB + bb

        def ids_for_chunk(ci):
            for j in range(CHUNK_IDX_ROWS):
                id_row(ci * CHUNK_IDX_ROWS + j)

        def gather_descs(ci, buf):
            return [
                pltpu.make_async_copy(
                    table_s.at[idx_v.at[pl.ds(
                        (ci * CHUNK_IDX_ROWS + j) * IDX_MINOR, IDX_MINOR)]],
                    buf.at[pl.ds(j * IDX_MINOR, IDX_MINOR)],
                    sem_g,
                )
                for j in range(CHUNK_IDX_ROWS)
            ]

        def out_desc(ci, buf):
            return pltpu.make_async_copy(
                buf.reshape(CHUNK_B, IDS_PER_ROW * D),
                out_hbm.at[pl.ds(b_base + ci * CHUNK_B, CHUNK_B)], sem_o)

        ids_for_chunk(0)
        ids_for_chunk(1)
        plsc.subcore_barrier()
        for d in gather_descs(0, rows_v.at[0]):
            d.start()

        def chunk_body(ci, carry):
            buf = rows_v.at[ci % 2]
            nbuf = rows_v.at[(ci + 1) % 2]

            @pl.when(ci + 2 < N_CHUNKS)
            def _():
                ids_for_chunk(ci + 2)

            @pl.when(ci >= 1)
            def _():
                out_desc(ci - 1, nbuf).wait()

            @pl.when(ci + 1 < N_CHUNKS)
            def _():
                for d in gather_descs(ci + 1, nbuf):
                    d.start()

            for d in gather_descs(ci, buf):
                d.wait()
            out_desc(ci, buf).start()
            return carry

        lax.fori_loop(0, N_CHUNKS, chunk_body, 0)
        out_desc(N_CHUNKS - 1, rows_v.at[(N_CHUNKS - 1) % 2]).wait()

    return sc_gather


_sc_gather = _make_sc_gather()


def kernel(X, color_table, pos_table):
    del pos_table
    ptable = jnp.concatenate(
        [jnp.repeat(color_table, VOCAB, axis=0),
         jnp.tile(color_table, (VOCAB, 1))], axis=1)
    return _sc_gather(ptable, X.astype(jnp.int32))

# --- scband reference (transcript-rebuilt; emitter-appended) ---
"""Pipeline reference for scband-world-state-encoder-18665927868454 (READ-ONLY COPY).

The authoritative reference and input builder live on the scoring server;
editing this copy changes nothing except your own understanding.
"""

import jax, jax.numpy as jnp
import numpy as np

BATCH = 16384
SEQ = 35
COLOR_DIM = 64
POS_DIM = 64
VOCAB = 7


def setup_inputs(seed: int = 0) -> dict:
    key = jax.random.key(seed)
    k1, k2, k3 = jax.random.split(key, 3)
    X = jax.random.randint(k1, (BATCH, SEQ), 0, VOCAB)
    color_table = jax.random.normal(k2, (VOCAB, COLOR_DIM), dtype=jnp.float32) * 0.02
    pos_table = jax.random.normal(k3, (VOCAB, POS_DIM), dtype=jnp.float32) * 0.02
    return {"X": X, "color_table": color_table, "pos_table": pos_table}


def reference(X, color_table, pos_table):
    # Faithful vectorization of the original per-sample / per-beaker python loops.
    batch = X.shape[0]
    n_beakers = X.shape[1] // 5  # loop stride of 5 over X columns
    Xr = X.reshape(batch, n_beakers, 5)
    # X[i][j+1:j+5] -> 4 color ids per beaker
    color_ids = Xr[:, :, 1:5]
    emb = jnp.take(color_table, color_ids, axis=0)  # (B, n_beakers, 4, color_dim)
    # pos_embedding of beaker ids is computed in the original forward but never
    # used in the returned context; reproduce the computation for faithfulness.
    beaker_id = jnp.broadcast_to(jnp.arange(n_beakers), (batch, n_beakers))
    _pos = jnp.take(pos_table, beaker_id, axis=0)
    context = emb.reshape(batch, -1)  # (B, n_beakers*4*color_dim)
    return context

if __name__ == "__main__":
    import jax
    _d = setup_inputs()
    print(jax.jit(kernel)(*tuple(_d.values())))

</pallas_src>

<mosaic_0001>
#map = affine_map<(d0, d1) -> (0, 0)>
module attributes {stable_mosaic.version = 14 : i64} {
  func.func @sc_gather(%arg0: i32, %arg1: i32, %arg2: memref<49x128xf32, #tpu.memory_space<hbm>>, %arg3: memref<16384x35xi32, #tpu.memory_space<hbm>>, %arg4: memref<16384x1792xf32, #tpu.memory_space<hbm>>, %arg5: memref<49x128xf32, #tpu.memory_space<vmem_shared>>, %arg6: memref<512x35xi32, #tpu.memory_space<vmem>>, %arg7: memref<7168xi32, #tpu.memory_space<vmem>>, %arg8: memref<2x224x128xf32, #tpu.memory_space<vmem>>, %arg9: memref<!tpu.dma_semaphore, #tpu.memory_space<semaphore_mem>>, %arg10: memref<!tpu.dma_semaphore, #tpu.memory_space<semaphore_mem>>) attributes {dimension_semantics = [#tpu.dimension_semantics<core_parallel>, #tpu.dimension_semantics<subcore_parallel>], iteration_bounds = array<i64: 2, 16>, scalar_prefetch = 0 : i64, scratch_operands = 6 : i64, tpu.core_type = #tpu.core_type<sc_vector_subcore>, window_params = [{transform_indices = #map}, {transform_indices = #map}, {transform_indices = #map}]} {
    %mul3A = arith.constant 2 : i32
    %mul3A_0 = arith.muli %arg1, %mul3A : i32
    %add3A = arith.addi %mul3A_0, %arg0 : i32
    %mul3A_1 = arith.constant 512 : i32
    %mul3A_2 = arith.muli %add3A, %mul3A_1 : i32
    %eq3A = arith.constant 0 : i32
    %eq3A_3 = arith.cmpi eq, %arg1, %eq3A : i32
    %convert_element_type3A = arith.extui %eq3A_3 : i1 to i32
    %cond3A = arith.constant 0 : i32
    %cond3A_4 = arith.cmpi ne, %convert_element_type3A, %cond3A : i32
    scf.if %cond3A_4 {
      "tpu.region"() ({
        %run_scoped3A = tpu.sem_alloc : memref<!tpu.dma_semaphore, #tpu.memory_space<semaphore_mem>>
        tpu.enqueue_dma source(%arg2 : memref<49x128xf32, #tpu.memory_space<hbm>>) target(%arg5 : memref<49x128xf32, #tpu.memory_space<vmem_shared>>) target_semaphore(%run_scoped3A : memref<!tpu.dma_semaphore, #tpu.memory_space<semaphore_mem>>)
        tpu.wait_dma2 semaphore(%run_scoped3A : memref<!tpu.dma_semaphore, #tpu.memory_space<semaphore_mem>>) src(%arg2 : memref<49x128xf32, #tpu.memory_space<hbm>>) dst(%arg5 : memref<49x128xf32, #tpu.memory_space<vmem_shared>>)
        tpu.yield
      }) : () -> ()
    } else {
    }
    "tpu.region"() ({
      %run_scoped3A = tpu.sem_alloc : memref<!tpu.dma_semaphore, #tpu.memory_space<semaphore_mem>>
      %dma_start3A_1253 = arith.constant 0 : i32
      %dma_start3A_1254 = tpu.memref_slice %arg3[%mul3A_2, %dma_start3A_1253] : memref<16384x35xi32, #tpu.memory_space<hbm>> -> memref<512x35xi32, #tpu.memory_space<hbm>>
      %dma_start3A_1255 = arith.constant 0 : i32
      %dma_start3A_1256 = tpu.memref_slice %arg3[%mul3A_2, %dma_start3A_1255] : memref<16384x35xi32, #tpu.memory_space<hbm>> -> memref<512x35xi32, #tpu.memory_space<hbm>>
      tpu.enqueue_dma source(%dma_start3A_1256 : memref<512x35xi32, #tpu.memory_space<hbm>>) target(%arg6 : memref<512x35xi32, #tpu.memory_space<vmem>>) target_semaphore(%run_scoped3A : memref<!tpu.dma_semaphore, #tpu.memory_space<semaphore_mem>>)
      %dma_wait3A_1257 = arith.constant 0 : i32
      %dma_wait3A_1258 = tpu.memref_slice %arg3[%mul3A_2, %dma_wait3A_1257] : memref<16384x35xi32, #tpu.memory_space<hbm>> -> memref<512x35xi32, #tpu.memory_space<hbm>>
      %dma_wait3A_1259 = arith.constant 0 : i32
      %dma_wait3A_1260 = tpu.memref_slice %arg3[%mul3A_2, %dma_wait3A_1259] : memref<16384x35xi32, #tpu.memory_space<hbm>> -> memref<512x35xi32, #tpu.memory_space<hbm>>
      tpu.wait_dma2 semaphore(%run_scoped3A : memref<!tpu.dma_semaphore, #tpu.memory_space<semaphore_mem>>) src(%dma_wait3A_1260 : memref<512x35xi32, #tpu.memory_space<hbm>>) dst(%arg6 : memref<512x35xi32, #tpu.memory_space<vmem>>)
      tpu.yield
    }) : () -> ()
    %iota3A = tpu.iota {dimensions = array<i32: 0>} : vector<16xi32>
    %add3A_5 = arith.constant 0 : i32
    %add3A_6 = vector.broadcast %add3A_5 : i32 to vector<16xi32>
    %add3A_7 = arith.addi %add3A_6, %iota3A : vector<16xi32>
    %mul3A_8 = arith.constant 2341 : i32
    %mul3A_9 = vector.broadcast %mul3A_8 : i32 to vector<16xi32>
    %mul3A_10 = arith.muli %add3A_7, %mul3A_9 : vector<16xi32>
    %shift_right_arithmetic3A = arith.constant 15 : i32
    %shift_right_arithmetic3A_11 = vector.broadcast %shift_right_arithmetic3A : i32 to vector<16xi32>
    %shift_right_arithmetic3A_12 = arith.shrsi %mul3A_10, %shift_right_arithmetic3A_11 : vector<16xi32>
    %mul3A_13 = arith.constant 14 : i32
    %mul3A_14 = vector.broadcast %mul3A_13 : i32 to vector<16xi32>
    %mul3A_15 = arith.muli %mul3A_14, %shift_right_arithmetic3A_12 : vector<16xi32>
    %sub3A = arith.subi %add3A_7, %mul3A_15 : vector<16xi32>
    %shift_right_arithmetic3A_16 = arith.constant 1 : i32
    %shift_right_arithmetic3A_17 = vector.broadcast %shift_right_arithmetic3A_16 : i32 to vector<16xi32>
    %shift_right_arithmetic3A_18 = arith.shrsi %sub3A, %shift_right_arithmetic3A_17 : vector<16xi32>
    %mul3A_19 = arith.constant 5 : i32
    %mul3A_20 = vector.broadcast %mul3A_19 : i32 to vector<16xi32>
    %mul3A_21 = arith.muli %mul3A_20, %shift_right_arithmetic3A_18 : vector<16xi32>
    %add3A_22 = arith.constant 1 : i32
    %add3A_23 = vector.broadcast %add3A_22 : i32 to vector<16xi32>
    %add3A_24 = arith.addi %mul3A_21, %add3A_23 : vector<16xi32>
    %and3A = arith.constant 1 : i32
    %and3A_25 = vector.broadcast %and3A : i32 to vector<16xi32>
    %and3A_26 = arith.andi %sub3A, %and3A_25 : vector<16xi32>
    %mul3A_27 = arith.constant 2 : i32
    %mul3A_28 = vector.broadcast %mul3A_27 : i32 to vector<16xi32>
    %mul3A_29 = arith.muli %mul3A_28, %and3A_26 : vector<16xi32>
    %add3A_30 = arith.addi %add3A_24, %mul3A_29 : vector<16xi32>
    %add3A_31 = arith.constant 0 : i32
    %add3A_32 = vector.broadcast %add3A_31 : i32 to vector<16xi32>
    %add3A_33 = arith.addi %add3A_32, %shift_right_arithmetic3A_12 : vector<16xi32>
    %gather3A = tpu.vector_load_idx %arg6[%add3A_33, %add3A_30] : memref<512x35xi32, #tpu.memory_space<vmem>>[vector<16xi32>, vector<16xi32>], vector<16xi32>,
    %add3A_34 = arith.constant 1 : i32
    %add3A_35 = vector.broadcast %add3A_34 : i32 to vector<16xi32>
    %add3A_36 = arith.addi %add3A_30, %add3A_35 : vector<16xi32>
    %gather3A_37 = tpu.vector_load_idx %arg6[%add3A_33, %add3A_36] : memref<512x35xi32, #tpu.memory_space<vmem>>[vector<16xi32>, vector<16xi32>], vector<16xi32>,
    %mul3A_38 = arith.constant 7 : i32
    %mul3A_39 = vector.broadcast %mul3A_38 : i32 to vector<16xi32>
    %mul3A_40 = arith.muli %gather3A, %mul3A_39 : vector<16xi32>
    %add3A_41 = arith.addi %mul3A_40, %gather3A_37 : vector<16xi32>
    %swap3A = arith.constant 0 : index
    %swap3A_42 = tpu.vector_load %arg7[%swap3A] {strides = array<i32>} : memref<7168xi32, #tpu.memory_space<vmem>>, vector<16xi32>,
    tpu.vector_store %arg7[%swap3A], %add3A_41 {strides = array<i32>} : memref<7168xi32, #tpu.memory_space<vmem>>, vector<16xi32>,
    %add3A_43 = arith.constant 16 : i32
    %add3A_44 = vector.broadcast %add3A_43 : i32 to vector<16xi32>
    %add3A_45 = arith.addi %add3A_44, %iota3A : vector<16xi32>
    %mul3A_46 = arith.constant 2341 : i32
    %mul3A_47 = vector.broadcast %mul3A_46 : i32 to vector<16xi32>
    %mul3A_48 = arith.muli %add3A_45, %mul3A_47 : vector<16xi32>
    %shift_right_arithmetic3A_49 = arith.constant 15 : i32
    %shift_right_arithmetic3A_50 = vector.broadcast %shift_right_arithmetic3A_49 : i32 to vector<16xi32>
    %shift_right_arithmetic3A_51 = arith.shrsi %mul3A_48, %shift_right_arithmetic3A_50 : vector<16xi32>
    %mul3A_52 = arith.constant 14 : i32
    %mul3A_53 = vector.broadcast %mul3A_52 : i32 to vector<16xi32>
    %mul3A_54 = arith.muli %mul3A_53, %shift_right_arithmetic3A_51 : vector<16xi32>
    %sub3A_55 = arith.subi %add3A_45, %mul3A_54 : vector<16xi32>
    %shift_right_arithmetic3A_56 = arith.constant 1 : i32
    %shift_right_arithmetic3A_57 = vector.broadcast %shift_right_arithmetic3A_56 : i32 to vector<16xi32>
    %shift_right_arithmetic3A_58 = arith.shrsi %sub3A_55, %shift_right_arithmetic3A_57 : vector<16xi32>
    %mul3A_59 = arith.constant 5 : i32
    %mul3A_60 = vector.broadcast %mul3A_59 : i32 to vector<16xi32>
    %mul3A_61 = arith.muli %mul3A_60, %shift_right_arithmetic3A_58 : vector<16xi32>
    %add3A_62 = arith.constant 1 : i32
    %add3A_63 = vector.broadcast %add3A_62 : i32 to vector<16xi32>
    %add3A_64 = arith.addi %mul3A_61, %add3A_63 : vector<16xi32>
    %and3A_65 = arith.constant 1 : i32
    %and3A_66 = vector.broadcast %and3A_65 : i32 to vector<16xi32>
    %and3A_67 = arith.andi %sub3A_55, %and3A_66 : vector<16xi32>
    %mul3A_68 = arith.constant 2 : i32
    %mul3A_69 = vector.broadcast %mul3A_68 : i32 to vector<16xi32>
    %mul3A_70 = arith.muli %mul3A_69, %and3A_67 : vector<16xi32>
    %add3A_71 = arith.addi %add3A_64, %mul3A_70 : vector<16xi32>
    %add3A_72 = arith.constant 0 : i32
    %add3A_73 = vector.broadcast %add3A_72 : i32 to vector<16xi32>
    %add3A_74 = arith.addi %add3A_73, %shift_right_arithmetic3A_51 : vector<16xi32>
    %gather3A_75 = tpu.vector_load_idx %arg6[%add3A_74, %add3A_71] : memref<512x35xi32, #tpu.memory_space<vmem>>[vector<16xi32>, vector<16xi32>], vector<16xi32>,
    %add3A_76 = arith.constant 1 : i32
    %add3A_77 = vector.broadcast %add3A_76 : i32 to vector<16xi32>
    %add3A_78 = arith.addi %add3A_71, %add3A_77 : vector<16xi32>
    %gather3A_79 = tpu.vector_load_idx %arg6[%add3A_74, %add3A_78] : memref<512x35xi32, #tpu.memory_space<vmem>>[vector<16xi32>, vector<16xi32>], vector<16xi32>,
    %mul3A_80 = arith.constant 7 : i32
    %mul3A_81 = vector.broadcast %mul3A_80 : i32 to vector<16xi32>
    %mul3A_82 = arith.muli %gather3A_75, %mul3A_81 : vector<16xi32>
    %add3A_83 = arith.addi %mul3A_82, %gather3A_79 : vector<16xi32>
    %swap3A_84 = arith.constant 16 : index
    %swap3A_85 = tpu.vector_load %arg7[%swap3A_84] {strides = array<i32>} : memref<7168xi32, #tpu.memory_space<vmem>>, vector<16xi32>,
    tpu.vector_store %arg7[%swap3A_84], %add3A_83 {strides = array<i32>} : memref<7168xi32, #tpu.memory_space<vmem>>, vector<16xi32>,
    %add3A_86 = arith.constant 32 : i32
    %add3A_87 = vector.broadcast %add3A_86 : i32 to vector<16xi32>
    %add3A_88 = arith.addi %add3A_87, %iota3A : vector<16xi32>
    %mul3A_89 = arith.constant 2341 : i32
    %mul3A_90 = vector.broadcast %mul3A_89 : i32 to vector<16xi32>
    %mul3A_91 = arith.muli %add3A_88, %mul3A_90 : vector<16xi32>
    %shift_right_arithmetic3A_92 = arith.constant 15 : i32
    %shift_right_arithmetic3A_93 = vector.broadcast %shift_right_arithmetic3A_92 : i32 to vector<16xi32>
    %shift_right_arithmetic3A_94 = arith.shrsi %mul3A_91, %shift_right_arithmetic3A_93 : vector<16xi32>
    %mul3A_95 = arith.constant 14 : i32
    %mul3A_96 = vector.broadcast %mul3A_95 : i32 to vector<16xi32>
    %mul3A_97 = arith.muli %mul3A_96, %shift_right_arithmetic3A_94 : vector<16xi32>
    %sub3A_98 = arith.subi %add3A_88, %mul3A_97 : vector<16xi32>
    %shift_right_arithmetic3A_99 = arith.constant 1 : i32
    %shift_right_arithmetic3A_100 = vector.broadcast %shift_right_arithmetic3A_99 : i32 to vector<16xi32>
    %shift_right_arithmetic3A_101 = arith.shrsi %sub3A_98, %shift_right_arithmetic3A_100 : vector<16xi32>
    %mul3A_102 = arith.constant 5 : i32
    %mul3A_103 = vector.broadcast %mul3A_102 : i32 to vector<16xi32>
    %mul3A_104 = arith.muli %mul3A_103, %shift_right_arithmetic3A_101 : vector<16xi32>
    %add3A_105 = arith.constant 1 : i32
    %add3A_106 = vector.broadcast %add3A_105 : i32 to vector<16xi32>
    %add3A_107 = arith.addi %mul3A_104, %add3A_106 : vector<16xi32>
    %and3A_108 = arith.constant 1 : i32
    %and3A_109 = vector.broadcast %and3A_108 : i32 to vector<16xi32>
    %and3A_110 = arith.andi %sub3A_98, %and3A_109 : vector<16xi32>
    %mul3A_111 = arith.constant 2 : i32
    %mul3A_112 = vector.broadcast %mul3A_111 : i32 to vector<16xi32>
    %mul3A_113 = arith.muli %mul3A_112, %and3A_110 : vector<16xi32>
    %add3A_114 = arith.addi %add3A_107, %mul3A_113 : vector<16xi32>
    %add3A_115 = arith.constant 0 : i32
    %add3A_116 = vector.broadcast %add3A_115 : i32 to vector<16xi32>
    %add3A_117 = arith.addi %add3A_116, %shift_right_arithmetic3A_94 : vector<16xi32>
    %gather3A_118 = tpu.vector_load_idx %arg6[%add3A_117, %add3A_114] : memref<512x35xi32, #tpu.memory_space<vmem>>[vector<16xi32>, vector<16xi32>], vector<16xi32>,
    %add3A_119 = arith.constant 1 : i32
    %add3A_120 = vector.broadcast %add3A_119 : i32 to vector<16xi32>
    %add3A_121 = arith.addi %add3A_114, %add3A_120 : vector<16xi32>
    %gather3A_122 = tpu.vector_load_idx %arg6[%add3A_117, %add3A_121] : memref<512x35xi32, #tpu.memory_space<vmem>>[vector<16xi32>, vector<16xi32>], vector<16xi32>,
    %mul3A_123 = arith.constant 7 : i32
    %mul3A_124 = vector.broadcast %mul3A_123 : i32 to vector<16xi32>
    %mul3A_125 = arith.muli %gather3A_118, %mul3A_124 : vector<16xi32>
    %add3A_126 = arith.addi %mul3A_125, %gather3A_122 : vector<16xi32>
    %swap3A_127 = arith.constant 32 : index
    %swap3A_128 = tpu.vector_load %arg7[%swap3A_127] {strides = array<i32>} : memref<7168xi32, #tpu.memory_space<vmem>>, vector<16xi32>,
    tpu.vector_store %arg7[%swap3A_127], %add3A_126 {strides = array<i32>} : memref<7168xi32, #tpu.memory_space<vmem>>, vector<16xi32>,
    %add3A_129 = arith.constant 48 : i32
    %add3A_130 = vector.broadcast %add3A_129 : i32 to vector<16xi32>
    %add3A_131 = arith.addi %add3A_130, %iota3A : vector<16xi32>
    %mul3A_132 = arith.constant 2341 : i32
    %mul3A_133 = vector.broadcast %mul3A_132 : i32 to vector<16xi32>
    %mul3A_134 = arith.muli %add3A_131, %mul3A_133 : vector<16xi32>
    %shift_right_arithmetic3A_135 = arith.constant 15 : i32
    %shift_right_arithmetic3A_136 = vector.broadcast %shift_right_arithmetic3A_135 : i32 to vector<16xi32>
    %shift_right_arithmetic3A_137 = arith.shrsi %mul3A_134, %shift_right_arithmetic3A_136 : vector<16xi32>
    %mul3A_138 = arith.constant 14 : i32
    %mul3A_139 = vector.broadcast %mul3A_138 : i32 to vector<16xi32>
    %mul3A_140 = arith.muli %mul3A_139, %shift_right_arithmetic3A_137 : vector<16xi32>
    %sub3A_141 = arith.subi %add3A_131, %mul3A_140 : vector<16xi32>
    %shift_right_arithmetic3A_142 = arith.constant 1 : i32
    %shift_right_arithmetic3A_143 = vector.broadcast %shift_right_arithmetic3A_142 : i32 to vector<16xi32>
    %shift_right_arithmetic3A_144 = arith.shrsi %sub3A_141, %shift_right_arithmetic3A_143 : vector<16xi32>
    %mul3A_145 = arith.constant 5 : i32
    %mul3A_146 = vector.broadcast %mul3A_145 : i32 to vector<16xi32>
    %mul3A_147 = arith.muli %mul3A_146, %shift_right_arithmetic3A_144 : vector<16xi32>
    %add3A_148 = arith.constant 1 : i32
    %add3A_149 = vector.broadcast %add3A_148 : i32 to vector<16xi32>
    %add3A_150 = arith.addi %mul3A_147, %add3A_149 : vector<16xi32>
    %and3A_151 = arith.constant 1 : i32
    %and3A_152 = vector.broadcast %and3A_151 : i32 to vector<16xi32>
    %and3A_153 = arith.andi %sub3A_141, %and3A_152 : vector<16xi32>
    %mul3A_154 = arith.constant 2 : i32
    %mul3A_155 = vector.broadcast %mul3A_154 : i32 to vector<16xi32>
    %mul3A_156 = arith.muli %mul3A_155, %and3A_153 : vector<16xi32>
    %add3A_157 = arith.addi %add3A_150, %mul3A_156 : vector<16xi32>
    %add3A_158 = arith.constant 0 : i32
    %add3A_159 = vector.broadcast %add3A_158 : i32 to vector<16xi32>
    %add3A_160 = arith.addi %add3A_159, %shift_right_arithmetic3A_137 : vector<16xi32>
    %gather3A_161 = tpu.vector_load_idx %arg6[%add3A_160, %add3A_157] : memref<512x35xi32, #tpu.memory_space<vmem>>[vector<16xi32>, vector<16xi32>], vector<16xi32>,
    %add3A_162 = arith.constant 1 : i32
    %add3A_163 = vector.broadcast %add3A_162 : i32 to vector<16xi32>
    %add3A_164 = arith.addi %add3A_157, %add3A_163 : vector<16xi32>
    %gather3A_165 = tpu.vector_load_idx %arg6[%add3A_160, %add3A_164] : memref<512x35xi32, #tpu.memory_space<vmem>>[vector<16xi32>, vector<16xi32>], vector<16xi32>,
    %mul3A_166 = arith.constant 7 : i32
    %mul3A_167 = vector.broadcast %mul3A_166 : i32 to vector<16xi32>
    %mul3A_168 = arith.muli %gather3A_161, %mul3A_167 : vector<16xi32>
    %add3A_169 = arith.addi %mul3A_168, %gather3A_165 : vector<16xi32>
    %swap3A_170 = arith.constant 48 : index
    %swap3A_171 = tpu.vector_load %arg7[%swap3A_170] {strides = array<i32>} : memref<7168xi32, #tpu.memory_space<vmem>>, vector<16xi32>,
    tpu.vector_store %arg7[%swap3A_170], %add3A_169 {strides = array<i32>} : memref<7168xi32, #tpu.memory_space<vmem>>, vector<16xi32>,
    %add3A_172 = arith.constant 64 : i32
    %add3A_173 = vector.broadcast %add3A_172 : i32 to vector<16xi32>
    %add3A_174 = arith.addi %add3A_173, %iota3A : vector<16xi32>
    %mul3A_175 = arith.constant 2341 : i32
    %mul3A_176 = vector.broadcast %mul3A_175 : i32 to vector<16xi32>
    %mul3A_177 = arith.muli %add3A_174, %mul3A_176 : vector<16xi32>
    %shift_right_arithmetic3A_178 = arith.constant 15 : i32
    %shift_right_arithmetic3A_179 = vector.broadcast %shift_right_arithmetic3A_178 : i32 to vector<16xi32>
    %shift_right_arithmetic3A_180 = arith.shrsi %mul3A_177, %shift_right_arithmetic3A_179 : vector<16xi32>
    %mul3A_181 = arith.constant 14 : i32
    %mul3A_182 = vector.broadcast %mul3A_181 : i32 to vector<16xi32>
    %mul3A_183 = arith.muli %mul3A_182, %shift_right_arithmetic3A_180 : vector<16xi32>
    %sub3A_184 = arith.subi %add3A_174, %mul3A_183 : vector<16xi32>
    %shift_right_arithmetic3A_185 = arith.constant 1 : i32
    %shift_right_arithmetic3A_186 = vector.broadcast %shift_right_arithmetic3A_185 : i32 to vector<16xi32>
    %shift_right_arithmetic3A_187 = arith.shrsi %sub3A_184, %shift_right_arithmetic3A_186 : vector<16xi32>
    %mul3A_188 = arith.constant 5 : i32
    %mul3A_189 = vector.broadcast %mul3A_188 : i32 to vector<16xi32>
    %mul3A_190 = arith.muli %mul3A_189, %shift_right_arithmetic3A_187 : vector<16xi32>
    %add3A_191 = arith.constant 1 : i32
    %add3A_192 = vector.broadcast %add3A_191 : i32 to vector<16xi32>
    %add3A_193 = arith.addi %mul3A_190, %add3A_192 : vector<16xi32>
    %and3A_194 = arith.constant 1 : i32
    %and3A_195 = vector.broadcast %and3A_194 : i32 to vector<16xi32>
    %and3A_196 = arith.andi %sub3A_184, %and3A_195 : vector<16xi32>
    %mul3A_197 = arith.constant 2 : i32
    %mul3A_198 = vector.broadcast %mul3A_197 : i32 to vector<16xi32>
    %mul3A_199 = arith.muli %mul3A_198, %and3A_196 : vector<16xi32>
    %add3A_200 = arith.addi %add3A_193, %mul3A_199 : vector<16xi32>
    %add3A_201 = arith.constant 0 : i32
    %add3A_202 = vector.broadcast %add3A_201 : i32 to vector<16xi32>
    %add3A_203 = arith.addi %add3A_202, %shift_right_arithmetic3A_180 : vector<16xi32>
    %gather3A_204 = tpu.vector_load_idx %arg6[%add3A_203, %add3A_200] : memref<512x35xi32, #tpu.memory_space<vmem>>[vector<16xi32>, vector<16xi32>], vector<16xi32>,
    %add3A_205 = arith.constant 1 : i32
    %add3A_206 = vector.broadcast %add3A_205 : i32 to vector<16xi32>
    %add3A_207 = arith.addi %add3A_200, %add3A_206 : vector<16xi32>
    %gather3A_208 = tpu.vector_load_idx %arg6[%add3A_203, %add3A_207] : memref<512x35xi32, #tpu.memory_space<vmem>>[vector<16xi32>, vector<16xi32>], vector<16xi32>,
    %mul3A_209 = arith.constant 7 : i32
    %mul3A_210 = vector.broadcast %mul3A_209 : i32 to vector<16xi32>
    %mul3A_211 = arith.muli %gather3A_204, %mul3A_210 : vector<16xi32>
    %add3A_212 = arith.addi %mul3A_211, %gather3A_208 : vector<16xi32>
    %swap3A_213 = arith.constant 64 : index
    %swap3A_214 = tpu.vector_load %arg7[%swap3A_213] {strides = array<i32>} : memref<7168xi32, #tpu.memory_space<vmem>>, vector<16xi32>,
    tpu.vector_store %arg7[%swap3A_213], %add3A_212 {strides = array<i32>} : memref<7168xi32, #tpu.memory_space<vmem>>, vector<16xi32>,
    %add3A_215 = arith.constant 80 : i32
    %add3A_216 = vector.broadcast %add3A_215 : i32 to vector<16xi32>
    %add3A_217 = arith.addi %add3A_216, %iota3A : vector<16xi32>
    %mul3A_218 = arith.constant 2341 : i32
    %mul3A_219 = vector.broadcast %mul3A_218 : i32 to vector<16xi32>
    %mul3A_220 = arith.muli %add3A_217, %mul3A_219 : vector<16xi32>
    %shift_right_arithmetic3A_221 = arith.constant 15 : i32
    %shift_right_arithmetic3A_222 = vector.broadcast %shift_right_arithmetic3A_221 : i32 to vector<16xi32>
    %shift_right_arithmetic3A_223 = arith.shrsi %mul3A_220, %shift_right_arithmetic3A_222 : vector<16xi32>
    %mul3A_224 = arith.constant 14 : i32
    %mul3A_225 = vector.broadcast %mul3A_224 : i32 to vector<16xi32>
    %mul3A_226 = arith.muli %mul3A_225, %shift_right_arithmetic3A_223 : vector<16xi32>
    %sub3A_227 = arith.subi %add3A_217, %mul3A_226 : vector<16xi32>
    %shift_right_arithmetic3A_228 = arith.constant 1 : i32
    %shift_right_arithmetic3A_229 = vector.broadcast %shift_right_arithmetic3A_228 : i32 to vector<16xi32>
    %shift_right_arithmetic3A_230 = arith.shrsi %sub3A_227, %shift_right_arithmetic3A_229 : vector<16xi32>
    %mul3A_231 = arith.constant 5 : i32
    %mul3A_232 = vector.broadcast %mul3A_231 : i32 to vector<16xi32>
    %mul3A_233 = arith.muli %mul3A_232, %shift_right_arithmetic3A_230 : vector<16xi32>
    %add3A_234 = arith.constant 1 : i32
    %add3A_235 = vector.broadcast %add3A_234 : i32 to vector<16xi32>
    %add3A_236 = arith.addi %mul3A_233, %add3A_235 : vector<16xi32>
    %and3A_237 = arith.constant 1 : i32
    %and3A_238 = vector.broadcast %and3A_237 : i32 to vector<16xi32>
    %and3A_239 = arith.andi %sub3A_227, %and3A_238 : vector<16xi32>
    %mul3A_240 = arith.constant 2 : i32
    %mul3A_241 = vector.broadcast %mul3A_240 : i32 to vector<16xi32>
    %mul3A_242 = arith.muli %mul3A_241, %and3A_239 : vector<16xi32>
    %add3A_243 = arith.addi %add3A_236, %mul3A_242 : vector<16xi32>
    %add3A_244 = arith.constant 0 : i32
    %add3A_245 = vector.broadcast %add3A_244 : i32 to vector<16xi32>
    %add3A_246 = arith.addi %add3A_245, %shift_right_arithmetic3A_223 : vector<16xi32>
    %gather3A_247 = tpu.vector_load_idx %arg6[%add3A_246, %add3A_243] : memref<512x35xi32, #tpu.memory_space<vmem>>[vector<16xi32>, vector<16xi32>], vector<16xi32>,
    %add3A_248 = arith.constant 1 : i32
    %add3A_249 = vector.broadcast %add3A_248 : i32 to vector<16xi32>
    %add3A_250 = arith.addi %add3A_243, %add3A_249 : vector<16xi32>
    %gather3A_251 = tpu.vector_load_idx %arg6[%add3A_246, %add3A_250] : memref<512x35xi32, #tpu.memory_space<vmem>>[vector<16xi32>, vector<16xi32>], vector<16xi32>,
    %mul3A_252 = arith.constant 7 : i32
    %mul3A_253 = vector.broadcast %mul3A_252 : i32 to vector<16xi32>
    %mul3A_254 = arith.muli %gather3A_247, %mul3A_253 : vector<16xi32>
    %add3A_255 = arith.addi %mul3A_254, %gather3A_251 : vector<16xi32>
    %swap3A_256 = arith.constant 80 : index
    %swap3A_257 = tpu.vector_load %arg7[%swap3A_256] {strides = array<i32>} : memref<7168xi32, #tpu.memory_space<vmem>>, vector<16xi32>,
    tpu.vector_store %arg7[%swap3A_256], %add3A_255 {strides = array<i32>} : memref<7168xi32, #tpu.memory_space<vmem>>, vector<16xi32>,
    %add3A_258 = arith.constant 96 : i32
    %add3A_259 = vector.broadcast %add3A_258 : i32 to vector<16xi32>
    %add3A_260 = arith.addi %add3A_259, %iota3A : vector<16xi32>
    %mul3A_261 = arith.constant 2341 : i32
    %mul3A_262 = vector.broadcast %mul3A_261 : i32 to vector<16xi32>
    %mul3A_263 = arith.muli %add3A_260, %mul3A_262 : vector<16xi32>
    %shift_right_arithmetic3A_264 = arith.constant 15 : i32
    %shift_right_arithmetic3A_265 = vector.broadcast %shift_right_arithmetic3A_264 : i32 to vector<16xi32>
    %shift_right_arithmetic3A_266 = arith.shrsi %mul3A_263, %shift_right_arithmetic3A_265 : vector<16xi32>
    %mul3A_267 = arith.constant 14 : i32
    %mul3A_268 = vector.broadcast %mul3A_267 : i32 to vector<16xi32>
    %mul3A_269 = arith.muli %mul3A_268, %shift_right_arithmetic3A_266 : vector<16xi32>
    %sub3A_270 = arith.subi %add3A_260, %mul3A_269 : vector<16xi32>
    %shift_right_arithmetic3A_271 = arith.constant 1 : i32
    %shift_right_arithmetic3A_272 = vector.broadcast %shift_right_arithmetic3A_271 : i32 to vector<16xi32>
    %shift_right_arithmetic3A_273 = arith.shrsi %sub3A_270, %shift_right_arithmetic3A_272 : vector<16xi32>
    %mul3A_274 = arith.constant 5 : i32
    %mul3A_275 = vector.broadcast %mul3A_274 : i32 to vector<16xi32>
    %mul3A_276 = arith.muli %mul3A_275, %shift_right_arithmetic3A_273 : vector<16xi32>
    %add3A_277 = arith.constant 1 : i32
    %add3A_278 = vector.broadcast %add3A_277 : i32 to vector<16xi32>
    %add3A_279 = arith.addi %mul3A_276, %add3A_278 : vector<16xi32>
    %and3A_280 = arith.constant 1 : i32
    %and3A_281 = vector.broadcast %and3A_280 : i32 to vector<16xi32>
    %and3A_282 = arith.andi %sub3A_270, %and3A_281 : vector<16xi32>
    %mul3A_283 = arith.constant 2 : i32
    %mul3A_284 = vector.broadcast %mul3A_283 : i32 to vector<16xi32>
    %mul3A_285 = arith.muli %mul3A_284, %and3A_282 : vector<16xi32>
    %add3A_286 = arith.addi %add3A_279, %mul3A_285 : vector<16xi32>
    %add3A_287 = arith.constant 0 : i32
    %add3A_288 = vector.broadcast %add3A_287 : i32 to vector<16xi32>
    %add3A_289 = arith.addi %add3A_288, %shift_right_arithmetic3A_266 : vector<16xi32>
    %gather3A_290 = tpu.vector_load_idx %arg6[%add3A_289, %add3A_286] : memref<512x35xi32, #tpu.memory_space<vmem>>[vector<16xi32>, vector<16xi32>], vector<16xi32>,
    %add3A_291 = arith.constant 1 : i32
    %add3A_292 = vector.broadcast %add3A_291 : i32 to vector<16xi32>
    %add3A_293 = arith.addi %add3A_286, %add3A_292 : vector<16xi32>
    %gather3A_294 = tpu.vector_load_idx %arg6[%add3A_289, %add3A_293] : memref<512x35xi32, #tpu.memory_space<vmem>>[vector<16xi32>, vector<16xi32>], vector<16xi32>,
    %mul3A_295 = arith.constant 7 : i32
    %mul3A_296 = vector.broadcast %mul3A_295 : i32 to vector<16xi32>
    %mul3A_297 = arith.muli %gather3A_290, %mul3A_296 : vector<16xi32>
    %add3A_298 = arith.addi %mul3A_297, %gather3A_294 : vector<16xi32>
    %swap3A_299 = arith.constant 96 : index
    %swap3A_300 = tpu.vector_load %arg7[%swap3A_299] {strides = array<i32>} : memref<7168xi32, #tpu.memory_space<vmem>>, vector<16xi32>,
    tpu.vector_store %arg7[%swap3A_299], %add3A_298 {strides = array<i32>} : memref<7168xi32, #tpu.memory_space<vmem>>, vector<16xi32>,
    %iota3A_301 = tpu.iota {dimensions = array<i32: 0>} : vector<16xi32>
    %add3A_302 = arith.constant 0 : i32
    %add3A_303 = vector.broadcast %add3A_302 : i32 to vector<16xi32>
    %add3A_304 = arith.addi %add3A_303, %iota3A_301 : vector<16xi32>
    %mul3A_305 = arith.constant 2341 : i32
    %mul3A_306 = vector.broadcast %mul3A_305 : i32 to vector<16xi32>
    %mul3A_307 = arith.muli %add3A_304, %mul3A_306 : vector<16xi32>
    %shift_right_arithmetic3A_308 = arith.constant 15 : i32
    %shift_right_arithmetic3A_309 = vector.broadcast %shift_right_arithmetic3A_308 : i32 to vector<16xi32>
    %shift_right_arithmetic3A_310 = arith.shrsi %mul3A_307, %shift_right_arithmetic3A_309 : vector<16xi32>
    %mul3A_311 = arith.constant 14 : i32
    %mul3A_312 = vector.broadcast %mul3A_311 : i32 to vector<16xi32>
    %mul3A_313 = arith.muli %mul3A_312, %shift_right_arithmetic3A_310 : vector<16xi32>
    %sub3A_314 = arith.subi %add3A_304, %mul3A_313 : vector<16xi32>
    %shift_right_arithmetic3A_315 = arith.constant 1 : i32
    %shift_right_arithmetic3A_316 = vector.broadcast %shift_right_arithmetic3A_315 : i32 to vector<16xi32>
    %shift_right_arithmetic3A_317 = arith.shrsi %sub3A_314, %shift_right_arithmetic3A_316 : vector<16xi32>
    %mul3A_318 = arith.constant 5 : i32
    %mul3A_319 = vector.broadcast %mul3A_318 : i32 to vector<16xi32>
    %mul3A_320 = arith.muli %mul3A_319, %shift_right_arithmetic3A_317 : vector<16xi32>
    %add3A_321 = arith.constant 1 : i32
    %add3A_322 = vector.broadcast %add3A_321 : i32 to vector<16xi32>
    %add3A_323 = arith.addi %mul3A_320, %add3A_322 : vector<16xi32>
    %and3A_324 = arith.constant 1 : i32
    %and3A_325 = vector.broadcast %and3A_324 : i32 to vector<16xi32>
    %and3A_326 = arith.andi %sub3A_314, %and3A_325 : vector<16xi32>
    %mul3A_327 = arith.constant 2 : i32
    %mul3A_328 = vector.broadcast %mul3A_327 : i32 to vector<16xi32>
    %mul3A_329 = arith.muli %mul3A_328, %and3A_326 : vector<16xi32>
    %add3A_330 = arith.addi %add3A_323, %mul3A_329 : vector<16xi32>
    %add3A_331 = arith.constant 8 : i32
    %add3A_332 = vector.broadcast %add3A_331 : i32 to vector<16xi32>
    %add3A_333 = arith.addi %add3A_332, %shift_right_arithmetic3A_310 : vector<16xi32>
    %gather3A_334 = tpu.vector_load_idx %arg6[%add3A_333, %add3A_330] : memref<512x35xi32, #tpu.memory_space<vmem>>[vector<16xi32>, vector<16xi32>], vector<16xi32>,
    %add3A_335 = arith.constant 1 : i32
    %add3A_336 = vector.broadcast %add3A_335 : i32 to vector<16xi32>
    %add3A_337 = arith.addi %add3A_330, %add3A_336 : vector<16xi32>
    %gather3A_338 = tpu.vector_load_idx %arg6[%add3A_333, %add3A_337] : memref<512x35xi32, #tpu.memory_space<vmem>>[vector<16xi32>, vector<16xi32>], vector<16xi32>,
    %mul3A_339 = arith.constant 7 : i32
    %mul3A_340 = vector.broadcast %mul3A_339 : i32 to vector<16xi32>
    %mul3A_341 = arith.muli %gather3A_334, %mul3A_340 : vector<16xi32>
    %add3A_342 = arith.addi %mul3A_341, %gather3A_338 : vector<16xi32>
    %swap3A_343 = arith.constant 112 : index
    %swap3A_344 = tpu.vector_load %arg7[%swap3A_343] {strides = array<i32>} : memref<7168xi32, #tpu.memory_space<vmem>>, vector<16xi32>,
    tpu.vector_store %arg7[%swap3A_343], %add3A_342 {strides = array<i32>} : memref<7168xi32, #tpu.memory_space<vmem>>, vector<16xi32>,
    %add3A_345 = arith.constant 16 : i32
    %add3A_346 = vector.broadcast %add3A_345 : i32 to vector<16xi32>
    %add3A_347 = arith.addi %add3A_346, %iota3A_301 : vector<16xi32>
    %mul3A_348 = arith.constant 2341 : i32
    %mul3A_349 = vector.broadcast %mul3A_348 : i32 to vector<16xi32>
    %mul3A_350 = arith.muli %add3A_347, %mul3A_349 : vector<16xi32>
    %shift_right_arithmetic3A_351 = arith.constant 15 : i32
    %shift_right_arithmetic3A_352 = vector.broadcast %shift_right_arithmetic3A_351 : i32 to vector<16xi32>
    %shift_right_arithmetic3A_353 = arith.shrsi %mul3A_350, %shift_right_arithmetic3A_352 : vector<16xi32>
    %mul3A_354 = arith.constant 14 : i32
    %mul3A_355 = vector.broadcast %mul3A_354 : i32 to vector<16xi32>
    %mul3A_356 = arith.muli %mul3A_355, %shift_right_arithmetic3A_353 : vector<16xi32>
    %sub3A_357 = arith.subi %add3A_347, %mul3A_356 : vector<16xi32>
    %shift_right_arithmetic3A_358 = arith.constant 1 : i32
    %shift_right_arithmetic3A_359 = vector.broadcast %shift_right_arithmetic3A_358 : i32 to vector<16xi32>
    %shift_right_arithmetic3A_360 = arith.shrsi %sub3A_357, %shift_right_arithmetic3A_359 : vector<16xi32>
    %mul3A_361 = arith.constant 5 : i32
    %mul3A_362 = vector.broadcast %mul3A_361 : i32 to vector<16xi32>
    %mul3A_363 = arith.muli %mul3A_362, %shift_right_arithmetic3A_360 : vector<16xi32>
    %add3A_364 = arith.constant 1 : i32
    %add3A_365 = vector.broadcast %add3A_364 : i32 to vector<16xi32>
    %add3A_366 = arith.addi %mul3A_363, %add3A_365 : vector<16xi32>
    %and3A_367 = arith.constant 1 : i32
    %and3A_368 = vector.broadcast %and3A_367 : i32 to vector<16xi32>
    %and3A_369 = arith.andi %sub3A_357, %and3A_368 : vector<16xi32>
    %mul3A_370 = arith.constant 2 : i32
    %mul3A_371 = vector.broadcast %mul3A_370 : i32 to vector<16xi32>
    %mul3A_372 = arith.muli %mul3A_371, %and3A_369 : vector<16xi32>
    %add3A_373 = arith.addi %add3A_366, %mul3A_372 : vector<16xi32>
    %add3A_374 = arith.constant 8 : i32
    %add3A_375 = vector.broadcast %add3A_374 : i32 to vector<16xi32>
    %add3A_376 = arith.addi %add3A_375, %shift_right_arithmetic3A_353 : vector<16xi32>
    %gather3A_377 = tpu.vector_load_idx %arg6[%add3A_376, %add3A_373] : memref<512x35xi32, #tpu.memory_space<vmem>>[vector<16xi32>, vector<16xi32>], vector<16xi32>,
    %add3A_378 = arith.constant 1 : i32
    %add3A_379 = vector.broadcast %add3A_378 : i32 to vector<16xi32>
    %add3A_380 = arith.addi %add3A_373, %add3A_379 : vector<16xi32>
    %gather3A_381 = tpu.vector_load_idx %arg6[%add3A_376, %add3A_380] : memref<512x35xi32, #tpu.memory_space<vmem>>[vector<16xi32>, vector<16xi32>], vector<16xi32>,
    %mul3A_382 = arith.constant 7 : i32
    %mul3A_383 = vector.broadcast %mul3A_382 : i32 to vector<16xi32>
    %mul3A_384 = arith.muli %gather3A_377, %mul3A_383 : vector<16xi32>
    %add3A_385 = arith.addi %mul3A_384, %gather3A_381 : vector<16xi32>
    %swap3A_386 = arith.constant 128 : index
    %swap3A_387 = tpu.vector_load %arg7[%swap3A_386] {strides = array<i32>} : memref<7168xi32, #tpu.memory_space<vmem>>, vector<16xi32>,
    tpu.vector_store %arg7[%swap3A_386], %add3A_385 {strides = array<i32>} : memref<7168xi32, #tpu.memory_space<vmem>>, vector<16xi32>,
    %add3A_388 = arith.constant 32 : i32
    %add3A_389 = vector.broadcast %add3A_388 : i32 to vector<16xi32>
    %add3A_390 = arith.addi %add3A_389, %iota3A_301 : vector<16xi32>
    %mul3A_391 = arith.constant 2341 : i32
    %mul3A_392 = vector.broadcast %mul3A_391 : i32 to vector<16xi32>
    %mul3A_393 = arith.muli %add3A_390, %mul3A_392 : vector<16xi32>
    %shift_right_arithmetic3A_394 = arith.constant 15 : i32
    %shift_right_arithmetic3A_395 = vector.broadcast %shift_right_arithmetic3A_394 : i32 to vector<16xi32>
    %shift_right_arithmetic3A_396 = arith.shrsi %mul3A_393, %shift_right_arithmetic3A_395 : vector<16xi32>
    %mul3A_397 = arith.constant 14 : i32
    %mul3A_398 = vector.broadcast %mul3A_397 : i32 to vector<16xi32>
    %mul3A_399 = arith.muli %mul3A_398, %shift_right_arithmetic3A_396 : vector<16xi32>
    %sub3A_400 = arith.subi %add3A_390, %mul3A_399 : vector<16xi32>
    %shift_right_arithmetic3A_401 = arith.constant 1 : i32
    %shift_right_arithmetic3A_402 = vector.broadcast %shift_right_arithmetic3A_401 : i32 to vector<16xi32>
    %shift_right_arithmetic3A_403 = arith.shrsi %sub3A_400, %shift_right_arithmetic3A_402 : vector<16xi32>
    %mul3A_404 = arith.constant 5 : i32
    %mul3A_405 = vector.broadcast %mul3A_404 : i32 to vector<16xi32>
    %mul3A_406 = arith.muli %mul3A_405, %shift_right_arithmetic3A_403 : vector<16xi32>
    %add3A_407 = arith.constant 1 : i32
    %add3A_408 = vector.broadcast %add3A_407 : i32 to vector<16xi32>
    %add3A_409 = arith.addi %mul3A_406, %add3A_408 : vector<16xi32>
    %and3A_410 = arith.constant 1 : i32
    %and3A_411 = vector.broadcast %and3A_410 : i32 to vector<16xi32>
    %and3A_412 = arith.andi %sub3A_400, %and3A_411 : vector<16xi32>
    %mul3A_413 = arith.constant 2 : i32
    %mul3A_414 = vector.broadcast %mul3A_413 : i32 to vector<16xi32>
    %mul3A_415 = arith.muli %mul3A_414, %and3A_412 : vector<16xi32>
    %add3A_416 = arith.addi %add3A_409, %mul3A_415 : vector<16xi32>
    %add3A_417 = arith.constant 8 : i32
    %add3A_418 = vector.broadcast %add3A_417 : i32 to vector<16xi32>
    %add3A_419 = arith.addi %add3A_418, %shift_right_arithmetic3A_396 : vector<16xi32>
    %gather3A_420 = tpu.vector_load_idx %arg6[%add3A_419, %add3A_416] : memref<512x35xi32, #tpu.memory_space<vmem>>[vector<16xi32>, vector<16xi32>], vector<16xi32>,
    %add3A_421 = arith.constant 1 : i32
    %add3A_422 = vector.broadcast %add3A_421 : i32 to vector<16xi32>
    %add3A_423 = arith.addi %add3A_416, %add3A_422 : vector<16xi32>
    %gather3A_424 = tpu.vector_load_idx %arg6[%add3A_419, %add3A_423] : memref<512x35xi32, #tpu.memory_space<vmem>>[vector<16xi32>, vector<16xi32>], vector<16xi32>,
    %mul3A_425 = arith.constant 7 : i32
    %mul3A_426 = vector.broadcast %mul3A_425 : i32 to vector<16xi32>
    %mul3A_427 = arith.muli %gather3A_420, %mul3A_426 : vector<16xi32>
    %add3A_428 = arith.addi %mul3A_427, %gather3A_424 : vector<16xi32>
    %swap3A_429 = arith.constant 144 : index
    %swap3A_430 = tpu.vector_load %arg7[%swap3A_429] {strides = array<i32>} : memref<7168xi32, #tpu.memory_space<vmem>>, vector<16xi32>,
    tpu.vector_store %arg7[%swap3A_429], %add3A_428 {strides = array<i32>} : memref<7168xi32, #tpu.memory_space<vmem>>, vector<16xi32>,
    %add3A_431 = arith.constant 48 : i32
    %add3A_432 = vector.broadcast %add3A_431 : i32 to vector<16xi32>
    %add3A_433 = arith.addi %add3A_432, %iota3A_301 : vector<16xi32>
    %mul3A_434 = arith.constant 2341 : i32
    %mul3A_435 = vector.broadcast %mul3A_434 : i32 to vector<16xi32>
    %mul3A_436 = arith.muli %add3A_433, %mul3A_435 : vector<16xi32>
    %shift_right_arithmetic3A_437 = arith.constant 15 : i32
    %shift_right_arithmetic3A_438 = vector.broadcast %shift_right_arithmetic3A_437 : i32 to vector<16xi32>
    %shift_right_arithmetic3A_439 = arith.shrsi %mul3A_436, %shift_right_arithmetic3A_438 : vector<16xi32>
    %mul3A_440 = arith.constant 14 : i32
    %mul3A_441 = vector.broadcast %mul3A_440 : i32 to vector<16xi32>
    %mul3A_442 = arith.muli %mul3A_441, %shift_right_arithmetic3A_439 : vector<16xi32>
    %sub3A_443 = arith.subi %add3A_433, %mul3A_442 : vector<16xi32>
    %shift_right_arithmetic3A_444 = arith.constant 1 : i32
    %shift_right_arithmetic3A_445 = vector.broadcast %shift_right_arithmetic3A_444 : i32 to vector<16xi32>
    %shift_right_arithmetic3A_446 = arith.shrsi %sub3A_443, %shift_right_arithmetic3A_445 : vector<16xi32>
    %mul3A_447 = arith.constant 5 : i32
    %mul3A_448 = vector.broadcast %mul3A_447 : i32 to vector<16xi32>
    %mul3A_449 = arith.muli %mul3A_448, %shift_right_arithmetic3A_446 : vector<16xi32>
    %add3A_450 = arith.constant 1 : i32
    %add3A_451 = vector.broadcast %add3A_450 : i32 to vector<16xi32>
    %add3A_452 = arith.addi %mul3A_449, %add3A_451 : vector<16xi32>
    %and3A_453 = arith.constant 1 : i32
    %and3A_454 = vector.broadcast %and3A_453 : i32 to vector<16xi32>
    %and3A_455 = arith.andi %sub3A_443, %and3A_454 : vector<16xi32>
    %mul3A_456 = arith.constant 2 : i32
    %mul3A_457 = vector.broadcast %mul3A_456 : i32 to vector<16xi32>
    %mul3A_458 = arith.muli %mul3A_457, %and3A_455 : vector<16xi32>
    %add3A_459 = arith.addi %add3A_452, %mul3A_458 : vector<16xi32>
    %add3A_460 = arith.constant 8 : i32
    %add3A_461 = vector.broadcast %add3A_460 : i32 to vector<16xi32>
    %add3A_462 = arith.addi %add3A_461, %shift_right_arithmetic3A_439 : vector<16xi32>
    %gather3A_463 = tpu.vector_load_idx %arg6[%add3A_462, %add3A_459] : memref<512x35xi32, #tpu.memory_space<vmem>>[vector<16xi32>, vector<16xi32>], vector<16xi32>,
    %add3A_464 = arith.constant 1 : i32
    %add3A_465 = vector.broadcast %add3A_464 : i32 to vector<16xi32>
    %add3A_466 = arith.addi %add3A_459, %add3A_465 : vector<16xi32>
    %gather3A_467 = tpu.vector_load_idx %arg6[%add3A_462, %add3A_466] : memref<512x35xi32, #tpu.memory_space<vmem>>[vector<16xi32>, vector<16xi32>], vector<16xi32>,
    %mul3A_468 = arith.constant 7 : i32
    %mul3A_469 = vector.broadcast %mul3A_468 : i32 to vector<16xi32>
    %mul3A_470 = arith.muli %gather3A_463, %mul3A_469 : vector<16xi32>
    %add3A_471 = arith.addi %mul3A_470, %gather3A_467 : vector<16xi32>
    %swap3A_472 = arith.constant 160 : index
    %swap3A_473 = tpu.vector_load %arg7[%swap3A_472] {strides = array<i32>} : memref<7168xi32, #tpu.memory_space<vmem>>, vector<16xi32>,
    tpu.vector_store %arg7[%swap3A_472], %add3A_471 {strides = array<i32>} : memref<7168xi32, #tpu.memory_space<vmem>>, vector<16xi32>,
    %add3A_474 = arith.constant 64 : i32
    %add3A_475 = vector.broadcast %add3A_474 : i32 to vector<16xi32>
    %add3A_476 = arith.addi %add3A_475, %iota3A_301 : vector<16xi32>
    %mul3A_477 = arith.constant 2341 : i32
    %mul3A_478 = vector.broadcast %mul3A_477 : i32 to vector<16xi32>
    %mul3A_479 = arith.muli %add3A_476, %mul3A_478 : vector<16xi32>
    %shift_right_arithmetic3A_480 = arith.constant 15 : i32
    %shift_right_arithmetic3A_481 = vector.broadcast %shift_right_arithmetic3A_480 : i32 to vector<16xi32>
    %shift_right_arithmetic3A_482 = arith.shrsi %mul3A_479, %shift_right_arithmetic3A_481 : vector<16xi32>
    %mul3A_483 = arith.constant 14 : i32
    %mul3A_484 = vector.broadcast %mul3A_483 : i32 to vector<16xi32>
    %mul3A_485 = arith.muli %mul3A_484, %shift_right_arithmetic3A_482 : vector<16xi32>
    %sub3A_486 = arith.subi %add3A_476, %mul3A_485 : vector<16xi32>
    %shift_right_arithmetic3A_487 = arith.constant 1 : i32
    %shift_right_arithmetic3A_488 = vector.broadcast %shift_right_arithmetic3A_487 : i32 to vector<16xi32>
    %shift_right_arithmetic3A_489 = arith.shrsi %sub3A_486, %shift_right_arithmetic3A_488 : vector<16xi32>
    %mul3A_490 = arith.constant 5 : i32
    %mul3A_491 = vector.broadcast %mul3A_490 : i32 to vector<16xi32>
    %mul3A_492 = arith.muli %mul3A_491, %shift_right_arithmetic3A_489 : vector<16xi32>
    %add3A_493 = arith.constant 1 : i32
    %add3A_494 = vector.broadcast %add3A_493 : i32 to vector<16xi32>
    %add3A_495 = arith.addi %mul3A_492, %add3A_494 : vector<16xi32>
    %and3A_496 = arith.constant 1 : i32
    %and3A_497 = vector.broadcast %and3A_496 : i32 to vector<16xi32>
    %and3A_498 = arith.andi %sub3A_486, %and3A_497 : vector<16xi32>
    %mul3A_499 = arith.constant 2 : i32
    %mul3A_500 = vector.broadcast %mul3A_499 : i32 to vector<16xi32>
    %mul3A_501 = arith.muli %mul3A_500, %and3A_498 : vector<16xi32>
    %add3A_502 = arith.addi %add3A_495, %mul3A_501 : vector<16xi32>
    %add3A_503 = arith.constant 8 : i32
    %add3A_504 = vector.broadcast %add3A_503 : i32 to vector<16xi32>
    %add3A_505 = arith.addi %add3A_504, %shift_right_arithmetic3A_482 : vector<16xi32>
    %gather3A_506 = tpu.vector_load_idx %arg6[%add3A_505, %add3A_502] : memref<512x35xi32, #tpu.memory_space<vmem>>[vector<16xi32>, vector<16xi32>], vector<16xi32>,
    %add3A_507 = arith.constant 1 : i32
    %add3A_508 = vector.broadcast %add3A_507 : i32 to vector<16xi32>
    %add3A_509 = arith.addi %add3A_502, %add3A_508 : vector<16xi32>
    %gather3A_510 = tpu.vector_load_idx %arg6[%add3A_505, %add3A_509] : memref<512x35xi32, #tpu.memory_space<vmem>>[vector<16xi32>, vector<16xi32>], vector<16xi32>,
    %mul3A_511 = arith.constant 7 : i32
    %mul3A_512 = vector.broadcast %mul3A_511 : i32 to vector<16xi32>
    %mul3A_513 = arith.muli %gather3A_506, %mul3A_512 : vector<16xi32>
    %add3A_514 = arith.addi %mul3A_513, %gather3A_510 : vector<16xi32>
    %swap3A_515 = arith.constant 176 : index
    %swap3A_516 = tpu.vector_load %arg7[%swap3A_515] {strides = array<i32>} : memref<7168xi32, #tpu.memory_space<vmem>>, vector<16xi32>,
    tpu.vector_store %arg7[%swap3A_515], %add3A_514 {strides = array<i32>} : memref<7168xi32, #tpu.memory_space<vmem>>, vector<16xi32>,
    %add3A_517 = arith.constant 80 : i32
    %add3A_518 = vector.broadcast %add3A_517 : i32 to vector<16xi32>
    %add3A_519 = arith.addi %add3A_518, %iota3A_301 : vector<16xi32>
    %mul3A_520 = arith.constant 2341 : i32
    %mul3A_521 = vector.broadcast %mul3A_520 : i32 to vector<16xi32>
    %mul3A_522 = arith.muli %add3A_519, %mul3A_521 : vector<16xi32>
    %shift_right_arithmetic3A_523 = arith.constant 15 : i32
    %shift_right_arithmetic3A_524 = vector.broadcast %shift_right_arithmetic3A_523 : i32 to vector<16xi32>
    %shift_right_arithmetic3A_525 = arith.shrsi %mul3A_522, %shift_right_arithmetic3A_524 : vector<16xi32>
    %mul3A_526 = arith.constant 14 : i32
    %mul3A_527 = vector.broadcast %mul3A_526 : i32 to vector<16xi32>
    %mul3A_528 = arith.muli %mul3A_527, %shift_right_arithmetic3A_525 : vector<16xi32>
    %sub3A_529 = arith.subi %add3A_519, %mul3A_528 : vector<16xi32>
    %shift_right_arithmetic3A_530 = arith.constant 1 : i32
    %shift_right_arithmetic3A_531 = vector.broadcast %shift_right_arithmetic3A_530 : i32 to vector<16xi32>
    %shift_right_arithmetic3A_532 = arith.shrsi %sub3A_529, %shift_right_arithmetic3A_531 : vector<16xi32>
    %mul3A_533 = arith.constant 5 : i32
    %mul3A_534 = vector.broadcast %mul3A_533 : i32 to vector<16xi32>
    %mul3A_535 = arith.muli %mul3A_534, %shift_right_arithmetic3A_532 : vector<16xi32>
    %add3A_536 = arith.constant 1 : i32
    %add3A_537 = vector.broadcast %add3A_536 : i32 to vector<16xi32>
    %add3A_538 = arith.addi %mul3A_535, %add3A_537 : vector<16xi32>
    %and3A_539 = arith.constant 1 : i32
    %and3A_540 = vector.broadcast %and3A_539 : i32 to vector<16xi32>
    %and3A_541 = arith.andi %sub3A_529, %and3A_540 : vector<16xi32>
    %mul3A_542 = arith.constant 2 : i32
    %mul3A_543 = vector.broadcast %mul3A_542 : i32 to vector<16xi32>
    %mul3A_544 = arith.muli %mul3A_543, %and3A_541 : vector<16xi32>
    %add3A_545 = arith.addi %add3A_538, %mul3A_544 : vector<16xi32>
    %add3A_546 = arith.constant 8 : i32
    %add3A_547 = vector.broadcast %add3A_546 : i32 to vector<16xi32>
    %add3A_548 = arith.addi %add3A_547, %shift_right_arithmetic3A_525 : vector<16xi32>
    %gather3A_549 = tpu.vector_load_idx %arg6[%add3A_548, %add3A_545] : memref<512x35xi32, #tpu.memory_space<vmem>>[vector<16xi32>, vector<16xi32>], vector<16xi32>,
    %add3A_550 = arith.constant 1 : i32
    %add3A_551 = vector.broadcast %add3A_550 : i32 to vector<16xi32>
    %add3A_552 = arith.addi %add3A_545, %add3A_551 : vector<16xi32>
    %gather3A_553 = tpu.vector_load_idx %arg6[%add3A_548, %add3A_552] : memref<512x35xi32, #tpu.memory_space<vmem>>[vector<16xi32>, vector<16xi32>], vector<16xi32>,
    %mul3A_554 = arith.constant 7 : i32
    %mul3A_555 = vector.broadcast %mul3A_554 : i32 to vector<16xi32>
    %mul3A_556 = arith.muli %gather3A_549, %mul3A_555 : vector<16xi32>
    %add3A_557 = arith.addi %mul3A_556, %gather3A_553 : vector<16xi32>
    %swap3A_558 = arith.constant 192 : index
    %swap3A_559 = tpu.vector_load %arg7[%swap3A_558] {strides = array<i32>} : memref<7168xi32, #tpu.memory_space<vmem>>, vector<16xi32>,
    tpu.vector_store %arg7[%swap3A_558], %add3A_557 {strides = array<i32>} : memref<7168xi32, #tpu.memory_space<vmem>>, vector<16xi32>,
    %add3A_560 = arith.constant 96 : i32
    %add3A_561 = vector.broadcast %add3A_560 : i32 to vector<16xi32>
    %add3A_562 = arith.addi %add3A_561, %iota3A_301 : vector<16xi32>
    %mul3A_563 = arith.constant 2341 : i32
    %mul3A_564 = vector.broadcast %mul3A_563 : i32 to vector<16xi32>
    %mul3A_565 = arith.muli %add3A_562, %mul3A_564 : vector<16xi32>
    %shift_right_arithmetic3A_566 = arith.constant 15 : i32
    %shift_right_arithmetic3A_567 = vector.broadcast %shift_right_arithmetic3A_566 : i32 to vector<16xi32>
    %shift_right_arithmetic3A_568 = arith.shrsi %mul3A_565, %shift_right_arithmetic3A_567 : vector<16xi32>
    %mul3A_569 = arith.constant 14 : i32
    %mul3A_570 = vector.broadcast %mul3A_569 : i32 to vector<16xi32>
    %mul3A_571 = arith.muli %mul3A_570, %shift_right_arithmetic3A_568 : vector<16xi32>
    %sub3A_572 = arith.subi %add3A_562, %mul3A_571 : vector<16xi32>
    %shift_right_arithmetic3A_573 = arith.constant 1 : i32
    %shift_right_arithmetic3A_574 = vector.broadcast %shift_right_arithmetic3A_573 : i32 to vector<16xi32>
    %shift_right_arithmetic3A_575 = arith.shrsi %sub3A_572, %shift_right_arithmetic3A_574 : vector<16xi32>
    %mul3A_576 = arith.constant 5 : i32
    %mul3A_577 = vector.broadcast %mul3A_576 : i32 to vector<16xi32>
    %mul3A_578 = arith.muli %mul3A_577, %shift_right_arithmetic3A_575 : vector<16xi32>
    %add3A_579 = arith.constant 1 : i32
    %add3A_580 = vector.broadcast %add3A_579 : i32 to vector<16xi32>
    %add3A_581 = arith.addi %mul3A_578, %add3A_580 : vector<16xi32>
    %and3A_582 = arith.constant 1 : i32
    %and3A_583 = vector.broadcast %and3A_582 : i32 to vector<16xi32>
    %and3A_584 = arith.andi %sub3A_572, %and3A_583 : vector<16xi32>
    %mul3A_585 = arith.constant 2 : i32
    %mul3A_586 = vector.broadcast %mul3A_585 : i32 to vector<16xi32>
    %mul3A_587 = arith.muli %mul3A_586, %and3A_584 : vector<16xi32>
    %add3A_588 = arith.addi %add3A_581, %mul3A_587 : vector<16xi32>
    %add3A_589 = arith.constant 8 : i32
    %add3A_590 = vector.broadcast %add3A_589 : i32 to vector<16xi32>
    %add3A_591 = arith.addi %add3A_590, %shift_right_arithmetic3A_568 : vector<16xi32>
    %gather3A_592 = tpu.vector_load_idx %arg6[%add3A_591, %add3A_588] : memref<512x35xi32, #tpu.memory_space<vmem>>[vector<16xi32>, vector<16xi32>], vector<16xi32>,
    %add3A_593 = arith.constant 1 : i32
    %add3A_594 = vector.broadcast %add3A_593 : i32 to vector<16xi32>
    %add3A_595 = arith.addi %add3A_588, %add3A_594 : vector<16xi32>
    %gather3A_596 = tpu.vector_load_idx %arg6[%add3A_591, %add3A_595] : memref<512x35xi32, #tpu.memory_space<vmem>>[vector<16xi32>, vector<16xi32>], vector<16xi32>,
    %mul3A_597 = arith.constant 7 : i32
    %mul3A_598 = vector.broadcast %mul3A_597 : i32 to vector<16xi32>
    %mul3A_599 = arith.muli %gather3A_592, %mul3A_598 : vector<16xi32>
    %add3A_600 = arith.addi %mul3A_599, %gather3A_596 : vector<16xi32>
    %swap3A_601 = arith.constant 208 : index
    %swap3A_602 = tpu.vector_load %arg7[%swap3A_601] {strides = array<i32>} : memref<7168xi32, #tpu.memory_space<vmem>>, vector<16xi32>,
    tpu.vector_store %arg7[%swap3A_601], %add3A_600 {strides = array<i32>} : memref<7168xi32, #tpu.memory_space<vmem>>, vector<16xi32>,
    %iota3A_603 = tpu.iota {dimensions = array<i32: 0>} : vector<16xi32>
    %add3A_604 = arith.constant 0 : i32
    %add3A_605 = vector.broadcast %add3A_604 : i32 to vector<16xi32>
    %add3A_606 = arith.addi %add3A_605, %iota3A_603 : vector<16xi32>
    %mul3A_607 = arith.constant 2341 : i32
    %mul3A_608 = vector.broadcast %mul3A_607 : i32 to vector<16xi32>
    %mul3A_609 = arith.muli %add3A_606, %mul3A_608 : vector<16xi32>
    %shift_right_arithmetic3A_610 = arith.constant 15 : i32
    %shift_right_arithmetic3A_611 = vector.broadcast %shift_right_arithmetic3A_610 : i32 to vector<16xi32>
    %shift_right_arithmetic3A_612 = arith.shrsi %mul3A_609, %shift_right_arithmetic3A_611 : vector<16xi32>
    %mul3A_613 = arith.constant 14 : i32
    %mul3A_614 = vector.broadcast %mul3A_613 : i32 to vector<16xi32>
    %mul3A_615 = arith.muli %mul3A_614, %shift_right_arithmetic3A_612 : vector<16xi32>
    %sub3A_616 = arith.subi %add3A_606, %mul3A_615 : vector<16xi32>
    %shift_right_arithmetic3A_617 = arith.constant 1 : i32
    %shift_right_arithmetic3A_618 = vector.broadcast %shift_right_arithmetic3A_617 : i32 to vector<16xi32>
    %shift_right_arithmetic3A_619 = arith.shrsi %sub3A_616, %shift_right_arithmetic3A_618 : vector<16xi32>
    %mul3A_620 = arith.constant 5 : i32
    %mul3A_621 = vector.broadcast %mul3A_620 : i32 to vector<16xi32>
    %mul3A_622 = arith.muli %mul3A_621, %shift_right_arithmetic3A_619 : vector<16xi32>
    %add3A_623 = arith.constant 1 : i32
    %add3A_624 = vector.broadcast %add3A_623 : i32 to vector<16xi32>
    %add3A_625 = arith.addi %mul3A_622, %add3A_624 : vector<16xi32>
    %and3A_626 = arith.constant 1 : i32
    %and3A_627 = vector.broadcast %and3A_626 : i32 to vector<16xi32>
    %and3A_628 = arith.andi %sub3A_616, %and3A_627 : vector<16xi32>
    %mul3A_629 = arith.constant 2 : i32
    %mul3A_630 = vector.broadcast %mul3A_629 : i32 to vector<16xi32>
    %mul3A_631 = arith.muli %mul3A_630, %and3A_628 : vector<16xi32>
    %add3A_632 = arith.addi %add3A_625, %mul3A_631 : vector<16xi32>
    %add3A_633 = arith.constant 16 : i32
    %add3A_634 = vector.broadcast %add3A_633 : i32 to vector<16xi32>
    %add3A_635 = arith.addi %add3A_634, %shift_right_arithmetic3A_612 : vector<16xi32>
    %gather3A_636 = tpu.vector_load_idx %arg6[%add3A_635, %add3A_632] : memref<512x35xi32, #tpu.memory_space<vmem>>[vector<16xi32>, vector<16xi32>], vector<16xi32>,
    %add3A_637 = arith.constant 1 : i32
    %add3A_638 = vector.broadcast %add3A_637 : i32 to vector<16xi32>
    %add3A_639 = arith.addi %add3A_632, %add3A_638 : vector<16xi32>
    %gather3A_640 = tpu.vector_load_idx %arg6[%add3A_635, %add3A_639] : memref<512x35xi32, #tpu.memory_space<vmem>>[vector<16xi32>, vector<16xi32>], vector<16xi32>,
    %mul3A_641 = arith.constant 7 : i32
    %mul3A_642 = vector.broadcast %mul3A_641 : i32 to vector<16xi32>
    %mul3A_643 = arith.muli %gather3A_636, %mul3A_642 : vector<16xi32>
    %add3A_644 = arith.addi %mul3A_643, %gather3A_640 : vector<16xi32>
    %swap3A_645 = arith.constant 224 : index
    %swap3A_646 = tpu.vector_load %arg7[%swap3A_645] {strides = array<i32>} : memref<7168xi32, #tpu.memory_space<vmem>>, vector<16xi32>,
    tpu.vector_store %arg7[%swap3A_645], %add3A_644 {strides = array<i32>} : memref<7168xi32, #tpu.memory_space<vmem>>, vector<16xi32>,
    %add3A_647 = arith.constant 16 : i32
    %add3A_648 = vector.broadcast %add3A_647 : i32 to vector<16xi32>
    %add3A_649 = arith.addi %add3A_648, %iota3A_603 : vector<16xi32>
    %mul3A_650 = arith.constant 2341 : i32
    %mul3A_651 = vector.broadcast %mul3A_650 : i32 to vector<16xi32>
    %mul3A_652 = arith.muli %add3A_649, %mul3A_651 : vector<16xi32>
    %shift_right_arithmetic3A_653 = arith.constant 15 : i32
    %shift_right_arithmetic3A_654 = vector.broadcast %shift_right_arithmetic3A_653 : i32 to vector<16xi32>
    %shift_right_arithmetic3A_655 = arith.shrsi %mul3A_652, %shift_right_arithmetic3A_654 : vector<16xi32>
    %mul3A_656 = arith.constant 14 : i32
    %mul3A_657 = vector.broadcast %mul3A_656 : i32 to vector<16xi32>
    %mul3A_658 = arith.muli %mul3A_657, %shift_right_arithmetic3A_655 : vector<16xi32>
    %sub3A_659 = arith.subi %add3A_649, %mul3A_658 : vector<16xi32>
    %shift_right_arithmetic3A_660 = arith.constant 1 : i32
    %shift_right_arithmetic3A_661 = vector.broadcast %shift_right_arithmetic3A_660 : i32 to vector<16xi32>
    %shift_right_arithmetic3A_662 = arith.shrsi %sub3A_659, %shift_right_arithmetic3A_661 : vector<16xi32>
    %mul3A_663 = arith.constant 5 : i32
    %mul3A_664 = vector.broadcast %mul3A_663 : i32 to vector<16xi32>
    %mul3A_665 = arith.muli %mul3A_664, %shift_right_arithmetic3A_662 : vector<16xi32>
    %add3A_666 = arith.constant 1 : i32
    %add3A_667 = vector.broadcast %add3A_666 : i32 to vector<16xi32>
    %add3A_668 = arith.addi %mul3A_665, %add3A_667 : vector<16xi32>
    %and3A_669 = arith.constant 1 : i32
    %and3A_670 = vector.broadcast %and3A_669 : i32 to vector<16xi32>
    %and3A_671 = arith.andi %sub3A_659, %and3A_670 : vector<16xi32>
    %mul3A_672 = arith.constant 2 : i32
    %mul3A_673 = vector.broadcast %mul3A_672 : i32 to vector<16xi32>
    %mul3A_674 = arith.muli %mul3A_673, %and3A_671 : vector<16xi32>
    %add3A_675 = arith.addi %add3A_668, %mul3A_674 : vector<16xi32>
    %add3A_676 = arith.constant 16 : i32
    %add3A_677 = vector.broadcast %add3A_676 : i32 to vector<16xi32>
    %add3A_678 = arith.addi %add3A_677, %shift_right_arithmetic3A_655 : vector<16xi32>
    %gather3A_679 = tpu.vector_load_idx %arg6[%add3A_678, %add3A_675] : memref<512x35xi32, #tpu.memory_space<vmem>>[vector<16xi32>, vector<16xi32>], vector<16xi32>,
    %add3A_680 = arith.constant 1 : i32
    %add3A_681 = vector.broadcast %add3A_680 : i32 to vector<16xi32>
    %add3A_682 = arith.addi %add3A_675, %add3A_681 : vector<16xi32>
    %gather3A_683 = tpu.vector_load_idx %arg6[%add3A_678, %add3A_682] : memref<512x35xi32, #tpu.memory_space<vmem>>[vector<16xi32>, vector<16xi32>], vector<16xi32>,
    %mul3A_684 = arith.constant 7 : i32
    %mul3A_685 = vector.broadcast %mul3A_684 : i32 to vector<16xi32>
    %mul3A_686 = arith.muli %gather3A_679, %mul3A_685 : vector<16xi32>
    %add3A_687 = arith.addi %mul3A_686, %gather3A_683 : vector<16xi32>
    %swap3A_688 = arith.constant 240 : index
    %swap3A_689 = tpu.vector_load %arg7[%swap3A_688] {strides = array<i32>} : memref<7168xi32, #tpu.memory_space<vmem>>, vector<16xi32>,
    tpu.vector_store %arg7[%swap3A_688], %add3A_687 {strides = array<i32>} : memref<7168xi32, #tpu.memory_space<vmem>>, vector<16xi32>,
    %add3A_690 = arith.constant 32 : i32
    %add3A_691 = vector.broadcast %add3A_690 : i32 to vector<16xi32>
    %add3A_692 = arith.addi %add3A_691, %iota3A_603 : vector<16xi32>
    %mul3A_693 = arith.constant 2341 : i32
    %mul3A_694 = vector.broadcast %mul3A_693 : i32 to vector<16xi32>
    %mul3A_695 = arith.muli %add3A_692, %mul3A_694 : vector<16xi32>
    %shift_right_arithmetic3A_696 = arith.constant 15 : i32
    %shift_right_arithmetic3A_697 = vector.broadcast %shift_right_arithmetic3A_696 : i32 to vector<16xi32>
    %shift_right_arithmetic3A_698 = arith.shrsi %mul3A_695, %shift_right_arithmetic3A_697 : vector<16xi32>
    %mul3A_699 = arith.constant 14 : i32
    %mul3A_700 = vector.broadcast %mul3A_699 : i32 to vector<16xi32>
    %mul3A_701 = arith.muli %mul3A_700, %shift_right_arithmetic3A_698 : vector<16xi32>
    %sub3A_702 = arith.subi %add3A_692, %mul3A_701 : vector<16xi32>
    %shift_right_arithmetic3A_703 = arith.constant 1 : i32
    %shift_right_arithmetic3A_704 = vector.broadcast %shift_right_arithmetic3A_703 : i32 to vector<16xi32>
    %shift_right_arithmetic3A_705 = arith.shrsi %sub3A_702, %shift_right_arithmetic3A_704 : vector<16xi32>
    %mul3A_706 = arith.constant 5 : i32
    %mul3A_707 = vector.broadcast %mul3A_706 : i32 to vector<16xi32>
    %mul3A_708 = arith.muli %mul3A_707, %shift_right_arithmetic3A_705 : vector<16xi32>
    %add3A_709 = arith.constant 1 : i32
    %add3A_710 = vector.broadcast %add3A_709 : i32 to vector<16xi32>
    %add3A_711 = arith.addi %mul3A_708, %add3A_710 : vector<16xi32>
    %and3A_712 = arith.constant 1 : i32
    %and3A_713 = vector.broadcast %and3A_712 : i32 to vector<16xi32>
    %and3A_714 = arith.andi %sub3A_702, %and3A_713 : vector<16xi32>
    %mul3A_715 = arith.constant 2 : i32
    %mul3A_716 = vector.broadcast %mul3A_715 : i32 to vector<16xi32>
    %mul3A_717 = arith.muli %mul3A_716, %and3A_714 : vector<16xi32>
    %add3A_718 = arith.addi %add3A_711, %mul3A_717 : vector<16xi32>
    %add3A_719 = arith.constant 16 : i32
    %add3A_720 = vector.broadcast %add3A_719 : i32 to vector<16xi32>
    %add3A_721 = arith.addi %add3A_720, %shift_right_arithmetic3A_698 : vector<16xi32>
    %gather3A_722 = tpu.vector_load_idx %arg6[%add3A_721, %add3A_718] : memref<512x35xi32, #tpu.memory_space<vmem>>[vector<16xi32>, vector<16xi32>], vector<16xi32>,
    %add3A_723 = arith.constant 1 : i32
    %add3A_724 = vector.broadcast %add3A_723 : i32 to vector<16xi32>
    %add3A_725 = arith.addi %add3A_718, %add3A_724 : vector<16xi32>
    %gather3A_726 = tpu.vector_load_idx %arg6[%add3A_721, %add3A_725] : memref<512x35xi32, #tpu.memory_space<vmem>>[vector<16xi32>, vector<16xi32>], vector<16xi32>,
    %mul3A_727 = arith.constant 7 : i32
    %mul3A_728 = vector.broadcast %mul3A_727 : i32 to vector<16xi32>
    %mul3A_729 = arith.muli %gather3A_722, %mul3A_728 : vector<16xi32>
    %add3A_730 = arith.addi %mul3A_729, %gather3A_726 : vector<16xi32>
    %swap3A_731 = arith.constant 256 : index
    %swap3A_732 = tpu.vector_load %arg7[%swap3A_731] {strides = array<i32>} : memref<7168xi32, #tpu.memory_space<vmem>>, vector<16xi32>,
    tpu.vector_store %arg7[%swap3A_731], %add3A_730 {strides = array<i32>} : memref<7168xi32, #tpu.memory_space<vmem>>, vector<16xi32>,
    %add3A_733 = arith.constant 48 : i32
    %add3A_734 = vector.broadcast %add3A_733 : i32 to vector<16xi32>
    %add3A_735 = arith.addi %add3A_734, %iota3A_603 : vector<16xi32>
    %mul3A_736 = arith.constant 2341 : i32
    %mul3A_737 = vector.broadcast %mul3A_736 : i32 to vector<16xi32>
    %mul3A_738 = arith.muli %add3A_735, %mul3A_737 : vector<16xi32>
    %shift_right_arithmetic3A_739 = arith.constant 15 : i32
    %shift_right_arithmetic3A_740 = vector.broadcast %shift_right_arithmetic3A_739 : i32 to vector<16xi32>
    %shift_right_arithmetic3A_741 = arith.shrsi %mul3A_738, %shift_right_arithmetic3A_740 : vector<16xi32>
    %mul3A_742 = arith.constant 14 : i32
    %mul3A_743 = vector.broadcast %mul3A_742 : i32 to vector<16xi32>
    %mul3A_744 = arith.muli %mul3A_743, %shift_right_arithmetic3A_741 : vector<16xi32>
    %sub3A_745 = arith.subi %add3A_735, %mul3A_744 : vector<16xi32>
    %shift_right_arithmetic3A_746 = arith.constant 1 : i32
    %shift_right_arithmetic3A_747 = vector.broadcast %shift_right_arithmetic3A_746 : i32 to vector<16xi32>
    %shift_right_arithmetic3A_748 = arith.shrsi %sub3A_745, %shift_right_arithmetic3A_747 : vector<16xi32>
    %mul3A_749 = arith.constant 5 : i32
    %mul3A_750 = vector.broadcast %mul3A_749 : i32 to vector<16xi32>
    %mul3A_751 = arith.muli %mul3A_750, %shift_right_arithmetic3A_748 : vector<16xi32>
    %add3A_752 = arith.constant 1 : i32
    %add3A_753 = vector.broadcast %add3A_752 : i32 to vector<16xi32>
    %add3A_754 = arith.addi %mul3A_751, %add3A_753 : vector<16xi32>
    %and3A_755 = arith.constant 1 : i32
    %and3A_756 = vector.broadcast %and3A_755 : i32 to vector<16xi32>
    %and3A_757 = arith.andi %sub3A_745, %and3A_756 : vector<16xi32>
    %mul3A_758 = arith.constant 2 : i32
    %mul3A_759 = vector.broadcast %mul3A_758 : i32 to vector<16xi32>
    %mul3A_760 = arith.muli %mul3A_759, %and3A_757 : vector<16xi32>
    %add3A_761 = arith.addi %add3A_754, %mul3A_760 : vector<16xi32>
    %add3A_762 = arith.constant 16 : i32
    %add3A_763 = vector.broadcast %add3A_762 : i32 to vector<16xi32>
    %add3A_764 = arith.addi %add3A_763, %shift_right_arithmetic3A_741 : vector<16xi32>
    %gather3A_765 = tpu.vector_load_idx %arg6[%add3A_764, %add3A_761] : memref<512x35xi32, #tpu.memory_space<vmem>>[vector<16xi32>, vector<16xi32>], vector<16xi32>,
    %add3A_766 = arith.constant 1 : i32
    %add3A_767 = vector.broadcast %add3A_766 : i32 to vector<16xi32>
    %add3A_768 = arith.addi %add3A_761, %add3A_767 : vector<16xi32>
    %gather3A_769 = tpu.vector_load_idx %arg6[%add3A_764, %add3A_768] : memref<512x35xi32, #tpu.memory_space<vmem>>[vector<16xi32>, vector<16xi32>], vector<16xi32>,
    %mul3A_770 = arith.constant 7 : i32
    %mul3A_771 = vector.broadcast %mul3A_770 : i32 to vector<16xi32>
    %mul3A_772 = arith.muli %gather3A_765, %mul3A_771 : vector<16xi32>
    %add3A_773 = arith.addi %mul3A_772, %gather3A_769 : vector<16xi32>
    %swap3A_774 = arith.constant 272 : index
    %swap3A_775 = tpu.vector_load %arg7[%swap3A_774] {strides = array<i32>} : memref<7168xi32, #tpu.memory_space<vmem>>, vector<16xi32>,
    tpu.vector_store %arg7[%swap3A_774], %add3A_773 {strides = array<i32>} : memref<7168xi32, #tpu.memory_space<vmem>>, vector<16xi32>,
    %add3A_776 = arith.constant 64 : i32
    %add3A_777 = vector.broadcast %add3A_776 : i32 to vector<16xi32>
    %add3A_778 = arith.addi %add3A_777, %iota3A_603 : vector<16xi32>
    %mul3A_779 = arith.constant 2341 : i32
    %mul3A_780 = vector.broadcast %mul3A_779 : i32 to vector<16xi32>
    %mul3A_781 = arith.muli %add3A_778, %mul3A_780 : vector<16xi32>
    %shift_right_arithmetic3A_782 = arith.constant 15 : i32
    %shift_right_arithmetic3A_783 = vector.broadcast %shift_right_arithmetic3A_782 : i32 to vector<16xi32>
    %shift_right_arithmetic3A_784 = arith.shrsi %mul3A_781, %shift_right_arithmetic3A_783 : vector<16xi32>
    %mul3A_785 = arith.constant 14 : i32
    %mul3A_786 = vector.broadcast %mul3A_785 : i32 to vector<16xi32>
    %mul3A_787 = arith.muli %mul3A_786, %shift_right_arithmetic3A_784 : vector<16xi32>
    %sub3A_788 = arith.subi %add3A_778, %mul3A_787 : vector<16xi32>
    %shift_right_arithmetic3A_789 = arith.constant 1 : i32
    %shift_right_arithmetic3A_790 = vector.broadcast %shift_right_arithmetic3A_789 : i32 to vector<16xi32>
    %shift_right_arithmetic3A_791 = arith.shrsi %sub3A_788, %shift_right_arithmetic3A_790 : vector<16xi32>
    %mul3A_792 = arith.constant 5 : i32
    %mul3A_793 = vector.broadcast %mul3A_792 : i32 to vector<16xi32>
    %mul3A_794 = arith.muli %mul3A_793, %shift_right_arithmetic3A_791 : vector<16xi32>
    %add3A_795 = arith.constant 1 : i32
    %add3A_796 = vector.broadcast %add3A_795 : i32 to vector<16xi32>
    %add3A_797 = arith.addi %mul3A_794, %add3A_796 : vector<16xi32>
    %and3A_798 = arith.constant 1 : i32
    %and3A_799 = vector.broadcast %and3A_798 : i32 to vector<16xi32>
    %and3A_800 = arith.andi %sub3A_788, %and3A_799 : vector<16xi32>
    %mul3A_801 = arith.constant 2 : i32
    %mul3A_802 = vector.broadcast %mul3A_801 : i32 to vector<16xi32>
    %mul3A_803 = arith.muli %mul3A_802, %and3A_800 : vector<16xi32>
    %add3A_804 = arith.addi %add3A_797, %mul3A_803 : vector<16xi32>
    %add3A_805 = arith.constant 16 : i32
    %add3A_806 = vector.broadcast %add3A_805 : i32 to vector<16xi32>
    %add3A_807 = arith.addi %add3A_806, %shift_right_arithmetic3A_784 : vector<16xi32>
    %gather3A_808 = tpu.vector_load_idx %arg6[%add3A_807, %add3A_804] : memref<512x35xi32, #tpu.memory_space<vmem>>[vector<16xi32>, vector<16xi32>], vector<16xi32>,
    %add3A_809 = arith.constant 1 : i32
    %add3A_810 = vector.broadcast %add3A_809 : i32 to vector<16xi32>
    %add3A_811 = arith.addi %add3A_804, %add3A_810 : vector<16xi32>
    %gather3A_812 = tpu.vector_load_idx %arg6[%add3A_807, %add3A_811] : memref<512x35xi32, #tpu.memory_space<vmem>>[vector<16xi32>, vector<16xi32>], vector<16xi32>,
    %mul3A_813 = arith.constant 7 : i32
    %mul3A_814 = vector.broadcast %mul3A_813 : i32 to vector<16xi32>
    %mul3A_815 = arith.muli %gather3A_808, %mul3A_814 : vector<16xi32>
    %add3A_816 = arith.addi %mul3A_815, %gather3A_812 : vector<16xi32>
    %swap3A_817 = arith.constant 288 : index
    %swap3A_818 = tpu.vector_load %arg7[%swap3A_817] {strides = array<i32>} : memref<7168xi32, #tpu.memory_space<vmem>>, vector<16xi32>,
    tpu.vector_store %arg7[%swap3A_817], %add3A_816 {strides = array<i32>} : memref<7168xi32, #tpu.memory_space<vmem>>, vector<16xi32>,
    %add3A_819 = arith.constant 80 : i32
    %add3A_820 = vector.broadcast %add3A_819 : i32 to vector<16xi32>
    %add3A_821 = arith.addi %add3A_820, %iota3A_603 : vector<16xi32>
    %mul3A_822 = arith.constant 2341 : i32
    %mul3A_823 = vector.broadcast %mul3A_822 : i32 to vector<16xi32>
    %mul3A_824 = arith.muli %add3A_821, %mul3A_823 : vector<16xi32>
    %shift_right_arithmetic3A_825 = arith.constant 15 : i32
    %shift_right_arithmetic3A_826 = vector.broadcast %shift_right_arithmetic3A_825 : i32 to vector<16xi32>
    %shift_right_arithmetic3A_827 = arith.shrsi %mul3A_824, %shift_right_arithmetic3A_826 : vector<16xi32>
    %mul3A_828 = arith.constant 14 : i32
    %mul3A_829 = vector.broadcast %mul3A_828 : i32 to vector<16xi32>
    %mul3A_830 = arith.muli %mul3A_829, %shift_right_arithmetic3A_827 : vector<16xi32>
    %sub3A_831 = arith.subi %add3A_821, %mul3A_830 : vector<16xi32>
    %shift_right_arithmetic3A_832 = arith.constant 1 : i32
    %shift_right_arithmetic3A_833 = vector.broadcast %shift_right_arithmetic3A_832 : i32 to vector<16xi32>
    %shift_right_arithmetic3A_834 = arith.shrsi %sub3A_831, %shift_right_arithmetic3A_833 : vector<16xi32>
    %mul3A_835 = arith.constant 5 : i32
    %mul3A_836 = vector.broadcast %mul3A_835 : i32 to vector<16xi32>
    %mul3A_837 = arith.muli %mul3A_836, %shift_right_arithmetic3A_834 : vector<16xi32>
    %add3A_838 = arith.constant 1 : i32
    %add3A_839 = vector.broadcast %add3A_838 : i32 to vector<16xi32>
    %add3A_840 = arith.addi %mul3A_837, %add3A_839 : vector<16xi32>
    %and3A_841 = arith.constant 1 : i32
    %and3A_842 = vector.broadcast %and3A_841 : i32 to vector<16xi32>
    %and3A_843 = arith.andi %sub3A_831, %and3A_842 : vector<16xi32>
    %mul3A_844 = arith.constant 2 : i32
    %mul3A_845 = vector.broadcast %mul3A_844 : i32 to vector<16xi32>
    %mul3A_846 = arith.muli %mul3A_845, %and3A_843 : vector<16xi32>
    %add3A_847 = arith.addi %add3A_840, %mul3A_846 : vector<16xi32>
    %add3A_848 = arith.constant 16 : i32
    %add3A_849 = vector.broadcast %add3A_848 : i32 to vector<16xi32>
    %add3A_850 = arith.addi %add3A_849, %shift_right_arithmetic3A_827 : vector<16xi32>
    %gather3A_851 = tpu.vector_load_idx %arg6[%add3A_850, %add3A_847] : memref<512x35xi32, #tpu.memory_space<vmem>>[vector<16xi32>, vector<16xi32>], vector<16xi32>,
    %add3A_852 = arith.constant 1 : i32
    %add3A_853 = vector.broadcast %add3A_852 : i32 to vector<16xi32>
    %add3A_854 = arith.addi %add3A_847, %add3A_853 : vector<16xi32>
    %gather3A_855 = tpu.vector_load_idx %arg6[%add3A_850, %add3A_854] : memref<512x35xi32, #tpu.memory_space<vmem>>[vector<16xi32>, vector<16xi32>], vector<16xi32>,
    %mul3A_856 = arith.constant 7 : i32
    %mul3A_857 = vector.broadcast %mul3A_856 : i32 to vector<16xi32>
    %mul3A_858 = arith.muli %gather3A_851, %mul3A_857 : vector<16xi32>
    %add3A_859 = arith.addi %mul3A_858, %gather3A_855 : vector<16xi32>
    %swap3A_860 = arith.constant 304 : index
    %swap3A_861 = tpu.vector_load %arg7[%swap3A_860] {strides = array<i32>} : memref<7168xi32, #tpu.memory_space<vmem>>, vector<16xi32>,
    tpu.vector_store %arg7[%swap3A_860], %add3A_859 {strides = array<i32>} : memref<7168xi32, #tpu.memory_space<vmem>>, vector<16xi32>,
    %add3A_862 = arith.constant 96 : i32
    %add3A_863 = vector.broadcast %add3A_862 : i32 to vector<16xi32>
    %add3A_864 = arith.addi %add3A_863, %iota3A_603 : vector<16xi32>
    %mul3A_865 = arith.constant 2341 : i32
    %mul3A_866 = vector.broadcast %mul3A_865 : i32 to vector<16xi32>
    %mul3A_867 = arith.muli %add3A_864, %mul3A_866 : vector<16xi32>
    %shift_right_arithmetic3A_868 = arith.constant 15 : i32
    %shift_right_arithmetic3A_869 = vector.broadcast %shift_right_arithmetic3A_868 : i32 to vector<16xi32>
    %shift_right_arithmetic3A_870 = arith.shrsi %mul3A_867, %shift_right_arithmetic3A_869 : vector<16xi32>
    %mul3A_871 = arith.constant 14 : i32
    %mul3A_872 = vector.broadcast %mul3A_871 : i32 to vector<16xi32>
    %mul3A_873 = arith.muli %mul3A_872, %shift_right_arithmetic3A_870 : vector<16xi32>
    %sub3A_874 = arith.subi %add3A_864, %mul3A_873 : vector<16xi32>
    %shift_right_arithmetic3A_875 = arith.constant 1 : i32
    %shift_right_arithmetic3A_876 = vector.broadcast %shift_right_arithmetic3A_875 : i32 to vector<16xi32>
    %shift_right_arithmetic3A_877 = arith.shrsi %sub3A_874, %shift_right_arithmetic3A_876 : vector<16xi32>
    %mul3A_878 = arith.constant 5 : i32
    %mul3A_879 = vector.broadcast %mul3A_878 : i32 to vector<16xi32>
    %mul3A_880 = arith.muli %mul3A_879, %shift_right_arithmetic3A_877 : vector<16xi32>
    %add3A_881 = arith.constant 1 : i32
    %add3A_882 = vector.broadcast %add3A_881 : i32 to vector<16xi32>
    %add3A_883 = arith.addi %mul3A_880, %add3A_882 : vector<16xi32>
    %and3A_884 = arith.constant 1 : i32
    %and3A_885 = vector.broadcast %and3A_884 : i32 to vector<16xi32>
    %and3A_886 = arith.andi %sub3A_874, %and3A_885 : vector<16xi32>
    %mul3A_887 = arith.constant 2 : i32
    %mul3A_888 = vector.broadcast %mul3A_887 : i32 to vector<16xi32>
    %mul3A_889 = arith.muli %mul3A_888, %and3A_886 : vector<16xi32>
    %add3A_890 = arith.addi %add3A_883, %mul3A_889 : vector<16xi32>
    %add3A_891 = arith.constant 16 : i32
    %add3A_892 = vector.broadcast %add3A_891 : i32 to vector<16xi32>
    %add3A_893 = arith.addi %add3A_892, %shift_right_arithmetic3A_870 : vector<16xi32>
    %gather3A_894 = tpu.vector_load_idx %arg6[%add3A_893, %add3A_890] : memref<512x35xi32, #tpu.memory_space<vmem>>[vector<16xi32>, vector<16xi32>], vector<16xi32>,
    %add3A_895 = arith.constant 1 : i32
    %add3A_896 = vector.broadcast %add3A_895 : i32 to vector<16xi32>
    %add3A_897 = arith.addi %add3A_890, %add3A_896 : vector<16xi32>
    %gather3A_898 = tpu.vector_load_idx %arg6[%add3A_893, %add3A_897] : memref<512x35xi32, #tpu.memory_space<vmem>>[vector<16xi32>, vector<16xi32>], vector<16xi32>,
    %mul3A_899 = arith.constant 7 : i32
    %mul3A_900 = vector.broadcast %mul3A_899 : i32 to vector<16xi32>
    %mul3A_901 = arith.muli %gather3A_894, %mul3A_900 : vector<16xi32>
    %add3A_902 = arith.addi %mul3A_901, %gather3A_898 : vector<16xi32>
    %swap3A_903 = arith.constant 320 : index
    %swap3A_904 = tpu.vector_load %arg7[%swap3A_903] {strides = array<i32>} : memref<7168xi32, #tpu.memory_space<vmem>>, vector<16xi32>,
    tpu.vector_store %arg7[%swap3A_903], %add3A_902 {strides = array<i32>} : memref<7168xi32, #tpu.memory_space<vmem>>, vector<16xi32>,
    %iota3A_905 = tpu.iota {dimensions = array<i32: 0>} : vector<16xi32>
    %add3A_906 = arith.constant 0 : i32
    %add3A_907 = vector.broadcast %add3A_906 : i32 to vector<16xi32>
    %add3A_908 = arith.addi %add3A_907, %iota3A_905 : vector<16xi32>
    %mul3A_909 = arith.constant 2341 : i32
    %mul3A_910 = vector.broadcast %mul3A_909 : i32 to vector<16xi32>
    %mul3A_911 = arith.muli %add3A_908, %mul3A_910 : vector<16xi32>
    %shift_right_arithmetic3A_912 = arith.constant 15 : i32
    %shift_right_arithmetic3A_913 = vector.broadcast %shift_right_arithmetic3A_912 : i32 to vector<16xi32>
    %shift_right_arithmetic3A_914 = arith.shrsi %mul3A_911, %shift_right_arithmetic3A_913 : vector<16xi32>
    %mul3A_915 = arith.constant 14 : i32
    %mul3A_916 = vector.broadcast %mul3A_915 : i32 to vector<16xi32>
    %mul3A_917 = arith.muli %mul3A_916, %shift_right_arithmetic3A_914 : vector<16xi32>
    %sub3A_918 = arith.subi %add3A_908, %mul3A_917 : vector<16xi32>
    %shift_right_arithmetic3A_919 = arith.constant 1 : i32
    %shift_right_arithmetic3A_920 = vector.broadcast %shift_right_arithmetic3A_919 : i32 to vector<16xi32>
    %shift_right_arithmetic3A_921 = arith.shrsi %sub3A_918, %shift_right_arithmetic3A_920 : vector<16xi32>
    %mul3A_922 = arith.constant 5 : i32
    %mul3A_923 = vector.broadcast %mul3A_922 : i32 to vector<16xi32>
    %mul3A_924 = arith.muli %mul3A_923, %shift_right_arithmetic3A_921 : vector<16xi32>
    %add3A_925 = arith.constant 1 : i32
    %add3A_926 = vector.broadcast %add3A_925 : i32 to vector<16xi32>
    %add3A_927 = arith.addi %mul3A_924, %add3A_926 : vector<16xi32>
    %and3A_928 = arith.constant 1 : i32
    %and3A_929 = vector.broadcast %and3A_928 : i32 to vector<16xi32>
    %and3A_930 = arith.andi %sub3A_918, %and3A_929 : vector<16xi32>
    %mul3A_931 = arith.constant 2 : i32
    %mul3A_932 = vector.broadcast %mul3A_931 : i32 to vector<16xi32>
    %mul3A_933 = arith.muli %mul3A_932, %and3A_930 : vector<16xi32>
    %add3A_934 = arith.addi %add3A_927, %mul3A_933 : vector<16xi32>
    %add3A_935 = arith.constant 24 : i32
    %add3A_936 = vector.broadcast %add3A_935 : i32 to vector<16xi32>
    %add3A_937 = arith.addi %add3A_936, %shift_right_arithmetic3A_914 : vector<16xi32>
    %gather3A_938 = tpu.vector_load_idx %arg6[%add3A_937, %add3A_934] : memref<512x35xi32, #tpu.memory_space<vmem>>[vector<16xi32>, vector<16xi32>], vector<16xi32>,
    %add3A_939 = arith.constant 1 : i32
    %add3A_940 = vector.broadcast %add3A_939 : i32 to vector<16xi32>
    %add3A_941 = arith.addi %add3A_934, %add3A_940 : vector<16xi32>
    %gather3A_942 = tpu.vector_load_idx %arg6[%add3A_937, %add3A_941] : memref<512x35xi32, #tpu.memory_space<vmem>>[vector<16xi32>, vector<16xi32>], vector<16xi32>,
    %mul3A_943 = arith.constant 7 : i32
    %mul3A_944 = vector.broadcast %mul3A_943 : i32 to vector<16xi32>
    %mul3A_945 = arith.muli %gather3A_938, %mul3A_944 : vector<16xi32>
    %add3A_946 = arith.addi %mul3A_945, %gather3A_942 : vector<16xi32>
    %swap3A_947 = arith.constant 336 : index
    %swap3A_948 = tpu.vector_load %arg7[%swap3A_947] {strides = array<i32>} : memref<7168xi32, #tpu.memory_space<vmem>>, vector<16xi32>,
    tpu.vector_store %arg7[%swap3A_947], %add3A_946 {strides = array<i32>} : memref<7168xi32, #tpu.memory_space<vmem>>, vector<16xi32>,
    %add3A_949 = arith.constant 16 : i32
    %add3A_950 = vector.broadcast %add3A_949 : i32 to vector<16xi32>
    %add3A_951 = arith.addi %add3A_950, %iota3A_905 : vector<16xi32>
    %mul3A_952 = arith.constant 2341 : i32
    %mul3A_953 = vector.broadcast %mul3A_952 : i32 to vector<16xi32>
    %mul3A_954 = arith.muli %add3A_951, %mul3A_953 : vector<16xi32>
    %shift_right_arithmetic3A_955 = arith.constant 15 : i32
    %shift_right_arithmetic3A_956 = vector.broadcast %shift_right_arithmetic3A_955 : i32 to vector<16xi32>
    %shift_right_arithmetic3A_957 = arith.shrsi %mul3A_954, %shift_right_arithmetic3A_956 : vector<16xi32>
    %mul3A_958 = arith.constant 14 : i32
    %mul3A_959 = vector.broadcast %mul3A_958 : i32 to vector<16xi32>
    %mul3A_960 = arith.muli %mul3A_959, %shift_right_arithmetic3A_957 : vector<16xi32>
    %sub3A_961 = arith.subi %add3A_951, %mul3A_960 : vector<16xi32>
    %shift_right_arithmetic3A_962 = arith.constant 1 : i32
    %shift_right_arithmetic3A_963 = vector.broadcast %shift_right_arithmetic3A_962 : i32 to vector<16xi32>
    %shift_right_arithmetic3A_964 = arith.shrsi %sub3A_961, %shift_right_arithmetic3A_963 : vector<16xi32>
    %mul3A_965 = arith.constant 5 : i32
    %mul3A_966 = vector.broadcast %mul3A_965 : i32 to vector<16xi32>
    %mul3A_967 = arith.muli %mul3A_966, %shift_right_arithmetic3A_964 : vector<16xi32>
    %add3A_968 = arith.constant 1 : i32
    %add3A_969 = vector.broadcast %add3A_968 : i32 to vector<16xi32>
    %add3A_970 = arith.addi %mul3A_967, %add3A_969 : vector<16xi32>
    %and3A_971 = arith.constant 1 : i32
    %and3A_972 = vector.broadcast %and3A_971 : i32 to vector<16xi32>
    %and3A_973 = arith.andi %sub3A_961, %and3A_972 : vector<16xi32>
    %mul3A_974 = arith.constant 2 : i32
    %mul3A_975 = vector.broadcast %mul3A_974 : i32 to vector<16xi32>
    %mul3A_976 = arith.muli %mul3A_975, %and3A_973 : vector<16xi32>
    %add3A_977 = arith.addi %add3A_970, %mul3A_976 : vector<16xi32>
    %add3A_978 = arith.constant 24 : i32
    %add3A_979 = vector.broadcast %add3A_978 : i32 to vector<16xi32>
    %add3A_980 = arith.addi %add3A_979, %shift_right_arithmetic3A_957 : vector<16xi32>
    %gather3A_981 = tpu.vector_load_idx %arg6[%add3A_980, %add3A_977] : memref<512x35xi32, #tpu.memory_space<vmem>>[vector<16xi32>, vector<16xi32>], vector<16xi32>,
    %add3A_982 = arith.constant 1 : i32
    %add3A_983 = vector.broadcast %add3A_982 : i32 to vector<16xi32>
    %add3A_984 = arith.addi %add3A_977, %add3A_983 : vector<16xi32>
    %gather3A_985 = tpu.vector_load_idx %arg6[%add3A_980, %add3A_984] : memref<512x35xi32, #tpu.memory_space<vmem>>[vector<16xi32>, vector<16xi32>], vector<16xi32>,
    %mul3A_986 = arith.constant 7 : i32
    %mul3A_987 = vector.broadcast %mul3A_986 : i32 to vector<16xi32>
    %mul3A_988 = arith.muli %gather3A_981, %mul3A_987 : vector<16xi32>
    %add3A_989 = arith.addi %mul3A_988, %gather3A_985 : vector<16xi32>
    %swap3A_990 = arith.constant 352 : index
    %swap3A_991 = tpu.vector_load %arg7[%swap3A_990] {strides = array<i32>} : memref<7168xi32, #tpu.memory_space<vmem>>, vector<16xi32>,
    tpu.vector_store %arg7[%swap3A_990], %add3A_989 {strides = array<i32>} : memref<7168xi32, #tpu.memory_space<vmem>>, vector<16xi32>,
    %add3A_992 = arith.constant 32 : i32
    %add3A_993 = vector.broadcast %add3A_992 : i32 to vector<16xi32>
    %add3A_994 = arith.addi %add3A_993, %iota3A_905 : vector<16xi32>
    %mul3A_995 = arith.constant 2341 : i32
    %mul3A_996 = vector.broadcast %mul3A_995 : i32 to vector<16xi32>
    %mul3A_997 = arith.muli %add3A_994, %mul3A_996 : vector<16xi32>
    %shift_right_arithmetic3A_998 = arith.constant 15 : i32
    %shift_right_arithmetic3A_999 = vector.broadcast %shift_right_arithmetic3A_998 : i32 to vector<16xi32>
    %shift_right_arithmetic3A_1000 = arith.shrsi %mul3A_997, %shift_right_arithmetic3A_999 : vector<16xi32>
    %mul3A_1001 = arith.constant 14 : i32
    %mul3A_1002 = vector.broadcast %mul3A_1001 : i32 to vector<16xi32>
    %mul3A_1003 = arith.muli %mul3A_1002, %shift_right_arithmetic3A_1000 : vector<16xi32>
    %sub3A_1004 = arith.subi %add3A_994, %mul3A_1003 : vector<16xi32>
    %shift_right_arithmetic3A_1005 = arith.constant 1 : i32
    %shift_right_arithmetic3A_1006 = vector.broadcast %shift_right_arithmetic3A_1005 : i32 to vector<16xi32>
    %shift_right_arithmetic3A_1007 = arith.shrsi %sub3A_1004, %shift_right_arithmetic3A_1006 : vector<16xi32>
    %mul3A_1008 = arith.constant 5 : i32
    %mul3A_1009 = vector.broadcast %mul3A_1008 : i32 to vector<16xi32>
    %mul3A_1010 = arith.muli %mul3A_1009, %shift_right_arithmetic3A_1007 : vector<16xi32>
    %add3A_1011 = arith.constant 1 : i32
    %add3A_1012 = vector.broadcast %add3A_1011 : i32 to vector<16xi32>
    %add3A_1013 = arith.addi %mul3A_1010, %add3A_1012 : vector<16xi32>
    %and3A_1014 = arith.constant 1 : i32
    %and3A_1015 = vector.broadcast %and3A_1014 : i32 to vector<16xi32>
    %and3A_1016 = arith.andi %sub3A_1004, %and3A_1015 : vector<16xi32>
    %mul3A_1017 = arith.constant 2 : i32
    %mul3A_1018 = vector.broadcast %mul3A_1017 : i32 to vector<16xi32>
    %mul3A_1019 = arith.muli %mul3A_1018, %and3A_1016 : vector<16xi32>
    %add3A_1020 = arith.addi %add3A_1013, %mul3A_1019 : vector<16xi32>
    %add3A_1021 = arith.constant 24 : i32
    %add3A_1022 = vector.broadcast %add3A_1021 : i32 to vector<16xi32>
    %add3A_1023 = arith.addi %add3A_1022, %shift_right_arithmetic3A_1000 : vector<16xi32>
    %gather3A_1024 = tpu.vector_load_idx %arg6[%add3A_1023, %add3A_1020] : memref<512x35xi32, #tpu.memory_space<vmem>>[vector<16xi32>, vector<16xi32>], vector<16xi32>,
    %add3A_1025 = arith.constant 1 : i32
    %add3A_1026 = vector.broadcast %add3A_1025 : i32 to vector<16xi32>
    %add3A_1027 = arith.addi %add3A_1020, %add3A_1026 : vector<16xi32>
    %gather3A_1028 = tpu.vector_load_idx %arg6[%add3A_1023, %add3A_1027] : memref<512x35xi32, #tpu.memory_space<vmem>>[vector<16xi32>, vector<16xi32>], vector<16xi32>,
    %mul3A_1029 = arith.constant 7 : i32
    %mul3A_1030 = vector.broadcast %mul3A_1029 : i32 to vector<16xi32>
    %mul3A_1031 = arith.muli %gather3A_1024, %mul3A_1030 : vector<16xi32>
    %add3A_1032 = arith.addi %mul3A_1031, %gather3A_1028 : vector<16xi32>
    %swap3A_1033 = arith.constant 368 : index
    %swap3A_1034 = tpu.vector_load %arg7[%swap3A_1033] {strides = array<i32>} : memref<7168xi32, #tpu.memory_space<vmem>>, vector<16xi32>,
    tpu.vector_store %arg7[%swap3A_1033], %add3A_1032 {strides = array<i32>} : memref<7168xi32, #tpu.memory_space<vmem>>, vector<16xi32>,
    %add3A_1035 = arith.constant 48 : i32
    %add3A_1036 = vector.broadcast %add3A_1035 : i32 to vector<16xi32>
    %add3A_1037 = arith.addi %add3A_1036, %iota3A_905 : vector<16xi32>
    %mul3A_1038 = arith.constant 2341 : i32
    %mul3A_1039 = vector.broadcast %mul3A_1038 : i32 to vector<16xi32>
    %mul3A_1040 = arith.muli %add3A_1037, %mul3A_1039 : vector<16xi32>
    %shift_right_arithmetic3A_1041 = arith.constant 15 : i32
    %shift_right_arithmetic3A_1042 = vector.broadcast %shift_right_arithmetic3A_1041 : i32 to vector<16xi32>
    %shift_right_arithmetic3A_1043 = arith.shrsi %mul3A_1040, %shift_right_arithmetic3A_1042 : vector<16xi32>
    %mul3A_1044 = arith.constant 14 : i32
    %mul3A_1045 = vector.broadcast %mul3A_1044 : i32 to vector<16xi32>
    %mul3A_1046 = arith.muli %mul3A_1045, %shift_right_arithmetic3A_1043 : vector<16xi32>
    %sub3A_1047 = arith.subi %add3A_1037, %mul3A_1046 : vector<16xi32>
    %shift_right_arithmetic3A_1048 = arith.constant 1 : i32
    %shift_right_arithmetic3A_1049 = vector.broadcast %shift_right_arithmetic3A_1048 : i32 to vector<16xi32>
    %shift_right_arithmetic3A_1050 = arith.shrsi %sub3A_1047, %shift_right_arithmetic3A_1049 : vector<16xi32>
    %mul3A_1051 = arith.constant 5 : i32
    %mul3A_1052 = vector.broadcast %mul3A_1051 : i32 to vector<16xi32>
    %mul3A_1053 = arith.muli %mul3A_1052, %shift_right_arithmetic3A_1050 : vector<16xi32>
    %add3A_1054 = arith.constant 1 : i32
    %add3A_1055 = vector.broadcast %add3A_1054 : i32 to vector<16xi32>
    %add3A_1056 = arith.addi %mul3A_1053, %add3A_1055 : vector<16xi32>
    %and3A_1057 = arith.constant 1 : i32
    %and3A_1058 = vector.broadcast %and3A_1057 : i32 to vector<16xi32>
    %and3A_1059 = arith.andi %sub3A_1047, %and3A_1058 : vector<16xi32>
    %mul3A_1060 = arith.constant 2 : i32
    %mul3A_1061 = vector.broadcast %mul3A_1060 : i32 to vector<16xi32>
    %mul3A_1062 = arith.muli %mul3A_1061, %and3A_1059 : vector<16xi32>
    %add3A_1063 = arith.addi %add3A_1056, %mul3A_1062 : vector<16xi32>
    %add3A_1064 = arith.constant 24 : i32
    %add3A_1065 = vector.broadcast %add3A_1064 : i32 to vector<16xi32>
    %add3A_1066 = arith.addi %add3A_1065, %shift_right_arithmetic3A_1043 : vector<16xi32>
    %gather3A_1067 = tpu.vector_load_idx %arg6[%add3A_1066, %add3A_1063] : memref<512x35xi32, #tpu.memory_space<vmem>>[vector<16xi32>, vector<16xi32>], vector<16xi32>,
    %add3A_1068 = arith.constant 1 : i32
    %add3A_1069 = vector.broadcast %add3A_1068 : i32 to vector<16xi32>
    %add3A_1070 = arith.addi %add3A_1063, %add3A_1069 : vector<16xi32>
    %gather3A_1071 = tpu.vector_load_idx %arg6[%add3A_1066, %add3A_1070] : memref<512x35xi32, #tpu.memory_space<vmem>>[vector<16xi32>, vector<16xi32>], vector<16xi32>,
    %mul3A_1072 = arith.constant 7 : i32
    %mul3A_1073 = vector.broadcast %mul3A_1072 : i32 to vector<16xi32>
    %mul3A_1074 = arith.muli %gather3A_1067, %mul3A_1073 : vector<16xi32>
    %add3A_1075 = arith.addi %mul3A_1074, %gather3A_1071 : vector<16xi32>
    %swap3A_1076 = arith.constant 384 : index
    %swap3A_1077 = tpu.vector_load %arg7[%swap3A_1076] {strides = array<i32>} : memref<7168xi32, #tpu.memory_space<vmem>>, vector<16xi32>,
    tpu.vector_store %arg7[%swap3A_1076], %add3A_1075 {strides = array<i32>} : memref<7168xi32, #tpu.memory_space<vmem>>, vector<16xi32>,
    %add3A_1078 = arith.constant 64 : i32
    %add3A_1079 = vector.broadcast %add3A_1078 : i32 to vector<16xi32>
    %add3A_1080 = arith.addi %add3A_1079, %iota3A_905 : vector<16xi32>
    %mul3A_1081 = arith.constant 2341 : i32
    %mul3A_1082 = vector.broadcast %mul3A_1081 : i32 to vector<16xi32>
    %mul3A_1083 = arith.muli %add3A_1080, %mul3A_1082 : vector<16xi32>
    %shift_right_arithmetic3A_1084 = arith.constant 15 : i32
    %shift_right_arithmetic3A_1085 = vector.broadcast %shift_right_arithmetic3A_1084 : i32 to vector<16xi32>
    %shift_right_arithmetic3A_1086 = arith.shrsi %mul3A_1083, %shift_right_arithmetic3A_1085 : vector<16xi32>
    %mul3A_1087 = arith.constant 14 : i32
    %mul3A_1088 = vector.broadcast %mul3A_1087 : i32 to vector<16xi32>
    %mul3A_1089 = arith.muli %mul3A_1088, %shift_right_arithmetic3A_1086 : vector<16xi32>
    %sub3A_1090 = arith.subi %add3A_1080, %mul3A_1089 : vector<16xi32>
    %shift_right_arithmetic3A_1091 = arith.constant 1 : i32
    %shift_right_arithmetic3A_1092 = vector.broadcast %shift_right_arithmetic3A_1091 : i32 to vector<16xi32>
    %shift_right_arithmetic3A_1093 = arith.shrsi %sub3A_1090, %shift_right_arithmetic3A_1092 : vector<16xi32>
    %mul3A_1094 = arith.constant 5 : i32
    %mul3A_1095 = vector.broadcast %mul3A_1094 : i32 to vector<16xi32>
    %mul3A_1096 = arith.muli %mul3A_1095, %shift_right_arithmetic3A_1093 : vector<16xi32>
    %add3A_1097 = arith.constant 1 : i32
    %add3A_1098 = vector.broadcast %add3A_1097 : i32 to vector<16xi32>
    %add3A_1099 = arith.addi %mul3A_1096, %add3A_1098 : vector<16xi32>
    %and3A_1100 = arith.constant 1 : i32
    %and3A_1101 = vector.broadcast %and3A_1100 : i32 to vector<16xi32>
    %and3A_1102 = arith.andi %sub3A_1090, %and3A_1101 : vector<16xi32>
    %mul3A_1103 = arith.constant 2 : i32
    %mul3A_1104 = vector.broadcast %mul3A_1103 : i32 to vector<16xi32>
    %mul3A_1105 = arith.muli %mul3A_1104, %and3A_1102 : vector<16xi32>
    %add3A_1106 = arith.addi %add3A_1099, %mul3A_1105 : vector<16xi32>
    %add3A_1107 = arith.constant 24 : i32
    %add3A_1108 = vector.broadcast %add3A_1107 : i32 to vector<16xi32>
    %add3A_1109 = arith.addi %add3A_1108, %shift_right_arithmetic3A_1086 : vector<16xi32>
    %gather3A_1110 = tpu.vector_load_idx %arg6[%add3A_1109, %add3A_1106] : memref<512x35xi32, #tpu.memory_space<vmem>>[vector<16xi32>, vector<16xi32>], vector<16xi32>,
    %add3A_1111 = arith.constant 1 : i32
    %add3A_1112 = vector.broadcast %add3A_1111 : i32 to vector<16xi32>
    %add3A_1113 = arith.addi %add3A_1106, %add3A_1112 : vector<16xi32>
    %gather3A_1114 = tpu.vector_load_idx %arg6[%add3A_1109, %add3A_1113] : memref<512x35xi32, #tpu.memory_space<vmem>>[vector<16xi32>, vector<16xi32>], vector<16xi32>,
    %mul3A_1115 = arith.constant 7 : i32
    %mul3A_1116 = vector.broadcast %mul3A_1115 : i32 to vector<16xi32>
    %mul3A_1117 = arith.muli %gather3A_1110, %mul3A_1116 : vector<16xi32>
    %add3A_1118 = arith.addi %mul3A_1117, %gather3A_1114 : vector<16xi32>
    %swap3A_1119 = arith.constant 400 : index
    %swap3A_1120 = tpu.vector_load %arg7[%swap3A_1119] {strides = array<i32>} : memref<7168xi32, #tpu.memory_space<vmem>>, vector<16xi32>,
    tpu.vector_store %arg7[%swap3A_1119], %add3A_1118 {strides = array<i32>} : memref<7168xi32, #tpu.memory_space<vmem>>, vector<16xi32>,
    %add3A_1121 = arith.constant 80 : i32
    %add3A_1122 = vector.broadcast %add3A_1121 : i32 to vector<16xi32>
    %add3A_1123 = arith.addi %add3A_1122, %iota3A_905 : vector<16xi32>
    %mul3A_1124 = arith.constant 2341 : i32
    %mul3A_1125 = vector.broadcast %mul3A_1124 : i32 to vector<16xi32>
    %mul3A_1126 = arith.muli %add3A_1123, %mul3A_1125 : vector<16xi32>
    %shift_right_arithmetic3A_1127 = arith.constant 15 : i32
    %shift_right_arithmetic3A_1128 = vector.broadcast %shift_right_arithmetic3A_1127 : i32 to vector<16xi32>
    %shift_right_arithmetic3A_1129 = arith.shrsi %mul3A_1126, %shift_right_arithmetic3A_1128 : vector<16xi32>
    %mul3A_1130 = arith.constant 14 : i32
    %mul3A_1131 = vector.broadcast %mul3A_1130 : i32 to vector<16xi32>
    %mul3A_1132 = arith.muli %mul3A_1131, %shift_right_arithmetic3A_1129 : vector<16xi32>
    %sub3A_1133 = arith.subi %add3A_1123, %mul3A_1132 : vector<16xi32>
    %shift_right_arithmetic3A_1134 = arith.constant 1 : i32
    %shift_right_arithmetic3A_1135 = vector.broadcast %shift_right_arithmetic3A_1134 : i32 to vector<16xi32>
    %shift_right_arithmetic3A_1136 = arith.shrsi %sub3A_1133, %shift_right_arithmetic3A_1135 : vector<16xi32>
    %mul3A_1137 = arith.constant 5 : i32
    %mul3A_1138 = vector.broadcast %mul3A_1137 : i32 to vector<16xi32>
    %mul3A_1139 = arith.muli %mul3A_1138, %shift_right_arithmetic3A_1136 : vector<16xi32>
    %add3A_1140 = arith.constant 1 : i32
    %add3A_1141 = vector.broadcast %add3A_1140 : i32 to vector<16xi32>
    %add3A_1142 = arith.addi %mul3A_1139, %add3A_1141 : vector<16xi32>
    %and3A_1143 = arith.constant 1 : i32
    %and3A_1144 = vector.broadcast %and3A_1143 : i32 to vector<16xi32>
    %and3A_1145 = arith.andi %sub3A_1133, %and3A_1144 : vector<16xi32>
    %mul3A_1146 = arith.constant 2 : i32
    %mul3A_1147 = vector.broadcast %mul3A_1146 : i32 to vector<16xi32>
    %mul3A_1148 = arith.muli %mul3A_1147, %and3A_1145 : vector<16xi32>
    %add3A_1149 = arith.addi %add3A_1142, %mul3A_1148 : vector<16xi32>
    %add3A_1150 = arith.constant 24 : i32
    %add3A_1151 = vector.broadcast %add3A_1150 : i32 to vector<16xi32>
    %add3A_1152 = arith.addi %add3A_1151, %shift_right_arithmetic3A_1129 : vector<16xi32>
    %gather3A_1153 = tpu.vector_load_idx %arg6[%add3A_1152, %add3A_1149] : memref<512x35xi32, #tpu.memory_space<vmem>>[vector<16xi32>, vector<16xi32>], vector<16xi32>,
    %add3A_1154 = arith.constant 1 : i32
    %add3A_1155 = vector.broadcast %add3A_1154 : i32 to vector<16xi32>
    %add3A_1156 = arith.addi %add3A_1149, %add3A_1155 : vector<16xi32>
    %gather3A_1157 = tpu.vector_load_idx %arg6[%add3A_1152, %add3A_1156] : memref<512x35xi32, #tpu.memory_space<vmem>>[vector<16xi32>, vector<16xi32>], vector<16xi32>,
    %mul3A_1158 = arith.constant 7 : i32
    %mul3A_1159 = vector.broadcast %mul3A_1158 : i32 to vector<16xi32>
    %mul3A_1160 = arith.muli %gather3A_1153, %mul3A_1159 : vector<16xi32>
    %add3A_1161 = arith.addi %mul3A_1160, %gather3A_1157 : vector<16xi32>
    %swap3A_1162 = arith.constant 416 : index
    %swap3A_1163 = tpu.vector_load %arg7[%swap3A_1162] {strides = array<i32>} : memref<7168xi32, #tpu.memory_space<vmem>>, vector<16xi32>,
    tpu.vector_store %arg7[%swap3A_1162], %add3A_1161 {strides = array<i32>} : memref<7168xi32, #tpu.memory_space<vmem>>, vector<16xi32>,
    %add3A_1164 = arith.constant 96 : i32
    %add3A_1165 = vector.broadcast %add3A_1164 : i32 to vector<16xi32>
    %add3A_1166 = arith.addi %add3A_1165, %iota3A_905 : vector<16xi32>
    %mul3A_1167 = arith.constant 2341 : i32
    %mul3A_1168 = vector.broadcast %mul3A_1167 : i32 to vector<16xi32>
    %mul3A_1169 = arith.muli %add3A_1166, %mul3A_1168 : vector<16xi32>
    %shift_right_arithmetic3A_1170 = arith.constant 15 : i32
    %shift_right_arithmetic3A_1171 = vector.broadcast %shift_right_arithmetic3A_1170 : i32 to vector<16xi32>
    %shift_right_arithmetic3A_1172 = arith.shrsi %mul3A_1169, %shift_right_arithmetic3A_1171 : vector<16xi32>
    %mul3A_1173 = arith.constant 14 : i32
    %mul3A_1174 = vector.broadcast %mul3A_1173 : i32 to vector<16xi32>
    %mul3A_1175 = arith.muli %mul3A_1174, %shift_right_arithmetic3A_1172 : vector<16xi32>
    %sub3A_1176 = arith.subi %add3A_1166, %mul3A_1175 : vector<16xi32>
    %shift_right_arithmetic3A_1177 = arith.constant 1 : i32
    %shift_right_arithmetic3A_1178 = vector.broadcast %shift_right_arithmetic3A_1177 : i32 to vector<16xi32>
    %shift_right_arithmetic3A_1179 = arith.shrsi %sub3A_1176, %shift_right_arithmetic3A_1178 : vector<16xi32>
    %mul3A_1180 = arith.constant 5 : i32
    %mul3A_1181 = vector.broadcast %mul3A_1180 : i32 to vector<16xi32>
    %mul3A_1182 = arith.muli %mul3A_1181, %shift_right_arithmetic3A_1179 : vector<16xi32>
    %add3A_1183 = arith.constant 1 : i32
    %add3A_1184 = vector.broadcast %add3A_1183 : i32 to vector<16xi32>
    %add3A_1185 = arith.addi %mul3A_1182, %add3A_1184 : vector<16xi32>
    %and3A_1186 = arith.constant 1 : i32
    %and3A_1187 = vector.broadcast %and3A_1186 : i32 to vector<16xi32>
    %and3A_1188 = arith.andi %sub3A_1176, %and3A_1187 : vector<16xi32>
    %mul3A_1189 = arith.constant 2 : i32
    %mul3A_1190 = vector.broadcast %mul3A_1189 : i32 to vector<16xi32>
    %mul3A_1191 = arith.muli %mul3A_1190, %and3A_1188 : vector<16xi32>
    %add3A_1192 = arith.addi %add3A_1185, %mul3A_1191 : vector<16xi32>
    %add3A_1193 = arith.constant 24 : i32
    %add3A_1194 = vector.broadcast %add3A_1193 : i32 to vector<16xi32>
    %add3A_1195 = arith.addi %add3A_1194, %shift_right_arithmetic3A_1172 : vector<16xi32>
    %gather3A_1196 = tpu.vector_load_idx %arg6[%add3A_1195, %add3A_1192] : memref<512x35xi32, #tpu.memory_space<vmem>>[vector<16xi32>, vector<16xi32>], vector<16xi32>,
    %add3A_1197 = arith.constant 1 : i32
    %add3A_1198 = vector.broadcast %add3A_1197 : i32 to vector<16xi32>
    %add3A_1199 = arith.addi %add3A_1192, %add3A_1198 : vector<16xi32>
    %gather3A_1200 = tpu.vector_load_idx %arg6[%add3A_1195, %add3A_1199] : memref<512x35xi32, #tpu.memory_space<vmem>>[vector<16xi32>, vector<16xi32>], vector<16xi32>,
    %mul3A_1201 = arith.constant 7 : i32
    %mul3A_1202 = vector.broadcast %mul3A_1201 : i32 to vector<16xi32>
    %mul3A_1203 = arith.muli %gather3A_1196, %mul3A_1202 : vector<16xi32>
    %add3A_1204 = arith.addi %mul3A_1203, %gather3A_1200 : vector<16xi32>
    %swap3A_1205 = arith.constant 432 : index
    %swap3A_1206 = tpu.vector_load %arg7[%swap3A_1205] {strides = array<i32>} : memref<7168xi32, #tpu.memory_space<vmem>>, vector<16xi32>,
    tpu.vector_store %arg7[%swap3A_1205], %add3A_1204 {strides = array<i32>} : memref<7168xi32, #tpu.memory_space<vmem>>, vector<16xi32>,
    %barrier3A = arith.constant 0 : index
    tpu.barrier barrier_id(%barrier3A)
    %dma_start3A = arith.constant 0 : i32
    %dma_start3A_1207 = arith.constant 0 : i32
    %dma_start3A_1208 = arith.constant 0 : i32
    %dma_start3A_1209 = tpu.memref_slice %arg8[%dma_start3A, %dma_start3A_1207, %dma_start3A_1208] : memref<2x224x128xf32, #tpu.memory_space<vmem>> -> memref<1x224x128xf32, #tpu.memory_space<vmem>>
    %dma_start3A_1210 = tpu.memref_squeeze %dma_start3A_1209 : memref<1x224x128xf32, #tpu.memory_space<vmem>> -> memref<224x128xf32, #tpu.memory_space<vmem>>
    %dma_start3A_1211 = arith.constant 0 : i32
    %dma_start3A_1212 = arith.constant 0 : i32
    %dma_start3A_1213 = tpu.memref_slice %dma_start3A_1210[%dma_start3A_1211, %dma_start3A_1212] : memref<224x128xf32, #tpu.memory_space<vmem>> -> memref<112x128xf32, #tpu.memory_space<vmem>>
    %dma_start3A_1214 = arith.constant 0 : i32
    %dma_start3A_1215 = tpu.memref_slice %arg7[%dma_start3A_1214] : memref<7168xi32, #tpu.memory_space<vmem>> -> memref<112xi32, #tpu.memory_space<vmem>>
    %dma_start3A_1216 = arith.constant 0 : i32
    %dma_start3A_1217 = arith.constant 0 : i32
    %dma_start3A_1218 = tpu.memref_slice %arg5[%dma_start3A_1216, %dma_start3A_1217] : memref<49x128xf32, #tpu.memory_space<vmem_shared>> -> memref<49x128xf32, #tpu.memory_space<vmem_shared>>
    tpu.enqueue_indirect_dma source(%dma_start3A_1218 : memref<49x128xf32, #tpu.memory_space<vmem_shared>>) target(%dma_start3A_1213 : memref<112x128xf32, #tpu.memory_space<vmem>>) offsets(%dma_start3A_1215 : memref<112xi32, #tpu.memory_space<vmem>>) semaphore(%arg9 : memref<!tpu.dma_semaphore, #tpu.memory_space<semaphore_mem>>)
    %dma_start3A_1219 = arith.constant 0 : i32
    %dma_start3A_1220 = arith.constant 0 : i32
    %dma_start3A_1221 = arith.constant 0 : i32
    %dma_start3A_1222 = tpu.memref_slice %arg8[%dma_start3A_1219, %dma_start3A_1220, %dma_start3A_1221] : memref<2x224x128xf32, #tpu.memory_space<vmem>> -> memref<1x224x128xf32, #tpu.memory_space<vmem>>
    %dma_start3A_1223 = tpu.memref_squeeze %dma_start3A_1222 : memref<1x224x128xf32, #tpu.memory_space<vmem>> -> memref<224x128xf32, #tpu.memory_space<vmem>>
    %dma_start3A_1224 = arith.constant 112 : i32
    %dma_start3A_1225 = arith.constant 0 : i32
    %dma_start3A_1226 = tpu.memref_slice %dma_start3A_1223[%dma_start3A_1224, %dma_start3A_1225] : memref<224x128xf32, #tpu.memory_space<vmem>> -> memref<112x128xf32, #tpu.memory_space<vmem>>
    %dma_start3A_1227 = arith.constant 112 : i32
    %dma_start3A_1228 = tpu.memref_slice %arg7[%dma_start3A_1227] : memref<7168xi32, #tpu.memory_space<vmem>> -> memref<112xi32, #tpu.memory_space<vmem>>
    %dma_start3A_1229 = arith.constant 0 : i32
    %dma_start3A_1230 = arith.constant 0 : i32
    %dma_start3A_1231 = tpu.memref_slice %arg5[%dma_start3A_1229, %dma_start3A_1230] : memref<49x128xf32, #tpu.memory_space<vmem_shared>> -> memref<49x128xf32, #tpu.memory_space<vmem_shared>>
    tpu.enqueue_indirect_dma source(%dma_start3A_1231 : memref<49x128xf32, #tpu.memory_space<vmem_shared>>) target(%dma_start3A_1226 : memref<112x128xf32, #tpu.memory_space<vmem>>) offsets(%dma_start3A_1228 : memref<112xi32, #tpu.memory_space<vmem>>) semaphore(%arg9 : memref<!tpu.dma_semaphore, #tpu.memory_space<semaphore_mem>>)
    %scan3A = arith.constant 0 : i32
    %scan3A_1232 = arith.constant 0 : i32
    %scan3A_1233 = arith.constant 32 : i32
    %scan3A_1234 = arith.addi %scan3A_1232, %scan3A_1233 : i32
    %scan3A_1235 = arith.constant 1 : i32
    scf.for %scan3A_1253 = %scan3A_1232 to %scan3A_1234 step %scan3A_1235  : i32 {
      %jit3A = arith.constant 2 : i32
      %eq3A_1254 = arith.constant 0 : i32
      %eq3A_1255 = arith.cmpi eq, %jit3A, %eq3A_1254 : i32
      %jit3A_1256 = arith.constant 1 : i32
      %select_n3A = arith.select %eq3A_1255, %jit3A_1256, %jit3A : i32
      %rem3A = arith.remsi %scan3A_1253, %select_n3A : i32
      %ne3A = arith.constant 0 : i32
      %ne3A_1257 = arith.cmpi ne, %rem3A, %ne3A : i32
      %lt3A = arith.constant 0 : i32
      %lt3A_1258 = arith.cmpi slt, %rem3A, %lt3A : i32
      %lt3A_1259 = arith.constant 0 : i32
      %lt3A_1260 = arith.cmpi slt, %select_n3A, %lt3A_1259 : i32
      %ne3A_1261 = arith.xori %lt3A_1258, %lt3A_1260 : i1
      %and3A_1262 = arith.andi %ne3A_1261, %ne3A_1257 : i1
      %add3A_1263 = arith.addi %rem3A, %select_n3A : i32
      %select_n3A_1264 = arith.select %and3A_1262, %add3A_1263, %rem3A : i32
      %add3A_1265 = arith.constant 1 : i32
      %add3A_1266 = arith.addi %scan3A_1253, %add3A_1265 : i32
      %jit3A_1267 = arith.constant 2 : i32
      %eq3A_1268 = arith.constant 0 : i32
      %eq3A_1269 = arith.cmpi eq, %jit3A_1267, %eq3A_1268 : i32
      %jit3A_1270 = arith.constant 1 : i32
      %select_n3A_1271 = arith.select %eq3A_1269, %jit3A_1270, %jit3A_1267 : i32
      %rem3A_1272 = arith.remsi %add3A_1266, %select_n3A_1271 : i32
      %ne3A_1273 = arith.constant 0 : i32
      %ne3A_1274 = arith.cmpi ne, %rem3A_1272, %ne3A_1273 : i32
      %lt3A_1275 = arith.constant 0 : i32
      %lt3A_1276 = arith.cmpi slt, %rem3A_1272, %lt3A_1275 : i32
      %lt3A_1277 = arith.constant 0 : i32
      %lt3A_1278 = arith.cmpi slt, %select_n3A_1271, %lt3A_1277 : i32
      %ne3A_1279 = arith.xori %lt3A_1276, %lt3A_1278 : i1
      %and3A_1280 = arith.andi %ne3A_1279, %ne3A_1274 : i1
      %add3A_1281 = arith.addi %rem3A_1272, %select_n3A_1271 : i32
      %select_n3A_1282 = arith.select %and3A_1280, %add3A_1281, %rem3A_1272 : i32
      %add3A_1283 = arith.constant 2 : i32
      %add3A_1284 = arith.addi %scan3A_1253, %add3A_1283 : i32
      %lt3A_1285 = arith.constant 32 : i32
      %lt3A_1286 = arith.cmpi slt, %add3A_1284, %lt3A_1285 : i32
      %convert_element_type3A_1287 = arith.extui %lt3A_1286 : i1 to i32
      %cond3A_1288 = arith.constant 0 : i32
      %cond3A_1289 = arith.cmpi ne, %convert_element_type3A_1287, %cond3A_1288 : i32
      scf.if %cond3A_1289 {
        %add3A_1352 = arith.constant 2 : i32
        %add3A_1353 = arith.addi %scan3A_1253, %add3A_1352 : i32
        %mul3A_1354 = arith.constant 2 : i32
        %mul3A_1355 = arith.muli %add3A_1353, %mul3A_1354 : i32
        %add3A_1356 = arith.constant 0 : i32
        %add3A_1357 = arith.addi %mul3A_1355, %add3A_1356 : i32
        %iota3A_1358 = tpu.iota {dimensions = array<i32: 0>} : vector<16xi32>
        %add3A_1359 = arith.constant 0 : i32
        %add3A_1360 = vector.broadcast %add3A_1359 : i32 to vector<16xi32>
        %add3A_1361 = arith.addi %add3A_1360, %iota3A_1358 : vector<16xi32>
        %mul3A_1362 = arith.constant 2341 : i32
        %mul3A_1363 = vector.broadcast %mul3A_1362 : i32 to vector<16xi32>
        %mul3A_1364 = arith.muli %add3A_1361, %mul3A_1363 : vector<16xi32>
        %shift_right_arithmetic3A_1365 = arith.constant 15 : i32
        %shift_right_arithmetic3A_1366 = vector.broadcast %shift_right_arithmetic3A_1365 : i32 to vector<16xi32>
        %shift_right_arithmetic3A_1367 = arith.shrsi %mul3A_1364, %shift_right_arithmetic3A_1366 : vector<16xi32>
        %mul3A_1368 = arith.constant 14 : i32
        %mul3A_1369 = vector.broadcast %mul3A_1368 : i32 to vector<16xi32>
        %mul3A_1370 = arith.muli %mul3A_1369, %shift_right_arithmetic3A_1367 : vector<16xi32>
        %sub3A_1371 = arith.subi %add3A_1361, %mul3A_1370 : vector<16xi32>
        %shift_right_arithmetic3A_1372 = arith.constant 1 : i32
        %shift_right_arithmetic3A_1373 = vector.broadcast %shift_right_arithmetic3A_1372 : i32 to vector<16xi32>
        %shift_right_arithmetic3A_1374 = arith.shrsi %sub3A_1371, %shift_right_arithmetic3A_1373 : vector<16xi32>
        %mul3A_1375 = arith.constant 5 : i32
        %mul3A_1376 = vector.broadcast %mul3A_1375 : i32 to vector<16xi32>
        %mul3A_1377 = arith.muli %mul3A_1376, %shift_right_arithmetic3A_1374 : vector<16xi32>
        %add3A_1378 = arith.constant 1 : i32
        %add3A_1379 = vector.broadcast %add3A_1378 : i32 to vector<16xi32>
        %add3A_1380 = arith.addi %mul3A_1377, %add3A_1379 : vector<16xi32>
        %and3A_1381 = arith.constant 1 : i32
        %and3A_1382 = vector.broadcast %and3A_1381 : i32 to vector<16xi32>
        %and3A_1383 = arith.andi %sub3A_1371, %and3A_1382 : vector<16xi32>
        %mul3A_1384 = arith.constant 2 : i32
        %mul3A_1385 = vector.broadcast %mul3A_1384 : i32 to vector<16xi32>
        %mul3A_1386 = arith.muli %mul3A_1385, %and3A_1383 : vector<16xi32>
        %add3A_1387 = arith.addi %add3A_1380, %mul3A_1386 : vector<16xi32>
        %mul3A_1388 = arith.constant 8 : i32
        %mul3A_1389 = arith.muli %add3A_1357, %mul3A_1388 : i32
        %add3A_1390 = vector.broadcast %mul3A_1389 : i32 to vector<16xi32>
        %add3A_1391 = arith.addi %add3A_1390, %shift_right_arithmetic3A_1367 : vector<16xi32>
        %gather3A_1392 = tpu.vector_load_idx %arg6[%add3A_1391, %add3A_1387] : memref<512x35xi32, #tpu.memory_space<vmem>>[vector<16xi32>, vector<16xi32>], vector<16xi32>,
        %add3A_1393 = arith.constant 1 : i32
        %add3A_1394 = vector.broadcast %add3A_1393 : i32 to vector<16xi32>
        %add3A_1395 = arith.addi %add3A_1387, %add3A_1394 : vector<16xi32>
        %gather3A_1396 = tpu.vector_load_idx %arg6[%add3A_1391, %add3A_1395] : memref<512x35xi32, #tpu.memory_space<vmem>>[vector<16xi32>, vector<16xi32>], vector<16xi32>,
        %mul3A_1397 = arith.constant 7 : i32
        %mul3A_1398 = vector.broadcast %mul3A_1397 : i32 to vector<16xi32>
        %mul3A_1399 = arith.muli %gather3A_1392, %mul3A_1398 : vector<16xi32>
        %add3A_1400 = arith.addi %mul3A_1399, %gather3A_1396 : vector<16xi32>
        %mul3A_1401 = arith.constant 112 : i32
        %mul3A_1402 = arith.muli %add3A_1357, %mul3A_1401 : i32
        %add3A_1403 = arith.constant 0 : i32
        %add3A_1404 = arith.addi %mul3A_1402, %add3A_1403 : i32
        %swap3A_1405 = arith.index_cast %add3A_1404 : i32 to index
        %swap3A_1406 = tpu.vector_load %arg7[%swap3A_1405] {strides = array<i32>} : memref<7168xi32, #tpu.memory_space<vmem>>, vector<16xi32>,
        tpu.vector_store %arg7[%swap3A_1405], %add3A_1400 {strides = array<i32>} : memref<7168xi32, #tpu.memory_space<vmem>>, vector<16xi32>,
        %add3A_1407 = arith.constant 16 : i32
        %add3A_1408 = vector.broadcast %add3A_1407 : i32 to vector<16xi32>
        %add3A_1409 = arith.addi %add3A_1408, %iota3A_1358 : vector<16xi32>
        %mul3A_1410 = arith.constant 2341 : i32
        %mul3A_1411 = vector.broadcast %mul3A_1410 : i32 to vector<16xi32>
        %mul3A_1412 = arith.muli %add3A_1409, %mul3A_1411 : vector<16xi32>
        %shift_right_arithmetic3A_1413 = arith.constant 15 : i32
        %shift_right_arithmetic3A_1414 = vector.broadcast %shift_right_arithmetic3A_1413 : i32 to vector<16xi32>
        %shift_right_arithmetic3A_1415 = arith.shrsi %mul3A_1412, %shift_right_arithmetic3A_1414 : vector<16xi32>
        %mul3A_1416 = arith.constant 14 : i32
        %mul3A_1417 = vector.broadcast %mul3A_1416 : i32 to vector<16xi32>
        %mul3A_1418 = arith.muli %mul3A_1417, %shift_right_arithmetic3A_1415 : vector<16xi32>
        %sub3A_1419 = arith.subi %add3A_1409, %mul3A_1418 : vector<16xi32>
        %shift_right_arithmetic3A_1420 = arith.constant 1 : i32
        %shift_right_arithmetic3A_1421 = vector.broadcast %shift_right_arithmetic3A_1420 : i32 to vector<16xi32>
        %shift_right_arithmetic3A_1422 = arith.shrsi %sub3A_1419, %shift_right_arithmetic3A_1421 : vector<16xi32>
        %mul3A_1423 = arith.constant 5 : i32
        %mul3A_1424 = vector.broadcast %mul3A_1423 : i32 to vector<16xi32>
        %mul3A_1425 = arith.muli %mul3A_1424, %shift_right_arithmetic3A_1422 : vector<16xi32>
        %add3A_1426 = arith.constant 1 : i32
        %add3A_1427 = vector.broadcast %add3A_1426 : i32 to vector<16xi32>
        %add3A_1428 = arith.addi %mul3A_1425, %add3A_1427 : vector<16xi32>
        %and3A_1429 = arith.constant 1 : i32
        %and3A_1430 = vector.broadcast %and3A_1429 : i32 to vector<16xi32>
        %and3A_1431 = arith.andi %sub3A_1419, %and3A_1430 : vector<16xi32>
        %mul3A_1432 = arith.constant 2 : i32
        %mul3A_1433 = vector.broadcast %mul3A_1432 : i32 to vector<16xi32>
        %mul3A_1434 = arith.muli %mul3A_1433, %and3A_1431 : vector<16xi32>
        %add3A_1435 = arith.addi %add3A_1428, %mul3A_1434 : vector<16xi32>
        %mul3A_1436 = arith.constant 8 : i32
        %mul3A_1437 = arith.muli %add3A_1357, %mul3A_1436 : i32
        %add3A_1438 = vector.broadcast %mul3A_1437 : i32 to vector<16xi32>
        %add3A_1439 = arith.addi %add3A_1438, %shift_right_arithmetic3A_1415 : vector<16xi32>
        %gather3A_1440 = tpu.vector_load_idx %arg6[%add3A_1439, %add3A_1435] : memref<512x35xi32, #tpu.memory_space<vmem>>[vector<16xi32>, vector<16xi32>], vector<16xi32>,
        %add3A_1441 = arith.constant 1 : i32
        %add3A_1442 = vector.broadcast %add3A_1441 : i32 to vector<16xi32>
        %add3A_1443 = arith.addi %add3A_1435, %add3A_1442 : vector<16xi32>
        %gather3A_1444 = tpu.vector_load_idx %arg6[%add3A_1439, %add3A_1443] : memref<512x35xi32, #tpu.memory_space<vmem>>[vector<16xi32>, vector<16xi32>], vector<16xi32>,
        %mul3A_1445 = arith.constant 7 : i32
        %mul3A_1446 = vector.broadcast %mul3A_1445 : i32 to vector<16xi32>
        %mul3A_1447 = arith.muli %gather3A_1440, %mul3A_1446 : vector<16xi32>
        %add3A_1448 = arith.addi %mul3A_1447, %gather3A_1444 : vector<16xi32>
        %mul3A_1449 = arith.constant 112 : i32
        %mul3A_1450 = arith.muli %add3A_1357, %mul3A_1449 : i32
        %add3A_1451 = arith.constant 16 : i32
        %add3A_1452 = arith.addi %mul3A_1450, %add3A_1451 : i32
        %swap3A_1453 = arith.index_cast %add3A_1452 : i32 to index
        %swap3A_1454 = tpu.vector_load %arg7[%swap3A_1453] {strides = array<i32>} : memref<7168xi32, #tpu.memory_space<vmem>>, vector<16xi32>,
        tpu.vector_store %arg7[%swap3A_1453], %add3A_1448 {strides = array<i32>} : memref<7168xi32, #tpu.memory_space<vmem>>, vector<16xi32>,
        %add3A_1455 = arith.constant 32 : i32
        %add3A_1456 = vector.broadcast %add3A_1455 : i32 to vector<16xi32>
        %add3A_1457 = arith.addi %add3A_1456, %iota3A_1358 : vector<16xi32>
        %mul3A_1458 = arith.constant 2341 : i32
        %mul3A_1459 = vector.broadcast %mul3A_1458 : i32 to vector<16xi32>
        %mul3A_1460 = arith.muli %add3A_1457, %mul3A_1459 : vector<16xi32>
        %shift_right_arithmetic3A_1461 = arith.constant 15 : i32
        %shift_right_arithmetic3A_1462 = vector.broadcast %shift_right_arithmetic3A_1461 : i32 to vector<16xi32>
        %shift_right_arithmetic3A_1463 = arith.shrsi %mul3A_1460, %shift_right_arithmetic3A_1462 : vector<16xi32>
        %mul3A_1464 = arith.constant 14 : i32
        %mul3A_1465 = vector.broadcast %mul3A_1464 : i32 to vector<16xi32>
        %mul3A_1466 = arith.muli %mul3A_1465, %shift_right_arithmetic3A_1463 : vector<16xi32>
        %sub3A_1467 = arith.subi %add3A_1457, %mul3A_1466 : vector<16xi32>
        %shift_right_arithmetic3A_1468 = arith.constant 1 : i32
        %shift_right_arithmetic3A_1469 = vector.broadcast %shift_right_arithmetic3A_1468 : i32 to vector<16xi32>
        %shift_right_arithmetic3A_1470 = arith.shrsi %sub3A_1467, %shift_right_arithmetic3A_1469 : vector<16xi32>
        %mul3A_1471 = arith.constant 5 : i32
        %mul3A_1472 = vector.broadcast %mul3A_1471 : i32 to vector<16xi32>
        %mul3A_1473 = arith.muli %mul3A_1472, %shift_right_arithmetic3A_1470 : vector<16xi32>
        %add3A_1474 = arith.constant 1 : i32
        %add3A_1475 = vector.broadcast %add3A_1474 : i32 to vector<16xi32>
        %add3A_1476 = arith.addi %mul3A_1473, %add3A_1475 : vector<16xi32>
        %and3A_1477 = arith.constant 1 : i32
        %and3A_1478 = vector.broadcast %and3A_1477 : i32 to vector<16xi32>
        %and3A_1479 = arith.andi %sub3A_1467, %and3A_1478 : vector<16xi32>
        %mul3A_1480 = arith.constant 2 : i32
        %mul3A_1481 = vector.broadcast %mul3A_1480 : i32 to vector<16xi32>
        %mul3A_1482 = arith.muli %mul3A_1481, %and3A_1479 : vector<16xi32>
        %add3A_1483 = arith.addi %add3A_1476, %mul3A_1482 : vector<16xi32>
        %mul3A_1484 = arith.constant 8 : i32
        %mul3A_1485 = arith.muli %add3A_1357, %mul3A_1484 : i32
        %add3A_1486 = vector.broadcast %mul3A_1485 : i32 to vector<16xi32>
        %add3A_1487 = arith.addi %add3A_1486, %shift_right_arithmetic3A_1463 : vector<16xi32>
        %gather3A_1488 = tpu.vector_load_idx %arg6[%add3A_1487, %add3A_1483] : memref<512x35xi32, #tpu.memory_space<vmem>>[vector<16xi32>, vector<16xi32>], vector<16xi32>,
        %add3A_1489 = arith.constant 1 : i32
        %add3A_1490 = vector.broadcast %add3A_1489 : i32 to vector<16xi32>
        %add3A_1491 = arith.addi %add3A_1483, %add3A_1490 : vector<16xi32>
        %gather3A_1492 = tpu.vector_load_idx %arg6[%add3A_1487, %add3A_1491] : memref<512x35xi32, #tpu.memory_space<vmem>>[vector<16xi32>, vector<16xi32>], vector<16xi32>,
        %mul3A_1493 = arith.constant 7 : i32
        %mul3A_1494 = vector.broadcast %mul3A_1493 : i32 to vector<16xi32>
        %mul3A_1495 = arith.muli %gather3A_1488, %mul3A_1494 : vector<16xi32>
        %add3A_1496 = arith.addi %mul3A_1495, %gather3A_1492 : vector<16xi32>
        %mul3A_1497 = arith.constant 112 : i32
        %mul3A_1498 = arith.muli %add3A_1357, %mul3A_1497 : i32
        %add3A_1499 = arith.constant 32 : i32
        %add3A_1500 = arith.addi %mul3A_1498, %add3A_1499 : i32
        %swap3A_1501 = arith.index_cast %add3A_1500 : i32 to index
        %swap3A_1502 = tpu.vector_load %arg7[%swap3A_1501] {strides = array<i32>} : memref<7168xi32, #tpu.memory_space<vmem>>, vector<16xi32>,
        tpu.vector_store %arg7[%swap3A_1501], %add3A_1496 {strides = array<i32>} : memref<7168xi32, #tpu.memory_space<vmem>>, vector<16xi32>,
        %add3A_1503 = arith.constant 48 : i32
        %add3A_1504 = vector.broadcast %add3A_1503 : i32 to vector<16xi32>
        %add3A_1505 = arith.addi %add3A_1504, %iota3A_1358 : vector<16xi32>
        %mul3A_1506 = arith.constant 2341 : i32
        %mul3A_1507 = vector.broadcast %mul3A_1506 : i32 to vector<16xi32>
        %mul3A_1508 = arith.muli %add3A_1505, %mul3A_1507 : vector<16xi32>
        %shift_right_arithmetic3A_1509 = arith.constant 15 : i32
        %shift_right_arithmetic3A_1510 = vector.broadcast %shift_right_arithmetic3A_1509 : i32 to vector<16xi32>
        %shift_right_arithmetic3A_1511 = arith.shrsi %mul3A_1508, %shift_right_arithmetic3A_1510 : vector<16xi32>
        %mul3A_1512 = arith.constant 14 : i32
        %mul3A_1513 = vector.broadcast %mul3A_1512 : i32 to vector<16xi32>
        %mul3A_1514 = arith.muli %mul3A_1513, %shift_right_arithmetic3A_1511 : vector<16xi32>
        %sub3A_1515 = arith.subi %add3A_1505, %mul3A_1514 : vector<16xi32>
        %shift_right_arithmetic3A_1516 = arith.constant 1 : i32
        %shift_right_arithmetic3A_1517 = vector.broadcast %shift_right_arithmetic3A_1516 : i32 to vector<16xi32>
        %shift_right_arithmetic3A_1518 = arith.shrsi %sub3A_1515, %shift_right_arithmetic3A_1517 : vector<16xi32>
        %mul3A_1519 = arith.constant 5 : i32
        %mul3A_1520 = vector.broadcast %mul3A_1519 : i32 to vector<16xi32>
        %mul3A_1521 = arith.muli %mul3A_1520, %shift_right_arithmetic3A_1518 : vector<16xi32>
        %add3A_1522 = arith.constant 1 : i32
        %add3A_1523 = vector.broadcast %add3A_1522 : i32 to vector<16xi32>
        %add3A_1524 = arith.addi %mul3A_1521, %add3A_1523 : vector<16xi32>
        %and3A_1525 = arith.constant 1 : i32
        %and3A_1526 = vector.broadcast %and3A_1525 : i32 to vector<16xi32>
        %and3A_1527 = arith.andi %sub3A_1515, %and3A_1526 : vector<16xi32>
        %mul3A_1528 = arith.constant 2 : i32
        %mul3A_1529 = vector.broadcast %mul3A_1528 : i32 to vector<16xi32>
        %mul3A_1530 = arith.muli %mul3A_1529, %and3A_1527 : vector<16xi32>
        %add3A_1531 = arith.addi %add3A_1524, %mul3A_1530 : vector<16xi32>
        %mul3A_1532 = arith.constant 8 : i32
        %mul3A_1533 = arith.muli %add3A_1357, %mul3A_1532 : i32
        %add3A_1534 = vector.broadcast %mul3A_1533 : i32 to vector<16xi32>
        %add3A_1535 = arith.addi %add3A_1534, %shift_right_arithmetic3A_1511 : vector<16xi32>
        %gather3A_1536 = tpu.vector_load_idx %arg6[%add3A_1535, %add3A_1531] : memref<512x35xi32, #tpu.memory_space<vmem>>[vector<16xi32>, vector<16xi32>], vector<16xi32>,
        %add3A_1537 = arith.constant 1 : i32
        %add3A_1538 = vector.broadcast %add3A_1537 : i32 to vector<16xi32>
        %add3A_1539 = arith.addi %add3A_1531, %add3A_1538 : vector<16xi32>
        %gather3A_1540 = tpu.vector_load_idx %arg6[%add3A_1535, %add3A_1539] : memref<512x35xi32, #tpu.memory_space<vmem>>[vector<16xi32>, vector<16xi32>], vector<16xi32>,
        %mul3A_1541 = arith.constant 7 : i32
        %mul3A_1542 = vector.broadcast %mul3A_1541 : i32 to vector<16xi32>
        %mul3A_1543 = arith.muli %gather3A_1536, %mul3A_1542 : vector<16xi32>
        %add3A_1544 = arith.addi %mul3A_1543, %gather3A_1540 : vector<16xi32>
        %mul3A_1545 = arith.constant 112 : i32
        %mul3A_1546 = arith.muli %add3A_1357, %mul3A_1545 : i32
        %add3A_1547 = arith.constant 48 : i32
        %add3A_1548 = arith.addi %mul3A_1546, %add3A_1547 : i32
        %swap3A_1549 = arith.index_cast %add3A_1548 : i32 to index
        %swap3A_1550 = tpu.vector_load %arg7[%swap3A_1549] {strides = array<i32>} : memref<7168xi32, #tpu.memory_space<vmem>>, vector<16xi32>,
        tpu.vector_store %arg7[%swap3A_1549], %add3A_1544 {strides = array<i32>} : memref<7168xi32, #tpu.memory_space<vmem>>, vector<16xi32>,
        %add3A_1551 = arith.constant 64 : i32
        %add3A_1552 = vector.broadcast %add3A_1551 : i32 to vector<16xi32>
        %add3A_1553 = arith.addi %add3A_1552, %iota3A_1358 : vector<16xi32>
        %mul3A_1554 = arith.constant 2341 : i32
        %mul3A_1555 = vector.broadcast %mul3A_1554 : i32 to vector<16xi32>
        %mul3A_1556 = arith.muli %add3A_1553, %mul3A_1555 : vector<16xi32>
        %shift_right_arithmetic3A_1557 = arith.constant 15 : i32
        %shift_right_arithmetic3A_1558 = vector.broadcast %shift_right_arithmetic3A_1557 : i32 to vector<16xi32>
        %shift_right_arithmetic3A_1559 = arith.shrsi %mul3A_1556, %shift_right_arithmetic3A_1558 : vector<16xi32>
        %mul3A_1560 = arith.constant 14 : i32
        %mul3A_1561 = vector.broadcast %mul3A_1560 : i32 to vector<16xi32>
        %mul3A_1562 = arith.muli %mul3A_1561, %shift_right_arithmetic3A_1559 : vector<16xi32>
        %sub3A_1563 = arith.subi %add3A_1553, %mul3A_1562 : vector<16xi32>
        %shift_right_arithmetic3A_1564 = arith.constant 1 : i32
        %shift_right_arithmetic3A_1565 = vector.broadcast %shift_right_arithmetic3A_1564 : i32 to vector<16xi32>
        %shift_right_arithmetic3A_1566 = arith.shrsi %sub3A_1563, %shift_right_arithmetic3A_1565 : vector<16xi32>
        %mul3A_1567 = arith.constant 5 : i32
        %mul3A_1568 = vector.broadcast %mul3A_1567 : i32 to vector<16xi32>
        %mul3A_1569 = arith.muli %mul3A_1568, %shift_right_arithmetic3A_1566 : vector<16xi32>
        %add3A_1570 = arith.constant 1 : i32
        %add3A_1571 = vector.broadcast %add3A_1570 : i32 to vector<16xi32>
        %add3A_1572 = arith.addi %mul3A_1569, %add3A_1571 : vector<16xi32>
        %and3A_1573 = arith.constant 1 : i32
        %and3A_1574 = vector.broadcast %and3A_1573 : i32 to vector<16xi32>
        %and3A_1575 = arith.andi %sub3A_1563, %and3A_1574 : vector<16xi32>
        %mul3A_1576 = arith.constant 2 : i32
        %mul3A_1577 = vector.broadcast %mul3A_1576 : i32 to vector<16xi32>
        %mul3A_1578 = arith.muli %mul3A_1577, %and3A_1575 : vector<16xi32>
        %add3A_1579 = arith.addi %add3A_1572, %mul3A_1578 : vector<16xi32>
        %mul3A_1580 = arith.constant 8 : i32
        %mul3A_1581 = arith.muli %add3A_1357, %mul3A_1580 : i32
        %add3A_1582 = vector.broadcast %mul3A_1581 : i32 to vector<16xi32>
        %add3A_1583 = arith.addi %add3A_1582, %shift_right_arithmetic3A_1559 : vector<16xi32>
        %gather3A_1584 = tpu.vector_load_idx %arg6[%add3A_1583, %add3A_1579] : memref<512x35xi32, #tpu.memory_space<vmem>>[vector<16xi32>, vector<16xi32>], vector<16xi32>,
        %add3A_1585 = arith.constant 1 : i32
        %add3A_1586 = vector.broadcast %add3A_1585 : i32 to vector<16xi32>
        %add3A_1587 = arith.addi %add3A_1579, %add3A_1586 : vector<16xi32>
        %gather3A_1588 = tpu.vector_load_idx %arg6[%add3A_1583, %add3A_1587] : memref<512x35xi32, #tpu.memory_space<vmem>>[vector<16xi32>, vector<16xi32>], vector<16xi32>,
        %mul3A_1589 = arith.constant 7 : i32
        %mul3A_1590 = vector.broadcast %mul3A_1589 : i32 to vector<16xi32>
        %mul3A_1591 = arith.muli %gather3A_1584, %mul3A_1590 : vector<16xi32>
        %add3A_1592 = arith.addi %mul3A_1591, %gather3A_1588 : vector<16xi32>
        %mul3A_1593 = arith.constant 112 : i32
        %mul3A_1594 = arith.muli %add3A_1357, %mul3A_1593 : i32
        %add3A_1595 = arith.constant 64 : i32
        %add3A_1596 = arith.addi %mul3A_1594, %add3A_1595 : i32
        %swap3A_1597 = arith.index_cast %add3A_1596 : i32 to index
        %swap3A_1598 = tpu.vector_load %arg7[%swap3A_1597] {strides = array<i32>} : memref<7168xi32, #tpu.memory_space<vmem>>, vector<16xi32>,
        tpu.vector_store %arg7[%swap3A_1597], %add3A_1592 {strides = array<i32>} : memref<7168xi32, #tpu.memory_space<vmem>>, vector<16xi32>,
        %add3A_1599 = arith.constant 80 : i32
        %add3A_1600 = vector.broadcast %add3A_1599 : i32 to vector<16xi32>
        %add3A_1601 = arith.addi %add3A_1600, %iota3A_1358 : vector<16xi32>
        %mul3A_1602 = arith.constant 2341 : i32
        %mul3A_1603 = vector.broadcast %mul3A_1602 : i32 to vector<16xi32>
        %mul3A_1604 = arith.muli %add3A_1601, %mul3A_1603 : vector<16xi32>
        %shift_right_arithmetic3A_1605 = arith.constant 15 : i32
        %shift_right_arithmetic3A_1606 = vector.broadcast %shift_right_arithmetic3A_1605 : i32 to vector<16xi32>
        %shift_right_arithmetic3A_1607 = arith.shrsi %mul3A_1604, %shift_right_arithmetic3A_1606 : vector<16xi32>
        %mul3A_1608 = arith.constant 14 : i32
        %mul3A_1609 = vector.broadcast %mul3A_1608 : i32 to vector<16xi32>
        %mul3A_1610 = arith.muli %mul3A_1609, %shift_right_arithmetic3A_1607 : vector<16xi32>
        %sub3A_1611 = arith.subi %add3A_1601, %mul3A_1610 : vector<16xi32>
        %shift_right_arithmetic3A_1612 = arith.constant 1 : i32
        %shift_right_arithmetic3A_1613 = vector.broadcast %shift_right_arithmetic3A_1612 : i32 to vector<16xi32>
        %shift_right_arithmetic3A_1614 = arith.shrsi %sub3A_1611, %shift_right_arithmetic3A_1613 : vector<16xi32>
        %mul3A_1615 = arith.constant 5 : i32
        %mul3A_1616 = vector.broadcast %mul3A_1615 : i32 to vector<16xi32>
        %mul3A_1617 = arith.muli %mul3A_1616, %shift_right_arithmetic3A_1614 : vector<16xi32>
        %add3A_1618 = arith.constant 1 : i32
        %add3A_1619 = vector.broadcast %add3A_1618 : i32 to vector<16xi32>
        %add3A_1620 = arith.addi %mul3A_1617, %add3A_1619 : vector<16xi32>
        %and3A_1621 = arith.constant 1 : i32
        %and3A_1622 = vector.broadcast %and3A_1621 : i32 to vector<16xi32>
        %and3A_1623 = arith.andi %sub3A_1611, %and3A_1622 : vector<16xi32>
        %mul3A_1624 = arith.constant 2 : i32
        %mul3A_1625 = vector.broadcast %mul3A_1624 : i32 to vector<16xi32>
        %mul3A_1626 = arith.muli %mul3A_1625, %and3A_1623 : vector<16xi32>
        %add3A_1627 = arith.addi %add3A_1620, %mul3A_1626 : vector<16xi32>
        %mul3A_1628 = arith.constant 8 : i32
        %mul3A_1629 = arith.muli %add3A_1357, %mul3A_1628 : i32
        %add3A_1630 = vector.broadcast %mul3A_1629 : i32 to vector<16xi32>
        %add3A_1631 = arith.addi %add3A_1630, %shift_right_arithmetic3A_1607 : vector<16xi32>
        %gather3A_1632 = tpu.vector_load_idx %arg6[%add3A_1631, %add3A_1627] : memref<512x35xi32, #tpu.memory_space<vmem>>[vector<16xi32>, vector<16xi32>], vector<16xi32>,
        %add3A_1633 = arith.constant 1 : i32
        %add3A_1634 = vector.broadcast %add3A_1633 : i32 to vector<16xi32>
        %add3A_1635 = arith.addi %add3A_1627, %add3A_1634 : vector<16xi32>
        %gather3A_1636 = tpu.vector_load_idx %arg6[%add3A_1631, %add3A_1635] : memref<512x35xi32, #tpu.memory_space<vmem>>[vector<16xi32>, vector<16xi32>], vector<16xi32>,
        %mul3A_1637 = arith.constant 7 : i32
        %mul3A_1638 = vector.broadcast %mul3A_1637 : i32 to vector<16xi32>
        %mul3A_1639 = arith.muli %gather3A_1632, %mul3A_1638 : vector<16xi32>
        %add3A_1640 = arith.addi %mul3A_1639, %gather3A_1636 : vector<16xi32>
        %mul3A_1641 = arith.constant 112 : i32
        %mul3A_1642 = arith.muli %add3A_1357, %mul3A_1641 : i32
        %add3A_1643 = arith.constant 80 : i32
        %add3A_1644 = arith.addi %mul3A_1642, %add3A_1643 : i32
        %swap3A_1645 = arith.index_cast %add3A_1644 : i32 to index
        %swap3A_1646 = tpu.vector_load %arg7[%swap3A_1645] {strides = array<i32>} : memref<7168xi32, #tpu.memory_space<vmem>>, vector<16xi32>,
        tpu.vector_store %arg7[%swap3A_1645], %add3A_1640 {strides = array<i32>} : memref<7168xi32, #tpu.memory_space<vmem>>, vector<16xi32>,
        %add3A_1647 = arith.constant 96 : i32
        %add3A_1648 = vector.broadcast %add3A_1647 : i32 to vector<16xi32>
        %add3A_1649 = arith.addi %add3A_1648, %iota3A_1358 : vector<16xi32>
        %mul3A_1650 = arith.constant 2341 : i32
        %mul3A_1651 = vector.broadcast %mul3A_1650 : i32 to vector<16xi32>
        %mul3A_1652 = arith.muli %add3A_1649, %mul3A_1651 : vector<16xi32>
        %shift_right_arithmetic3A_1653 = arith.constant 15 : i32
        %shift_right_arithmetic3A_1654 = vector.broadcast %shift_right_arithmetic3A_1653 : i32 to vector<16xi32>
        %shift_right_arithmetic3A_1655 = arith.shrsi %mul3A_1652, %shift_right_arithmetic3A_1654 : vector<16xi32>
        %mul3A_1656 = arith.constant 14 : i32
        %mul3A_1657 = vector.broadcast %mul3A_1656 : i32 to vector<16xi32>
        %mul3A_1658 = arith.muli %mul3A_1657, %shift_right_arithmetic3A_1655 : vector<16xi32>
        %sub3A_1659 = arith.subi %add3A_1649, %mul3A_1658 : vector<16xi32>
        %shift_right_arithmetic3A_1660 = arith.constant 1 : i32
        %shift_right_arithmetic3A_1661 = vector.broadcast %shift_right_arithmetic3A_1660 : i32 to vector<16xi32>
        %shift_right_arithmetic3A_1662 = arith.shrsi %sub3A_1659, %shift_right_arithmetic3A_1661 : vector<16xi32>
        %mul3A_1663 = arith.constant 5 : i32
        %mul3A_1664 = vector.broadcast %mul3A_1663 : i32 to vector<16xi32>
        %mul3A_1665 = arith.muli %mul3A_1664, %shift_right_arithmetic3A_1662 : vector<16xi32>
        %add3A_1666 = arith.constant 1 : i32
        %add3A_1667 = vector.broadcast %add3A_1666 : i32 to vector<16xi32>
        %add3A_1668 = arith.addi %mul3A_1665, %add3A_1667 : vector<16xi32>
        %and3A_1669 = arith.constant 1 : i32
        %and3A_1670 = vector.broadcast %and3A_1669 : i32 to vector<16xi32>
        %and3A_1671 = arith.andi %sub3A_1659, %and3A_1670 : vector<16xi32>
        %mul3A_1672 = arith.constant 2 : i32
        %mul3A_1673 = vector.broadcast %mul3A_1672 : i32 to vector<16xi32>
        %mul3A_1674 = arith.muli %mul3A_1673, %and3A_1671 : vector<16xi32>
        %add3A_1675 = arith.addi %add3A_1668, %mul3A_1674 : vector<16xi32>
        %mul3A_1676 = arith.constant 8 : i32
        %mul3A_1677 = arith.muli %add3A_1357, %mul3A_1676 : i32
        %add3A_1678 = vector.broadcast %mul3A_1677 : i32 to vector<16xi32>
        %add3A_1679 = arith.addi %add3A_1678, %shift_right_arithmetic3A_1655 : vector<16xi32>
        %gather3A_1680 = tpu.vector_load_idx %arg6[%add3A_1679, %add3A_1675] : memref<512x35xi32, #tpu.memory_space<vmem>>[vector<16xi32>, vector<16xi32>], vector<16xi32>,
        %add3A_1681 = arith.constant 1 : i32
        %add3A_1682 = vector.broadcast %add3A_1681 : i32 to vector<16xi32>
        %add3A_1683 = arith.addi %add3A_1675, %add3A_1682 : vector<16xi32>
        %gather3A_1684 = tpu.vector_load_idx %arg6[%add3A_1679, %add3A_1683] : memref<512x35xi32, #tpu.memory_space<vmem>>[vector<16xi32>, vector<16xi32>], vector<16xi32>,
        %mul3A_1685 = arith.constant 7 : i32
        %mul3A_1686 = vector.broadcast %mul3A_1685 : i32 to vector<16xi32>
        %mul3A_1687 = arith.muli %gather3A_1680, %mul3A_1686 : vector<16xi32>
        %add3A_1688 = arith.addi %mul3A_1687, %gather3A_1684 : vector<16xi32>
        %mul3A_1689 = arith.constant 112 : i32
        %mul3A_1690 = arith.muli %add3A_1357, %mul3A_1689 : i32
        %add3A_1691 = arith.constant 96 : i32
        %add3A_1692 = arith.addi %mul3A_1690, %add3A_1691 : i32
        %swap3A_1693 = arith.index_cast %add3A_1692 : i32 to index
        %swap3A_1694 = tpu.vector_load %arg7[%swap3A_1693] {strides = array<i32>} : memref<7168xi32, #tpu.memory_space<vmem>>, vector<16xi32>,
        tpu.vector_store %arg7[%swap3A_1693], %add3A_1688 {strides = array<i32>} : memref<7168xi32, #tpu.memory_space<vmem>>, vector<16xi32>,
        %mul3A_1695 = arith.constant 2 : i32
        %mul3A_1696 = arith.muli %add3A_1353, %mul3A_1695 : i32
        %add3A_1697 = arith.constant 1 : i32
        %add3A_1698 = arith.addi %mul3A_1696, %add3A_1697 : i32
        %iota3A_1699 = tpu.iota {dimensions = array<i32: 0>} : vector<16xi32>
        %add3A_1700 = arith.constant 0 : i32
        %add3A_1701 = vector.broadcast %add3A_1700 : i32 to vector<16xi32>
        %add3A_1702 = arith.addi %add3A_1701, %iota3A_1699 : vector<16xi32>
        %mul3A_1703 = arith.constant 2341 : i32
        %mul3A_1704 = vector.broadcast %mul3A_1703 : i32 to vector<16xi32>
        %mul3A_1705 = arith.muli %add3A_1702, %mul3A_1704 : vector<16xi32>
        %shift_right_arithmetic3A_1706 = arith.constant 15 : i32
        %shift_right_arithmetic3A_1707 = vector.broadcast %shift_right_arithmetic3A_1706 : i32 to vector<16xi32>
        %shift_right_arithmetic3A_1708 = arith.shrsi %mul3A_1705, %shift_right_arithmetic3A_1707 : vector<16xi32>
        %mul3A_1709 = arith.constant 14 : i32
        %mul3A_1710 = vector.broadcast %mul3A_1709 : i32 to vector<16xi32>
        %mul3A_1711 = arith.muli %mul3A_1710, %shift_right_arithmetic3A_1708 : vector<16xi32>
        %sub3A_1712 = arith.subi %add3A_1702, %mul3A_1711 : vector<16xi32>
        %shift_right_arithmetic3A_1713 = arith.constant 1 : i32
        %shift_right_arithmetic3A_1714 = vector.broadcast %shift_right_arithmetic3A_1713 : i32 to vector<16xi32>
        %shift_right_arithmetic3A_1715 = arith.shrsi %sub3A_1712, %shift_right_arithmetic3A_1714 : vector<16xi32>
        %mul3A_1716 = arith.constant 5 : i32
        %mul3A_1717 = vector.broadcast %mul3A_1716 : i32 to vector<16xi32>
        %mul3A_1718 = arith.muli %mul3A_1717, %shift_right_arithmetic3A_1715 : vector<16xi32>
        %add3A_1719 = arith.constant 1 : i32
        %add3A_1720 = vector.broadcast %add3A_1719 : i32 to vector<16xi32>
        %add3A_1721 = arith.addi %mul3A_1718, %add3A_1720 : vector<16xi32>
        %and3A_1722 = arith.constant 1 : i32
        %and3A_1723 = vector.broadcast %and3A_1722 : i32 to vector<16xi32>
        %and3A_1724 = arith.andi %sub3A_1712, %and3A_1723 : vector<16xi32>
        %mul3A_1725 = arith.constant 2 : i32
        %mul3A_1726 = vector.broadcast %mul3A_1725 : i32 to vector<16xi32>
        %mul3A_1727 = arith.muli %mul3A_1726, %and3A_1724 : vector<16xi32>
        %add3A_1728 = arith.addi %add3A_1721, %mul3A_1727 : vector<16xi32>
        %mul3A_1729 = arith.constant 8 : i32
        %mul3A_1730 = arith.muli %add3A_1698, %mul3A_1729 : i32
        %add3A_1731 = vector.broadcast %mul3A_1730 : i32 to vector<16xi32>
        %add3A_1732 = arith.addi %add3A_1731, %shift_right_arithmetic3A_1708 : vector<16xi32>
        %gather3A_1733 = tpu.vector_load_idx %arg6[%add3A_1732, %add3A_1728] : memref<512x35xi32, #tpu.memory_space<vmem>>[vector<16xi32>, vector<16xi32>], vector<16xi32>,
        %add3A_1734 = arith.constant 1 : i32
        %add3A_1735 = vector.broadcast %add3A_1734 : i32 to vector<16xi32>
        %add3A_1736 = arith.addi %add3A_1728, %add3A_1735 : vector<16xi32>
        %gather3A_1737 = tpu.vector_load_idx %arg6[%add3A_1732, %add3A_1736] : memref<512x35xi32, #tpu.memory_space<vmem>>[vector<16xi32>, vector<16xi32>], vector<16xi32>,
        %mul3A_1738 = arith.constant 7 : i32
        %mul3A_1739 = vector.broadcast %mul3A_1738 : i32 to vector<16xi32>
        %mul3A_1740 = arith.muli %gather3A_1733, %mul3A_1739 : vector<16xi32>
        %add3A_1741 = arith.addi %mul3A_1740, %gather3A_1737 : vector<16xi32>
        %mul3A_1742 = arith.constant 112 : i32
        %mul3A_1743 = arith.muli %add3A_1698, %mul3A_1742 : i32
        %add3A_1744 = arith.constant 0 : i32
        %add3A_1745 = arith.addi %mul3A_1743, %add3A_1744 : i32
        %swap3A_1746 = arith.index_cast %add3A_1745 : i32 to index
        %swap3A_1747 = tpu.vector_load %arg7[%swap3A_1746] {strides = array<i32>} : memref<7168xi32, #tpu.memory_space<vmem>>, vector<16xi32>,
        tpu.vector_store %arg7[%swap3A_1746], %add3A_1741 {strides = array<i32>} : memref<7168xi32, #tpu.memory_space<vmem>>, vector<16xi32>,
        %add3A_1748 = arith.constant 16 : i32
        %add3A_1749 = vector.broadcast %add3A_1748 : i32 to vector<16xi32>
        %add3A_1750 = arith.addi %add3A_1749, %iota3A_1699 : vector<16xi32>
        %mul3A_1751 = arith.constant 2341 : i32
        %mul3A_1752 = vector.broadcast %mul3A_1751 : i32 to vector<16xi32>
        %mul3A_1753 = arith.muli %add3A_1750, %mul3A_1752 : vector<16xi32>
        %shift_right_arithmetic3A_1754 = arith.constant 15 : i32
        %shift_right_arithmetic3A_1755 = vector.broadcast %shift_right_arithmetic3A_1754 : i32 to vector<16xi32>
        %shift_right_arithmetic3A_1756 = arith.shrsi %mul3A_1753, %shift_right_arithmetic3A_1755 : vector<16xi32>
        %mul3A_1757 = arith.constant 14 : i32
        %mul3A_1758 = vector.broadcast %mul3A_1757 : i32 to vector<16xi32>
        %mul3A_1759 = arith.muli %mul3A_1758, %shift_right_arithmetic3A_1756 : vector<16xi32>
        %sub3A_1760 = arith.subi %add3A_1750, %mul3A_1759 : vector<16xi32>
        %shift_right_arithmetic3A_1761 = arith.constant 1 : i32
        %shift_right_arithmetic3A_1762 = vector.broadcast %shift_right_arithmetic3A_1761 : i32 to vector<16xi32>
        %shift_right_arithmetic3A_1763 = arith.shrsi %sub3A_1760, %shift_right_arithmetic3A_1762 : vector<16xi32>
        %mul3A_1764 = arith.constant 5 : i32
        %mul3A_1765 = vector.broadcast %mul3A_1764 : i32 to vector<16xi32>
        %mul3A_1766 = arith.muli %mul3A_1765, %shift_right_arithmetic3A_1763 : vector<16xi32>
        %add3A_1767 = arith.constant 1 : i32
        %add3A_1768 = vector.broadcast %add3A_1767 : i32 to vector<16xi32>
        %add3A_1769 = arith.addi %mul3A_1766, %add3A_1768 : vector<16xi32>
        %and3A_1770 = arith.constant 1 : i32
        %and3A_1771 = vector.broadcast %and3A_1770 : i32 to vector<16xi32>
        %and3A_1772 = arith.andi %sub3A_1760, %and3A_1771 : vector<16xi32>
        %mul3A_1773 = arith.constant 2 : i32
        %mul3A_1774 = vector.broadcast %mul3A_1773 : i32 to vector<16xi32>
        %mul3A_1775 = arith.muli %mul3A_1774, %and3A_1772 : vector<16xi32>
        %add3A_1776 = arith.addi %add3A_1769, %mul3A_1775 : vector<16xi32>
        %mul3A_1777 = arith.constant 8 : i32
        %mul3A_1778 = arith.muli %add3A_1698, %mul3A_1777 : i32
        %add3A_1779 = vector.broadcast %mul3A_1778 : i32 to vector<16xi32>
        %add3A_1780 = arith.addi %add3A_1779, %shift_right_arithmetic3A_1756 : vector<16xi32>
        %gather3A_1781 = tpu.vector_load_idx %arg6[%add3A_1780, %add3A_1776] : memref<512x35xi32, #tpu.memory_space<vmem>>[vector<16xi32>, vector<16xi32>], vector<16xi32>,
        %add3A_1782 = arith.constant 1 : i32
        %add3A_1783 = vector.broadcast %add3A_1782 : i32 to vector<16xi32>
        %add3A_1784 = arith.addi %add3A_1776, %add3A_1783 : vector<16xi32>
        %gather3A_1785 = tpu.vector_load_idx %arg6[%add3A_1780, %add3A_1784] : memref<512x35xi32, #tpu.memory_space<vmem>>[vector<16xi32>, vector<16xi32>], vector<16xi32>,
        %mul3A_1786 = arith.constant 7 : i32
        %mul3A_1787 = vector.broadcast %mul3A_1786 : i32 to vector<16xi32>
        %mul3A_1788 = arith.muli %gather3A_1781, %mul3A_1787 : vector<16xi32>
        %add3A_1789 = arith.addi %mul3A_1788, %gather3A_1785 : vector<16xi32>
        %mul3A_1790 = arith.constant 112 : i32
        %mul3A_1791 = arith.muli %add3A_1698, %mul3A_1790 : i32
        %add3A_1792 = arith.constant 16 : i32
        %add3A_1793 = arith.addi %mul3A_1791, %add3A_1792 : i32
        %swap3A_1794 = arith.index_cast %add3A_1793 : i32 to index
        %swap3A_1795 = tpu.vector_load %arg7[%swap3A_1794] {strides = array<i32>} : memref<7168xi32, #tpu.memory_space<vmem>>, vector<16xi32>,
        tpu.vector_store %arg7[%swap3A_1794], %add3A_1789 {strides = array<i32>} : memref<7168xi32, #tpu.memory_space<vmem>>, vector<16xi32>,
        %add3A_1796 = arith.constant 32 : i32
        %add3A_1797 = vector.broadcast %add3A_1796 : i32 to vector<16xi32>
        %add3A_1798 = arith.addi %add3A_1797, %iota3A_1699 : vector<16xi32>
        %mul3A_1799 = arith.constant 2341 : i32
        %mul3A_1800 = vector.broadcast %mul3A_1799 : i32 to vector<16xi32>
        %mul3A_1801 = arith.muli %add3A_1798, %mul3A_1800 : vector<16xi32>
        %shift_right_arithmetic3A_1802 = arith.constant 15 : i32
        %shift_right_arithmetic3A_1803 = vector.broadcast %shift_right_arithmetic3A_1802 : i32 to vector<16xi32>
        %shift_right_arithmetic3A_1804 = arith.shrsi %mul3A_1801, %shift_right_arithmetic3A_1803 : vector<16xi32>
        %mul3A_1805 = arith.constant 14 : i32
        %mul3A_1806 = vector.broadcast %mul3A_1805 : i32 to vector<16xi32>
        %mul3A_1807 = arith.muli %mul3A_1806, %shift_right_arithmetic3A_1804 : vector<16xi32>
        %sub3A_1808 = arith.subi %add3A_1798, %mul3A_1807 : vector<16xi32>
        %shift_right_arithmetic3A_1809 = arith.constant 1 : i32
        %shift_right_arithmetic3A_1810 = vector.broadcast %shift_right_arithmetic3A_1809 : i32 to vector<16xi32>
        %shift_right_arithmetic3A_1811 = arith.shrsi %sub3A_1808, %shift_right_arithmetic3A_1810 : vector<16xi32>
        %mul3A_1812 = arith.constant 5 : i32
        %mul3A_1813 = vector.broadcast %mul3A_1812 : i32 to vector<16xi32>
        %mul3A_1814 = arith.muli %mul3A_1813, %shift_right_arithmetic3A_1811 : vector<16xi32>
        %add3A_1815 = arith.constant 1 : i32
        %add3A_1816 = vector.broadcast %add3A_1815 : i32 to vector<16xi32>
        %add3A_1817 = arith.addi %mul3A_1814, %add3A_1816 : vector<16xi32>
        %and3A_1818 = arith.constant 1 : i32
        %and3A_1819 = vector.broadcast %and3A_1818 : i32 to vector<16xi32>
        %and3A_1820 = arith.andi %sub3A_1808, %and3A_1819 : vector<16xi32>
        %mul3A_1821 = arith.constant 2 : i32
        %mul3A_1822 = vector.broadcast %mul3A_1821 : i32 to vector<16xi32>
        %mul3A_1823 = arith.muli %mul3A_1822, %and3A_1820 : vector<16xi32>
        %add3A_1824 = arith.addi %add3A_1817, %mul3A_1823 : vector<16xi32>
        %mul3A_1825 = arith.constant 8 : i32
        %mul3A_1826 = arith.muli %add3A_1698, %mul3A_1825 : i32
        %add3A_1827 = vector.broadcast %mul3A_1826 : i32 to vector<16xi32>
        %add3A_1828 = arith.addi %add3A_1827, %shift_right_arithmetic3A_1804 : vector<16xi32>
        %gather3A_1829 = tpu.vector_load_idx %arg6[%add3A_1828, %add3A_1824] : memref<512x35xi32, #tpu.memory_space<vmem>>[vector<16xi32>, vector<16xi32>], vector<16xi32>,
        %add3A_1830 = arith.constant 1 : i32
        %add3A_1831 = vector.broadcast %add3A_1830 : i32 to vector<16xi32>
        %add3A_1832 = arith.addi %add3A_1824, %add3A_1831 : vector<16xi32>
        %gather3A_1833 = tpu.vector_load_idx %arg6[%add3A_1828, %add3A_1832] : memref<512x35xi32, #tpu.memory_space<vmem>>[vector<16xi32>, vector<16xi32>], vector<16xi32>,
        %mul3A_1834 = arith.constant 7 : i32
        %mul3A_1835 = vector.broadcast %mul3A_1834 : i32 to vector<16xi32>
        %mul3A_1836 = arith.muli %gather3A_1829, %mul3A_1835 : vector<16xi32>
        %add3A_1837 = arith.addi %mul3A_1836, %gather3A_1833 : vector<16xi32>
        %mul3A_1838 = arith.constant 112 : i32
        %mul3A_1839 = arith.muli %add3A_1698, %mul3A_1838 : i32
        %add3A_1840 = arith.constant 32 : i32
        %add3A_1841 = arith.addi %mul3A_1839, %add3A_1840 : i32
        %swap3A_1842 = arith.index_cast %add3A_1841 : i32 to index
        %swap3A_1843 = tpu.vector_load %arg7[%swap3A_1842] {strides = array<i32>} : memref<7168xi32, #tpu.memory_space<vmem>>, vector<16xi32>,
        tpu.vector_store %arg7[%swap3A_1842], %add3A_1837 {strides = array<i32>} : memref<7168xi32, #tpu.memory_space<vmem>>, vector<16xi32>,
        %add3A_1844 = arith.constant 48 : i32
        %add3A_1845 = vector.broadcast %add3A_1844 : i32 to vector<16xi32>
        %add3A_1846 = arith.addi %add3A_1845, %iota3A_1699 : vector<16xi32>
        %mul3A_1847 = arith.constant 2341 : i32
        %mul3A_1848 = vector.broadcast %mul3A_1847 : i32 to vector<16xi32>
        %mul3A_1849 = arith.muli %add3A_1846, %mul3A_1848 : vector<16xi32>
        %shift_right_arithmetic3A_1850 = arith.constant 15 : i32
        %shift_right_arithmetic3A_1851 = vector.broadcast %shift_right_arithmetic3A_1850 : i32 to vector<16xi32>
        %shift_right_arithmetic3A_1852 = arith.shrsi %mul3A_1849, %shift_right_arithmetic3A_1851 : vector<16xi32>
        %mul3A_1853 = arith.constant 14 : i32
        %mul3A_1854 = vector.broadcast %mul3A_1853 : i32 to vector<16xi32>
        %mul3A_1855 = arith.muli %mul3A_1854, %shift_right_arithmetic3A_1852 : vector<16xi32>
        %sub3A_1856 = arith.subi %add3A_1846, %mul3A_1855 : vector<16xi32>
        %shift_right_arithmetic3A_1857 = arith.constant 1 : i32
        %shift_right_arithmetic3A_1858 = vector.broadcast %shift_right_arithmetic3A_1857 : i32 to vector<16xi32>
        %shift_right_arithmetic3A_1859 = arith.shrsi %sub3A_1856, %shift_right_arithmetic3A_1858 : vector<16xi32>
        %mul3A_1860 = arith.constant 5 : i32
        %mul3A_1861 = vector.broadcast %mul3A_1860 : i32 to vector<16xi32>
        %mul3A_1862 = arith.muli %mul3A_1861, %shift_right_arithmetic3A_1859 : vector<16xi32>
        %add3A_1863 = arith.constant 1 : i32
        %add3A_1864 = vector.broadcast %add3A_1863 : i32 to vector<16xi32>
        %add3A_1865 = arith.addi %mul3A_1862, %add3A_1864 : vector<16xi32>
        %and3A_1866 = arith.constant 1 : i32
        %and3A_1867 = vector.broadcast %and3A_1866 : i32 to vector<16xi32>
        %and3A_1868 = arith.andi %sub3A_1856, %and3A_1867 : vector<16xi32>
        %mul3A_1869 = arith.constant 2 : i32
        %mul3A_1870 = vector.broadcast %mul3A_1869 : i32 to vector<16xi32>
        %mul3A_1871 = arith.muli %mul3A_1870, %and3A_1868 : vector<16xi32>
        %add3A_1872 = arith.addi %add3A_1865, %mul3A_1871 : vector<16xi32>
        %mul3A_1873 = arith.constant 8 : i32
        %mul3A_1874 = arith.muli %add3A_1698, %mul3A_1873 : i32
        %add3A_1875 = vector.broadcast %mul3A_1874 : i32 to vector<16xi32>
        %add3A_1876 = arith.addi %add3A_1875, %shift_right_arithmetic3A_1852 : vector<16xi32>
        %gather3A_1877 = tpu.vector_load_idx %arg6[%add3A_1876, %add3A_1872] : memref<512x35xi32, #tpu.memory_space<vmem>>[vector<16xi32>, vector<16xi32>], vector<16xi32>,
        %add3A_1878 = arith.constant 1 : i32
        %add3A_1879 = vector.broadcast %add3A_1878 : i32 to vector<16xi32>
        %add3A_1880 = arith.addi %add3A_1872, %add3A_1879 : vector<16xi32>
        %gather3A_1881 = tpu.vector_load_idx %arg6[%add3A_1876, %add3A_1880] : memref<512x35xi32, #tpu.memory_space<vmem>>[vector<16xi32>, vector<16xi32>], vector<16xi32>,
        %mul3A_1882 = arith.constant 7 : i32
        %mul3A_1883 = vector.broadcast %mul3A_1882 : i32 to vector<16xi32>
        %mul3A_1884 = arith.muli %gather3A_1877, %mul3A_1883 : vector<16xi32>
        %add3A_1885 = arith.addi %mul3A_1884, %gather3A_1881 : vector<16xi32>
        %mul3A_1886 = arith.constant 112 : i32
        %mul3A_1887 = arith.muli %add3A_1698, %mul3A_1886 : i32
        %add3A_1888 = arith.constant 48 : i32
        %add3A_1889 = arith.addi %mul3A_1887, %add3A_1888 : i32
        %swap3A_1890 = arith.index_cast %add3A_1889 : i32 to index
        %swap3A_1891 = tpu.vector_load %arg7[%swap3A_1890] {strides = array<i32>} : memref<7168xi32, #tpu.memory_space<vmem>>, vector<16xi32>,
        tpu.vector_store %arg7[%swap3A_1890], %add3A_1885 {strides = array<i32>} : memref<7168xi32, #tpu.memory_space<vmem>>, vector<16xi32>,
        %add3A_1892 = arith.constant 64 : i32
        %add3A_1893 = vector.broadcast %add3A_1892 : i32 to vector<16xi32>
        %add3A_1894 = arith.addi %add3A_1893, %iota3A_1699 : vector<16xi32>
        %mul3A_1895 = arith.constant 2341 : i32
        %mul3A_1896 = vector.broadcast %mul3A_1895 : i32 to vector<16xi32>
        %mul3A_1897 = arith.muli %add3A_1894, %mul3A_1896 : vector<16xi32>
        %shift_right_arithmetic3A_1898 = arith.constant 15 : i32
        %shift_right_arithmetic3A_1899 = vector.broadcast %shift_right_arithmetic3A_1898 : i32 to vector<16xi32>
        %shift_right_arithmetic3A_1900 = arith.shrsi %mul3A_1897, %shift_right_arithmetic3A_1899 : vector<16xi32>
        %mul3A_1901 = arith.constant 14 : i32
        %mul3A_1902 = vector.broadcast %mul3A_1901 : i32 to vector<16xi32>
        %mul3A_1903 = arith.muli %mul3A_1902, %shift_right_arithmetic3A_1900 : vector<16xi32>
        %sub3A_1904 = arith.subi %add3A_1894, %mul3A_1903 : vector<16xi32>
        %shift_right_arithmetic3A_1905 = arith.constant 1 : i32
        %shift_right_arithmetic3A_1906 = vector.broadcast %shift_right_arithmetic3A_1905 : i32 to vector<16xi32>
        %shift_right_arithmetic3A_1907 = arith.shrsi %sub3A_1904, %shift_right_arithmetic3A_1906 : vector<16xi32>
        %mul3A_1908 = arith.constant 5 : i32
        %mul3A_1909 = vector.broadcast %mul3A_1908 : i32 to vector<16xi32>
        %mul3A_1910 = arith.muli %mul3A_1909, %shift_right_arithmetic3A_1907 : vector<16xi32>
        %add3A_1911 = arith.constant 1 : i32
        %add3A_1912 = vector.broadcast %add3A_1911 : i32 to vector<16xi32>
        %add3A_1913 = arith.addi %mul3A_1910, %add3A_1912 : vector<16xi32>
        %and3A_1914 = arith.constant 1 : i32
        %and3A_1915 = vector.broadcast %and3A_1914 : i32 to vector<16xi32>
        %and3A_1916 = arith.andi %sub3A_1904, %and3A_1915 : vector<16xi32>
        %mul3A_1917 = arith.constant 2 : i32
        %mul3A_1918 = vector.broadcast %mul3A_1917 : i32 to vector<16xi32>
        %mul3A_1919 = arith.muli %mul3A_1918, %and3A_1916 : vector<16xi32>
        %add3A_1920 = arith.addi %add3A_1913, %mul3A_1919 : vector<16xi32>
        %mul3A_1921 = arith.constant 8 : i32
        %mul3A_1922 = arith.muli %add3A_1698, %mul3A_1921 : i32
        %add3A_1923 = vector.broadcast %mul3A_1922 : i32 to vector<16xi32>
        %add3A_1924 = arith.addi %add3A_1923, %shift_right_arithmetic3A_1900 : vector<16xi32>
        %gather3A_1925 = tpu.vector_load_idx %arg6[%add3A_1924, %add3A_1920] : memref<512x35xi32, #tpu.memory_space<vmem>>[vector<16xi32>, vector<16xi32>], vector<16xi32>,
        %add3A_1926 = arith.constant 1 : i32
        %add3A_1927 = vector.broadcast %add3A_1926 : i32 to vector<16xi32>
        %add3A_1928 = arith.addi %add3A_1920, %add3A_1927 : vector<16xi32>
        %gather3A_1929 = tpu.vector_load_idx %arg6[%add3A_1924, %add3A_1928] : memref<512x35xi32, #tpu.memory_space<vmem>>[vector<16xi32>, vector<16xi32>], vector<16xi32>,
        %mul3A_1930 = arith.constant 7 : i32
        %mul3A_1931 = vector.broadcast %mul3A_1930 : i32 to vector<16xi32>
        %mul3A_1932 = arith.muli %gather3A_1925, %mul3A_1931 : vector<16xi32>
        %add3A_1933 = arith.addi %mul3A_1932, %gather3A_1929 : vector<16xi32>
        %mul3A_1934 = arith.constant 112 : i32
        %mul3A_1935 = arith.muli %add3A_1698, %mul3A_1934 : i32
        %add3A_1936 = arith.constant 64 : i32
        %add3A_1937 = arith.addi %mul3A_1935, %add3A_1936 : i32
        %swap3A_1938 = arith.index_cast %add3A_1937 : i32 to index
        %swap3A_1939 = tpu.vector_load %arg7[%swap3A_1938] {strides = array<i32>} : memref<7168xi32, #tpu.memory_space<vmem>>, vector<16xi32>,
        tpu.vector_store %arg7[%swap3A_1938], %add3A_1933 {strides = array<i32>} : memref<7168xi32, #tpu.memory_space<vmem>>, vector<16xi32>,
        %add3A_1940 = arith.constant 80 : i32
        %add3A_1941 = vector.broadcast %add3A_1940 : i32 to vector<16xi32>
        %add3A_1942 = arith.addi %add3A_1941, %iota3A_1699 : vector<16xi32>
        %mul3A_1943 = arith.constant 2341 : i32
        %mul3A_1944 = vector.broadcast %mul3A_1943 : i32 to vector<16xi32>
        %mul3A_1945 = arith.muli %add3A_1942, %mul3A_1944 : vector<16xi32>
        %shift_right_arithmetic3A_1946 = arith.constant 15 : i32
        %shift_right_arithmetic3A_1947 = vector.broadcast %shift_right_arithmetic3A_1946 : i32 to vector<16xi32>
        %shift_right_arithmetic3A_1948 = arith.shrsi %mul3A_1945, %shift_right_arithmetic3A_1947 : vector<16xi32>
        %mul3A_1949 = arith.constant 14 : i32
        %mul3A_1950 = vector.broadcast %mul3A_1949 : i32 to vector<16xi32>
        %mul3A_1951 = arith.muli %mul3A_1950, %shift_right_arithmetic3A_1948 : vector<16xi32>
        %sub3A_1952 = arith.subi %add3A_1942, %mul3A_1951 : vector<16xi32>
        %shift_right_arithmetic3A_1953 = arith.constant 1 : i32
        %shift_right_arithmetic3A_1954 = vector.broadcast %shift_right_arithmetic3A_1953 : i32 to vector<16xi32>
        %shift_right_arithmetic3A_1955 = arith.shrsi %sub3A_1952, %shift_right_arithmetic3A_1954 : vector<16xi32>
        %mul3A_1956 = arith.constant 5 : i32
        %mul3A_1957 = vector.broadcast %mul3A_1956 : i32 to vector<16xi32>
        %mul3A_1958 = arith.muli %mul3A_1957, %shift_right_arithmetic3A_1955 : vector<16xi32>
        %add3A_1959 = arith.constant 1 : i32
        %add3A_1960 = vector.broadcast %add3A_1959 : i32 to vector<16xi32>
        %add3A_1961 = arith.addi %mul3A_1958, %add3A_1960 : vector<16xi32>
        %and3A_1962 = arith.constant 1 : i32
        %and3A_1963 = vector.broadcast %and3A_1962 : i32 to vector<16xi32>
        %and3A_1964 = arith.andi %sub3A_1952, %and3A_1963 : vector<16xi32>
        %mul3A_1965 = arith.constant 2 : i32
        %mul3A_1966 = vector.broadcast %mul3A_1965 : i32 to vector<16xi32>
        %mul3A_1967 = arith.muli %mul3A_1966, %and3A_1964 : vector<16xi32>
        %add3A_1968 = arith.addi %add3A_1961, %mul3A_1967 : vector<16xi32>
        %mul3A_1969 = arith.constant 8 : i32
        %mul3A_1970 = arith.muli %add3A_1698, %mul3A_1969 : i32
        %add3A_1971 = vector.broadcast %mul3A_1970 : i32 to vector<16xi32>
        %add3A_1972 = arith.addi %add3A_1971, %shift_right_arithmetic3A_1948 : vector<16xi32>
        %gather3A_1973 = tpu.vector_load_idx %arg6[%add3A_1972, %add3A_1968] : memref<512x35xi32, #tpu.memory_space<vmem>>[vector<16xi32>, vector<16xi32>], vector<16xi32>,
        %add3A_1974 = arith.constant 1 : i32
        %add3A_1975 = vector.broadcast %add3A_1974 : i32 to vector<16xi32>
        %add3A_1976 = arith.addi %add3A_1968, %add3A_1975 : vector<16xi32>
        %gather3A_1977 = tpu.vector_load_idx %arg6[%add3A_1972, %add3A_1976] : memref<512x35xi32, #tpu.memory_space<vmem>>[vector<16xi32>, vector<16xi32>], vector<16xi32>,
        %mul3A_1978 = arith.constant 7 : i32
        %mul3A_1979 = vector.broadcast %mul3A_1978 : i32 to vector<16xi32>
        %mul3A_1980 = arith.muli %gather3A_1973, %mul3A_1979 : vector<16xi32>
        %add3A_1981 = arith.addi %mul3A_1980, %gather3A_1977 : vector<16xi32>
        %mul3A_1982 = arith.constant 112 : i32
        %mul3A_1983 = arith.muli %add3A_1698, %mul3A_1982 : i32
        %add3A_1984 = arith.constant 80 : i32
        %add3A_1985 = arith.addi %mul3A_1983, %add3A_1984 : i32
        %swap3A_1986 = arith.index_cast %add3A_1985 : i32 to index
        %swap3A_1987 = tpu.vector_load %arg7[%swap3A_1986] {strides = array<i32>} : memref<7168xi32, #tpu.memory_space<vmem>>, vector<16xi32>,
        tpu.vector_store %arg7[%swap3A_1986], %add3A_1981 {strides = array<i32>} : memref<7168xi32, #tpu.memory_space<vmem>>, vector<16xi32>,
        %add3A_1988 = arith.constant 96 : i32
        %add3A_1989 = vector.broadcast %add3A_1988 : i32 to vector<16xi32>
        %add3A_1990 = arith.addi %add3A_1989, %iota3A_1699 : vector<16xi32>
        %mul3A_1991 = arith.constant 2341 : i32
        %mul3A_1992 = vector.broadcast %mul3A_1991 : i32 to vector<16xi32>
        %mul3A_1993 = arith.muli %add3A_1990, %mul3A_1992 : vector<16xi32>
        %shift_right_arithmetic3A_1994 = arith.constant 15 : i32
        %shift_right_arithmetic3A_1995 = vector.broadcast %shift_right_arithmetic3A_1994 : i32 to vector<16xi32>
        %shift_right_arithmetic3A_1996 = arith.shrsi %mul3A_1993, %shift_right_arithmetic3A_1995 : vector<16xi32>
        %mul3A_1997 = arith.constant 14 : i32
        %mul3A_1998 = vector.broadcast %mul3A_1997 : i32 to vector<16xi32>
        %mul3A_1999 = arith.muli %mul3A_1998, %shift_right_arithmetic3A_1996 : vector<16xi32>
        %sub3A_2000 = arith.subi %add3A_1990, %mul3A_1999 : vector<16xi32>
        %shift_right_arithmetic3A_2001 = arith.constant 1 : i32
        %shift_right_arithmetic3A_2002 = vector.broadcast %shift_right_arithmetic3A_2001 : i32 to vector<16xi32>
        %shift_right_arithmetic3A_2003 = arith.shrsi %sub3A_2000, %shift_right_arithmetic3A_2002 : vector<16xi32>
        %mul3A_2004 = arith.constant 5 : i32
        %mul3A_2005 = vector.broadcast %mul3A_2004 : i32 to vector<16xi32>
        %mul3A_2006 = arith.muli %mul3A_2005, %shift_right_arithmetic3A_2003 : vector<16xi32>
        %add3A_2007 = arith.constant 1 : i32
        %add3A_2008 = vector.broadcast %add3A_2007 : i32 to vector<16xi32>
        %add3A_2009 = arith.addi %mul3A_2006, %add3A_2008 : vector<16xi32>
        %and3A_2010 = arith.constant 1 : i32
        %and3A_2011 = vector.broadcast %and3A_2010 : i32 to vector<16xi32>
        %and3A_2012 = arith.andi %sub3A_2000, %and3A_2011 : vector<16xi32>
        %mul3A_2013 = arith.constant 2 : i32
        %mul3A_2014 = vector.broadcast %mul3A_2013 : i32 to vector<16xi32>
        %mul3A_2015 = arith.muli %mul3A_2014, %and3A_2012 : vector<16xi32>
        %add3A_2016 = arith.addi %add3A_2009, %mul3A_2015 : vector<16xi32>
        %mul3A_2017 = arith.constant 8 : i32
        %mul3A_2018 = arith.muli %add3A_1698, %mul3A_2017 : i32
        %add3A_2019 = vector.broadcast %mul3A_2018 : i32 to vector<16xi32>
        %add3A_2020 = arith.addi %add3A_2019, %shift_right_arithmetic3A_1996 : vector<16xi32>
        %gather3A_2021 = tpu.vector_load_idx %arg6[%add3A_2020, %add3A_2016] : memref<512x35xi32, #tpu.memory_space<vmem>>[vector<16xi32>, vector<16xi32>], vector<16xi32>,
        %add3A_2022 = arith.constant 1 : i32
        %add3A_2023 = vector.broadcast %add3A_2022 : i32 to vector<16xi32>
        %add3A_2024 = arith.addi %add3A_2016, %add3A_2023 : vector<16xi32>
        %gather3A_2025 = tpu.vector_load_idx %arg6[%add3A_2020, %add3A_2024] : memref<512x35xi32, #tpu.memory_space<vmem>>[vector<16xi32>, vector<16xi32>], vector<16xi32>,
        %mul3A_2026 = arith.constant 7 : i32
        %mul3A_2027 = vector.broadcast %mul3A_2026 : i32 to vector<16xi32>
        %mul3A_2028 = arith.muli %gather3A_2021, %mul3A_2027 : vector<16xi32>
        %add3A_2029 = arith.addi %mul3A_2028, %gather3A_2025 : vector<16xi32>
        %mul3A_2030 = arith.constant 112 : i32
        %mul3A_2031 = arith.muli %add3A_1698, %mul3A_2030 : i32
        %add3A_2032 = arith.constant 96 : i32
        %add3A_2033 = arith.addi %mul3A_2031, %add3A_2032 : i32
        %swap3A_2034 = arith.index_cast %add3A_2033 : i32 to index
        %swap3A_2035 = tpu.vector_load %arg7[%swap3A_2034] {strides = array<i32>} : memref<7168xi32, #tpu.memory_space<vmem>>, vector<16xi32>,
        tpu.vector_store %arg7[%swap3A_2034], %add3A_2029 {strides = array<i32>} : memref<7168xi32, #tpu.memory_space<vmem>>, vector<16xi32>,
      } else {
      }
      %ge3A = arith.constant 1 : i32
      %ge3A_1290 = arith.cmpi sge, %scan3A_1253, %ge3A : i32
      %convert_element_type3A_1291 = arith.extui %ge3A_1290 : i1 to i32
      %cond3A_1292 = arith.constant 0 : i32
      %cond3A_1293 = arith.cmpi ne, %convert_element_type3A_1291, %cond3A_1292 : i32
      scf.if %cond3A_1293 {
        %sub3A_1352 = arith.constant 1 : i32
        %sub3A_1353 = arith.subi %scan3A_1253, %sub3A_1352 : i32
        %mul3A_1354 = arith.constant 16 : i32
        %mul3A_1355 = arith.muli %sub3A_1353, %mul3A_1354 : i32
        %add3A_1356 = arith.addi %mul3A_2, %mul3A_1355 : i32
        %dma_wait3A_1357 = arith.constant 0 : i32
        %dma_wait3A_1358 = arith.constant 0 : i32
        %dma_wait3A_1359 = tpu.memref_slice %arg8[%select_n3A_1282, %dma_wait3A_1357, %dma_wait3A_1358] : memref<2x224x128xf32, #tpu.memory_space<vmem>> -> memref<1x224x128xf32, #tpu.memory_space<vmem>>
        %dma_wait3A_1360 = tpu.memref_squeeze %dma_wait3A_1359 : memref<1x224x128xf32, #tpu.memory_space<vmem>> -> memref<224x128xf32, #tpu.memory_space<vmem>>
        %dma_wait3A_1361 = tpu.memref_reshape %dma_wait3A_1360 : memref<224x128xf32, #tpu.memory_space<vmem>> -> memref<16x1792xf32, #tpu.memory_space<vmem>>
        %dma_wait3A_1362 = arith.constant 0 : i32
        %dma_wait3A_1363 = tpu.memref_slice %arg4[%add3A_1356, %dma_wait3A_1362] : memref<16384x1792xf32, #tpu.memory_space<hbm>> -> memref<16x1792xf32, #tpu.memory_space<hbm>>
        %dma_wait3A_1364 = arith.constant 0 : i32
        %dma_wait3A_1365 = tpu.memref_slice %arg4[%add3A_1356, %dma_wait3A_1364] : memref<16384x1792xf32, #tpu.memory_space<hbm>> -> memref<16x1792xf32, #tpu.memory_space<hbm>>
        %dma_wait3A_1366 = arith.constant 0 : i32
        %dma_wait3A_1367 = arith.constant 0 : i32
        %dma_wait3A_1368 = tpu.memref_slice %arg8[%select_n3A_1282, %dma_wait3A_1366, %dma_wait3A_1367] : memref<2x224x128xf32, #tpu.memory_space<vmem>> -> memref<1x224x128xf32, #tpu.memory_space<vmem>>
        %dma_wait3A_1369 = tpu.memref_squeeze %dma_wait3A_1368 : memref<1x224x128xf32, #tpu.memory_space<vmem>> -> memref<224x128xf32, #tpu.memory_space<vmem>>
        %dma_wait3A_1370 = tpu.memref_reshape %dma_wait3A_1369 : memref<224x128xf32, #tpu.memory_space<vmem>> -> memref<16x1792xf32, #tpu.memory_space<vmem>>
        tpu.wait_dma2 semaphore(%arg10 : memref<!tpu.dma_semaphore, #tpu.memory_space<semaphore_mem>>) src(%dma_wait3A_1370 : memref<16x1792xf32, #tpu.memory_space<vmem>>) dst(%dma_wait3A_1365 : memref<16x1792xf32, #tpu.memory_space<hbm>>)
      } else {
      }
      %add3A_1294 = arith.constant 1 : i32
      %add3A_1295 = arith.addi %scan3A_1253, %add3A_1294 : i32
      %lt3A_1296 = arith.constant 32 : i32
      %lt3A_1297 = arith.cmpi slt, %add3A_1295, %lt3A_1296 : i32
      %convert_element_type3A_1298 = arith.extui %lt3A_1297 : i1 to i32
      %cond3A_1299 = arith.constant 0 : i32
      %cond3A_1300 = arith.cmpi ne, %convert_element_type3A_1298, %cond3A_1299 : i32
      scf.if %cond3A_1300 {
        %add3A_1352 = arith.constant 1 : i32
        %add3A_1353 = arith.addi %scan3A_1253, %add3A_1352 : i32
        %mul3A_1354 = arith.constant 2 : i32
        %mul3A_1355 = arith.muli %add3A_1353, %mul3A_1354 : i32
        %add3A_1356 = arith.constant 0 : i32
        %add3A_1357 = arith.addi %mul3A_1355, %add3A_1356 : i32
        %mul3A_1358 = arith.constant 112 : i32
        %mul3A_1359 = arith.muli %add3A_1357, %mul3A_1358 : i32
        %mul3A_1360 = arith.constant 2 : i32
        %mul3A_1361 = arith.muli %add3A_1353, %mul3A_1360 : i32
        %add3A_1362 = arith.constant 1 : i32
        %add3A_1363 = arith.addi %mul3A_1361, %add3A_1362 : i32
        %mul3A_1364 = arith.constant 112 : i32
        %mul3A_1365 = arith.muli %add3A_1363, %mul3A_1364 : i32
        %dma_start3A_1366 = arith.constant 0 : i32
        %dma_start3A_1367 = arith.constant 0 : i32
        %dma_start3A_1368 = tpu.memref_slice %arg8[%select_n3A_1282, %dma_start3A_1366, %dma_start3A_1367] : memref<2x224x128xf32, #tpu.memory_space<vmem>> -> memref<1x224x128xf32, #tpu.memory_space<vmem>>
        %dma_start3A_1369 = tpu.memref_squeeze %dma_start3A_1368 : memref<1x224x128xf32, #tpu.memory_space<vmem>> -> memref<224x128xf32, #tpu.memory_space<vmem>>
        %dma_start3A_1370 = arith.constant 0 : i32
        %dma_start3A_1371 = arith.constant 0 : i32
        %dma_start3A_1372 = tpu.memref_slice %dma_start3A_1369[%dma_start3A_1370, %dma_start3A_1371] : memref<224x128xf32, #tpu.memory_space<vmem>> -> memref<112x128xf32, #tpu.memory_space<vmem>>
        %dma_start3A_1373 = tpu.memref_slice %arg7[%mul3A_1359] : memref<7168xi32, #tpu.memory_space<vmem>> -> memref<112xi32, #tpu.memory_space<vmem>>
        %dma_start3A_1374 = arith.constant 0 : i32
        %dma_start3A_1375 = arith.constant 0 : i32
        %dma_start3A_1376 = tpu.memref_slice %arg5[%dma_start3A_1374, %dma_start3A_1375] : memref<49x128xf32, #tpu.memory_space<vmem_shared>> -> memref<49x128xf32, #tpu.memory_space<vmem_shared>>
        tpu.enqueue_indirect_dma source(%dma_start3A_1376 : memref<49x128xf32, #tpu.memory_space<vmem_shared>>) target(%dma_start3A_1372 : memref<112x128xf32, #tpu.memory_space<vmem>>) offsets(%dma_start3A_1373 : memref<112xi32, #tpu.memory_space<vmem>>) semaphore(%arg9 : memref<!tpu.dma_semaphore, #tpu.memory_space<semaphore_mem>>)
        %dma_start3A_1377 = arith.constant 0 : i32
        %dma_start3A_1378 = arith.constant 0 : i32
        %dma_start3A_1379 = tpu.memref_slice %arg8[%select_n3A_1282, %dma_start3A_1377, %dma_start3A_1378] : memref<2x224x128xf32, #tpu.memory_space<vmem>> -> memref<1x224x128xf32, #tpu.memory_space<vmem>>
        %dma_start3A_1380 = tpu.memref_squeeze %dma_start3A_1379 : memref<1x224x128xf32, #tpu.memory_space<vmem>> -> memref<224x128xf32, #tpu.memory_space<vmem>>
        %dma_start3A_1381 = arith.constant 112 : i32
        %dma_start3A_1382 = arith.constant 0 : i32
        %dma_start3A_1383 = tpu.memref_slice %dma_start3A_1380[%dma_start3A_1381, %dma_start3A_1382] : memref<224x128xf32, #tpu.memory_space<vmem>> -> memref<112x128xf32, #tpu.memory_space<vmem>>
        %dma_start3A_1384 = tpu.memref_slice %arg7[%mul3A_1365] : memref<7168xi32, #tpu.memory_space<vmem>> -> memref<112xi32, #tpu.memory_space<vmem>>
        %dma_start3A_1385 = arith.constant 0 : i32
        %dma_start3A_1386 = arith.constant 0 : i32
        %dma_start3A_1387 = tpu.memref_slice %arg5[%dma_start3A_1385, %dma_start3A_1386] : memref<49x128xf32, #tpu.memory_space<vmem_shared>> -> memref<49x128xf32, #tpu.memory_space<vmem_shared>>
        tpu.enqueue_indirect_dma source(%dma_start3A_1387 : memref<49x128xf32, #tpu.memory_space<vmem_shared>>) target(%dma_start3A_1383 : memref<112x128xf32, #tpu.memory_space<vmem>>) offsets(%dma_start3A_1384 : memref<112xi32, #tpu.memory_space<vmem>>) semaphore(%arg9 : memref<!tpu.dma_semaphore, #tpu.memory_space<semaphore_mem>>)
      } else {
      }
      %mul3A_1301 = arith.constant 2 : i32
      %mul3A_1302 = arith.muli %scan3A_1253, %mul3A_1301 : i32
      %add3A_1303 = arith.constant 0 : i32
      %add3A_1304 = arith.addi %mul3A_1302, %add3A_1303 : i32
      %mul3A_1305 = arith.constant 112 : i32
      %mul3A_1306 = arith.muli %add3A_1304, %mul3A_1305 : i32
      %mul3A_1307 = arith.constant 2 : i32
      %mul3A_1308 = arith.muli %scan3A_1253, %mul3A_1307 : i32
      %add3A_1309 = arith.constant 1 : i32
      %add3A_1310 = arith.addi %mul3A_1308, %add3A_1309 : i32
      %mul3A_1311 = arith.constant 112 : i32
      %mul3A_1312 = arith.muli %add3A_1310, %mul3A_1311 : i32
      %dma_wait3A_1313 = arith.constant 0 : i32
      %dma_wait3A_1314 = arith.constant 0 : i32
      %dma_wait3A_1315 = tpu.memref_slice %arg8[%select_n3A_1264, %dma_wait3A_1313, %dma_wait3A_1314] : memref<2x224x128xf32, #tpu.memory_space<vmem>> -> memref<1x224x128xf32, #tpu.memory_space<vmem>>
      %dma_wait3A_1316 = tpu.memref_squeeze %dma_wait3A_1315 : memref<1x224x128xf32, #tpu.memory_space<vmem>> -> memref<224x128xf32, #tpu.memory_space<vmem>>
      %dma_wait3A_1317 = arith.constant 0 : i32
      %dma_wait3A_1318 = arith.constant 0 : i32
      %dma_wait3A_1319 = tpu.memref_slice %dma_wait3A_1316[%dma_wait3A_1317, %dma_wait3A_1318] : memref<224x128xf32, #tpu.memory_space<vmem>> -> memref<112x128xf32, #tpu.memory_space<vmem>>
      %dma_wait3A_1320 = tpu.memref_slice %arg7[%mul3A_1306] : memref<7168xi32, #tpu.memory_space<vmem>> -> memref<112xi32, #tpu.memory_space<vmem>>
      %dma_wait3A_1321 = arith.constant 0 : i32
      %dma_wait3A_1322 = arith.constant 0 : i32
      %dma_wait3A_1323 = tpu.memref_slice %arg5[%dma_wait3A_1321, %dma_wait3A_1322] : memref<49x128xf32, #tpu.memory_space<vmem_shared>> -> memref<49x128xf32, #tpu.memory_space<vmem_shared>>
      tpu.wait_indirect_dma semaphore(%arg9 : memref<!tpu.dma_semaphore, #tpu.memory_space<semaphore_mem>>) src(%dma_wait3A_1323 : memref<49x128xf32, #tpu.memory_space<vmem_shared>>) dst(%dma_wait3A_1319 : memref<112x128xf32, #tpu.memory_space<vmem>>)
      %dma_wait3A_1324 = arith.constant 0 : i32
      %dma_wait3A_1325 = arith.constant 0 : i32
      %dma_wait3A_1326 = tpu.memref_slice %arg8[%select_n3A_1264, %dma_wait3A_1324, %dma_wait3A_1325] : memref<2x224x128xf32, #tpu.memory_space<vmem>> -> memref<1x224x128xf32, #tpu.memory_space<vmem>>
      %dma_wait3A_1327 = tpu.memref_squeeze %dma_wait3A_1326 : memref<1x224x128xf32, #tpu.memory_space<vmem>> -> memref<224x128xf32, #tpu.memory_space<vmem>>
      %dma_wait3A_1328 = arith.constant 112 : i32
      %dma_wait3A_1329 = arith.constant 0 : i32
      %dma_wait3A_1330 = tpu.memref_slice %dma_wait3A_1327[%dma_wait3A_1328, %dma_wait3A_1329] : memref<224x128xf32, #tpu.memory_space<vmem>> -> memref<112x128xf32, #tpu.memory_space<vmem>>
      %dma_wait3A_1331 = tpu.memref_slice %arg7[%mul3A_1312] : memref<7168xi32, #tpu.memory_space<vmem>> -> memref<112xi32, #tpu.memory_space<vmem>>
      %dma_wait3A_1332 = arith.constant 0 : i32
      %dma_wait3A_1333 = arith.constant 0 : i32
      %dma_wait3A_1334 = tpu.memref_slice %arg5[%dma_wait3A_1332, %dma_wait3A_1333] : memref<49x128xf32, #tpu.memory_space<vmem_shared>> -> memref<49x128xf32, #tpu.memory_space<vmem_shared>>
      tpu.wait_indirect_dma semaphore(%arg9 : memref<!tpu.dma_semaphore, #tpu.memory_space<semaphore_mem>>) src(%dma_wait3A_1334 : memref<49x128xf32, #tpu.memory_space<vmem_shared>>) dst(%dma_wait3A_1330 : memref<112x128xf32, #tpu.memory_space<vmem>>)
      %mul3A_1335 = arith.constant 16 : i32
      %mul3A_1336 = arith.muli %scan3A_1253, %mul3A_1335 : i32
      %add3A_1337 = arith.addi %mul3A_2, %mul3A_1336 : i32
      %dma_start3A_1338 = arith.constant 0 : i32
      %dma_start3A_1339 = arith.constant 0 : i32
      %dma_start3A_1340 = tpu.memref_slice %arg8[%select_n3A_1264, %dma_start3A_1338, %dma_start3A_1339] : memref<2x224x128xf32, #tpu.memory_space<vmem>> -> memref<1x224x128xf32, #tpu.memory_space<vmem>>
      %dma_start3A_1341 = tpu.memref_squeeze %dma_start3A_1340 : memref<1x224x128xf32, #tpu.memory_space<vmem>> -> memref<224x128xf32, #tpu.memory_space<vmem>>
      %dma_start3A_1342 = tpu.memref_reshape %dma_start3A_1341 : memref<224x128xf32, #tpu.memory_space<vmem>> -> memref<16x1792xf32, #tpu.memory_space<vmem>>
      %dma_start3A_1343 = arith.constant 0 : i32
      %dma_start3A_1344 = tpu.memref_slice %arg4[%add3A_1337, %dma_start3A_1343] : memref<16384x1792xf32, #tpu.memory_space<hbm>> -> memref<16x1792xf32, #tpu.memory_space<hbm>>
      %dma_start3A_1345 = arith.constant 0 : i32
      %dma_start3A_1346 = tpu.memref_slice %arg4[%add3A_1337, %dma_start3A_1345] : memref<16384x1792xf32, #tpu.memory_space<hbm>> -> memref<16x1792xf32, #tpu.memory_space<hbm>>
      %dma_start3A_1347 = arith.constant 0 : i32
      %dma_start3A_1348 = arith.constant 0 : i32
      %dma_start3A_1349 = tpu.memref_slice %arg8[%select_n3A_1264, %dma_start3A_1347, %dma_start3A_1348] : memref<2x224x128xf32, #tpu.memory_space<vmem>> -> memref<1x224x128xf32, #tpu.memory_space<vmem>>
      %dma_start3A_1350 = tpu.memref_squeeze %dma_start3A_1349 : memref<1x224x128xf32, #tpu.memory_space<vmem>> -> memref<224x128xf32, #tpu.memory_space<vmem>>
      %dma_start3A_1351 = tpu.memref_reshape %dma_start3A_1350 : memref<224x128xf32, #tpu.memory_space<vmem>> -> memref<16x1792xf32, #tpu.memory_space<vmem>>
      tpu.enqueue_dma source(%dma_start3A_1351 : memref<16x1792xf32, #tpu.memory_space<vmem>>) target(%dma_start3A_1346 : memref<16x1792xf32, #tpu.memory_space<hbm>>) target_semaphore(%arg10 : memref<!tpu.dma_semaphore, #tpu.memory_space<semaphore_mem>>)
    }
    %scan3A_1236 = arith.constant 32 : i32
    %add3A_1237 = arith.constant 496 : i32
    %add3A_1238 = arith.addi %mul3A_2, %add3A_1237 : i32
    %dma_wait3A = arith.constant 1 : i32
    %dma_wait3A_1239 = arith.constant 0 : i32
    %dma_wait3A_1240 = arith.constant 0 : i32
    %dma_wait3A_1241 = tpu.memref_slice %arg8[%dma_wait3A, %dma_wait3A_1239, %dma_wait3A_1240] : memref<2x224x128xf32, #tpu.memory_space<vmem>> -> memref<1x224x128xf32, #tpu.memory_space<vmem>>
    %dma_wait3A_1242 = tpu.memref_squeeze %dma_wait3A_1241 : memref<1x224x128xf32, #tpu.memory_space<vmem>> -> memref<224x128xf32, #tpu.memory_space<vmem>>
    %dma_wait3A_1243 = tpu.memref_reshape %dma_wait3A_1242 : memref<224x128xf32, #tpu.memory_space<vmem>> -> memref<16x1792xf32, #tpu.memory_space<vmem>>
    %dma_wait3A_1244 = arith.constant 0 : i32
    %dma_wait3A_1245 = tpu.memref_slice %arg4[%add3A_1238, %dma_wait3A_1244] : memref<16384x1792xf32, #tpu.memory_space<hbm>> -> memref<16x1792xf32, #tpu.memory_space<hbm>>
    %dma_wait3A_1246 = arith.constant 0 : i32
    %dma_wait3A_1247 = tpu.memref_slice %arg4[%add3A_1238, %dma_wait3A_1246] : memref<16384x1792xf32, #tpu.memory_space<hbm>> -> memref<16x1792xf32, #tpu.memory_space<hbm>>
    %dma_wait3A_1248 = arith.constant 0 : i32
    %dma_wait3A_1249 = arith.constant 0 : i32
    %dma_wait3A_1250 = tpu.memref_slice %arg8[%dma_wait3A, %dma_wait3A_1248, %dma_wait3A_1249] : memref<2x224x128xf32, #tpu.memory_space<vmem>> -> memref<1x224x128xf32, #tpu.memory_space<vmem>>
    %dma_wait3A_1251 = tpu.memref_squeeze %dma_wait3A_1250 : memref<1x224x128xf32, #tpu.memory_space<vmem>> -> memref<224x128xf32, #tpu.memory_space<vmem>>
    %dma_wait3A_1252 = tpu.memref_reshape %dma_wait3A_1251 : memref<224x128xf32, #tpu.memory_space<vmem>> -> memref<16x1792xf32, #tpu.memory_space<vmem>>
    tpu.wait_dma2 semaphore(%arg10 : memref<!tpu.dma_semaphore, #tpu.memory_space<semaphore_mem>>) src(%dma_wait3A_1252 : memref<16x1792xf32, #tpu.memory_space<vmem>>) dst(%dma_wait3A_1247 : memref<16x1792xf32, #tpu.memory_space<hbm>>)
    return
  }
}

</mosaic_0001>

<sc_bundles>
// kernel: kernel.3.cloned.1.call-start
scs
__scs_entry_jumppad:
0x0: {  	(pc) =	sbr.rel $0x88, $3  }
0x1: {  	(tag) =	ssettag $0x0;
	lr =	simm.s32 $0x1  }
0x2: {  	[smem:$0x3F9F] =	sst lr;
	_ =	strace $0xD0000000  }
0x3: {  	_ = 	snop  }
0x4: {  	_ = 	snop  }
0x5: {  	_ = 	snop  }
0x6: {  	_ = 	snop  }
0x7: {  	_ = 	snop  }
__scs_overlays_trampoline_lowered:
0x8: {  	[smem:$0x3FAE] =	sst s0  }
0x9: {  	[smem:$0x3FAF] =	sst s1  }
0xa: {  	[smem:$0x3FB0] =	sst s2  }
0xb: {  	[smem:$0x3FB1] =	sst s3  }
0xc: {  	[smem:$0x3FB2] =	sst s4  }
0xd: {  	[smem:$0x3FB3] =	sst s5  }
0xe: {  	[smem:$0x3FB4] =	sst s6  }
0xf: {  	[smem:$0x3FB5] =	sst s7  }
0x10: {  	[smem:$0x3FB6] =	sst s8  }
0x11: {  	[smem:$0x3FB7] =	sst s9;
	s0 =	simm.s32 @!p0 $0x0  }
0x12: {  	s1 =	sld [smem:$0x3F9D];
	s0 =	simm.s32 @p0 $0x1  }
0x13: {  	[smem:$0x3FB8] =	sst s0;
	s0 =	simm.s32 @!p1 $0x0  }
0x14: {  	s2 =	sld [smem:$0x3F9C];
	s0 =	simm.s32 @p1 $0x1  }
0x15: {  	[smem:$0x3FB9] =	sst s0;
	s0 =	simm.s32 @!p2 $0x0  }
0x16: {  	s3 =	sld [smem:$0x3FDB];
	s0 =	simm.s32 @p2 $0x1  }
0x17: {  	s4 =	simm.s32 $0x1BF5;
	[smem:$0x3FBB] =	sst s0  }
0x18: {  	s0 =	sld [smem:$0x3F9E];
	_ =	swait.ge [sflag:s4], $0x0  }
0x19: {  	s7 =	sld [smem:$0x3F9F]  }
0x1a: {  	s8 =	sadd.s32 $0xFFFFE003, lr  }
0x1b: {  	s9 =	sadd.s32 $0xFFFFFEF7, lr;
	s5 =	simm.s32 $0xFFFFFFFF;
	p2 =	slt.u32 s8, $0xFFFFF086  }
0x1c: {  	p1 =	slt.u32 s9, $0xF7A;
	s5 =	simm.s32 @!p2 $0x0  }
0x1d: {  	s5 =	simm.s32 @p1 $0x1;
	p0 =	seq.s32 s7, s2  }
0x1e: {  	s7 =	smul.u32 @!p0 $0xF7A, s2;
	p2 =	seq.s32 @!p0 s5, $0x0  }
0x1f: {  	s9 =	smul.u32 $0xF7A, s1;
	s8 =	simm.s32 @!p0 $0x1BF5;
	p2 =	por !p2, p0  }
0x20: {  	[sflag:s8] =	ssyncset.s32 @!p0 $0xFFFFF086;
	s6 =	sadd.s32 @!p0 s3, s7;
	s7 =	simm.s32 @!p0 $0x108  }
0x21: {  	s3 =	sadd.s32 s3, s9;
	s6 =	sadd.s32 @!p0 $0x88, s6;
	s7 =	simm.s32 @p2 $0x1082  }
0x22: {  	[simem:s7], [sflag:s8] =	dma.local @!p0 [hbm:s6], $0xF7A  }
0x23: {  	s9 =	sor.u32 $0xD0000000, s2;
	s6 =	simm.s32 $0x108;
	_ =	swait.ge @!p0 [sflag:s8], $0x0  }
0x24: {  	s3 =	sadd.s32 $0x88, s3;
	s6 =	simm.s32 @!p1 $0x1082;
	[sflag:s4] =	ssyncset.s32 $0xFFFFF086  }
0x25: {  	[simem:s6], [sflag:s4] =	dma.local [hbm:s3], $0xF7A  }
0x26: {  	[smem:$0x3F9F] =	sst s1;
	(tag) =	ssettag s2;
	_ =	strace s9  }
0x27: {  	s1 =	sld [smem:$0x3FAF]  }
0x28: {  	s2 =	sld [smem:$0x3FB0]  }
0x29: {  	s4 =	sld [smem:$0x3FB2]  }
0x2a: {  	p0 =	seq.s32 s5, $0x0;
	s5 =	sld [smem:$0x3FB3]  }
0x2b: {  	s6 =	sld [smem:$0x3FB4]  }
0x2c: {  	s7 =	sld [smem:$0x3FB5]  }
0x2d: {  	s3 =	simm.s32 $0x108;
	s8 =	sld [smem:$0x3FB6]  }
0x2e: {  	s3 =	simm.s32 @!p0 $0x1082;
	s9 =	sld [smem:$0x3FB7]  }
0x2f: {  	lr =	sadd.s32 s0, s3;
	s0 =	sld [smem:$0x3FAE]  }
0x30: {  	s3 =	sld [smem:$0x3FB1]  }
0x31: {  	[smem:$0x3FBA] =	sst s10  }
0x32: {  	s10 =	sld [smem:$0x3FB8];
	_ =	sdelay $0x3  }
0x33: {  	p0 =	seq.s32 s10, $0x1;
	s10 =	sld [smem:$0x3FBA];
	_ =	sdelay $0x3  }
0x34: {  	[smem:$0x3FBA] =	sst s10  }
0x35: {  	s10 =	sld [smem:$0x3FB9];
	_ =	sdelay $0x3  }
0x36: {  	p1 =	seq.s32 s10, $0x1;
	s10 =	sld [smem:$0x3FBA];
	_ =	sdelay $0x3  }
0x37: {  	[smem:$0x3FBA] =	sst s10  }
0x38: {  	s10 =	sld [smem:$0x3FBB]  }
0x39: {  	_ = 	snop;
	(pc) =	sbr.ind lr, $3  }
0x3a: {  	_ = 	snop  }
0x3b: {  	_ = 	snop  }
0x3c: {  	p2 =	seq.s32 s10, $0x1;
	s10 =	sld [smem:$0x3FBA]  }
0x3d: {  	_ =	shalt  }
0x3e: {  	_ =	shalt  }
0x3f: {  	_ =	shalt  }
0x40: {  	_ =	shalt  }
0x41: {  	_ =	shalt  }
0x42: {  	_ =	shalt  }
0x43: {  	_ =	shalt  }
0x44: {  	_ =	shalt  }
0x45: {  	_ =	shalt  }
0x46: {  	_ =	shalt  }
0x47: {  	_ =	shalt  }
0x48: {  	_ =	shalt  }
0x49: {  	_ =	shalt  }
0x4a: {  	_ =	shalt  }
0x4b: {  	_ =	shalt  }
0x4c: {  	_ =	shalt  }
0x4d: {  	_ =	shalt  }
0x4e: {  	_ =	shalt  }
0x4f: {  	_ =	shalt  }
0x50: {  	_ =	shalt  }
0x51: {  	_ =	shalt  }
0x52: {  	_ =	shalt  }
0x53: {  	_ =	shalt  }
0x54: {  	_ =	shalt  }
0x55: {  	_ =	shalt  }
0x56: {  	_ =	shalt  }
0x57: {  	_ =	shalt  }
0x58: {  	_ =	shalt  }
0x59: {  	_ =	shalt  }
0x5a: {  	_ =	shalt  }
0x5b: {  	_ =	shalt  }
0x5c: {  	_ =	shalt  }
0x5d: {  	_ =	shalt  }
0x5e: {  	_ =	shalt  }
0x5f: {  	_ =	shalt  }
0x60: {  	_ =	shalt  }
0x61: {  	_ =	shalt  }
0x62: {  	_ =	shalt  }
0x63: {  	_ =	shalt  }
0x64: {  	_ =	shalt  }
0x65: {  	_ =	shalt  }
0x66: {  	_ =	shalt  }
0x67: {  	_ =	shalt  }
0x68: {  	_ =	shalt  }
0x69: {  	_ =	shalt  }
0x6a: {  	_ =	shalt  }
0x6b: {  	_ =	shalt  }
0x6c: {  	_ =	shalt  }
0x6d: {  	_ =	shalt  }
0x6e: {  	_ =	shalt  }
0x6f: {  	_ =	shalt  }
0x70: {  	_ =	shalt  }
0x71: {  	_ =	shalt  }
0x72: {  	_ =	shalt  }
0x73: {  	_ =	shalt  }
0x74: {  	_ =	shalt  }
0x75: {  	_ =	shalt  }
0x76: {  	_ =	shalt  }
0x77: {  	_ =	shalt  }
0x78: {  	_ =	shalt  }
0x79: {  	_ =	shalt  }
0x7a: {  	_ =	shalt  }
0x7b: {  	_ =	shalt  }
0x7c: {  	_ =	shalt  }
0x7d: {  	_ =	shalt  }
0x7e: {  	_ =	shalt  }
0x7f: {  	_ =	shalt  }
0x80: {  	_ =	shalt  }
0x81: {  	_ =	shalt  }
0x82: {  	_ =	shalt  }
0x83: {  	_ =	shalt  }
0x84: {  	_ =	shalt  }
0x85: {  	_ =	shalt  }
0x86: {  	_ =	shalt  }
0x87: {  	_ =	shalt  }
.Lfunc_end0:
.L_simem_size_0:
called_computation_lowered:
.L_overlay_start_0:
0x88: {  	s2 =	sld [smem:$0x3FD9]  }
0x89: {  	s3 =	sld [smem:$0x3FFE];
	_ =	sdelay $0x1  }
0x8a: {  	s1 =	srdreg.scid  }
0x8b: {  	s0 =	sand.u32 $0x1, s1  }
0x8c: {  	s17 =	sshll.u32 s0, $0xA;
	s2 =	sadd.s32 s3, s2  }
0x8d: {  	s2 =	sadd.s32 s2, s17  }
0x8e: {  	[smem:$0x3FC6] =	sst s2  }
0x8f: {  	_ = 	snop  }
0x90: {  	s2 =	sld [smem:$0x3FD0];
	(tm) =	ssettm $0x1  }
0x91: {  	s18 =	sld [smem:$0x3FFB];
	_ =	sdelay $0x3  }
0x92: {  	_ =	strace s18  }
0x93: {  	s3 =	sld [smem:$0x3FFC];
	_ =	sdelay $0x3  }
0x94: {  	_ =	strace s3  }
0x95: {  	s3 =	sld [smem:$0x3FFD];
	_ =	sdelay $0x3  }
0x96: {  	_ =	strace s3  }
0x97: {  	_ =	strace $0x8FFFFFFF  }
0x98: {  	s19 =	sld [smem:$0x3FDB];
	_ =	sdelay $0x1  }
0x99: {  	s4 =	simm.s32 $_scs_section_size  }
0x9a: {  	s5 =	simm.s32 $_size__tile_overlayer_lowered;
	s6 =	simm.s32 $_tile_overlayer_lowered  }
0x9b: {  	s22 =	simm.s32 $0x1BFF;
	s21 =	sshll.u32 s6, $0x1;
	s3 =	sadd.s32 s4, s19  }
0x9c: {  	s7 =	simm.s32 $0x0;
	s20 =	sshll.u32 s5, $0x1;
	s5 =	sadd.s32 s21, s3  }
0x9d: {  	[timem:s7], [sflag:s22] =	dma.local [hbm:s5], s20  }
0x9e: {  	_ =	swait.ge [sflag:s22], s20  }
0x9f: {  	s4 =	ssub.s32 $0x0, s20;
	[sflag:s22] =	ssyncset.done $0x0  }
0xa0: {  	[sflag:s22] =	ssyncadd.s32 s4;
	_ =	sdelay $0x1  }
0xa1: {  	s23 =	simm.s32 $0x1B8B  }
0xa2: {  	_ =	swait.ge [sflag:s23], $0x1  }
0xa3: {  	[sflag:s23] =	ssyncset.done $0x0  }
0xa4: {  	s25 =	simm.s32 $0x1B8E;
	s24 =	sld [smem:$0x3FFE];
	[sflag:s23] =	ssyncadd.s32 $0xFFFFFFFF  }
0xa5: {  	s26 =	simm.s32 $execute0_lowered;
	[smem:$0x3FD2] =	sst s25  }
0xa6: {  	s5 =	sshll.u32 s26, $0x1;
	_ =	strace $0x80000046;
	[dreg:$0x1] =	wrdreg $0xFFFFFFFF  }
0xa7: {  	s28 =	simm.s32 $_size_execute0_lowered;
	s3 =	sadd.s32 s3, s5;
	[dreg:$0x0] =	wrdreg $0x0  }
0xa8: {  	s5 =	sshll.u32 s28, $0x1;
	[dreg:$0x2] =	wrdreg s3  }
0xa9: {  	[dreg:$0x3] =	wrdreg s5  }
0xaa: {  	[dreg:$0x4] =	wrdreg $0xC0  }
0xab: {  	_ =	task [dreg:s7], $0x5FFFF  }
0xac: {  	[dreg:$0x1] =	wrdreg $0xFFFFFFFF  }
0xad: {  	[dreg:$0x0] =	wrdreg $0x60  }
0xae: {  	[dreg:$0x2] =	wrdreg s24  }
0xaf: {  	[dreg:$0x3] =	wrdreg s2  }
0xb0: {  	[dreg:$0x4] =	wrdreg $0x0  }
0xb1: {  	[dreg:$0x5] =	wrdreg $0x9  }
0xb2: {  	_ =	task.clear_ibuf [dreg:s7], $0x6FFFF;
	_ =	strace $0x90000046  }
0xb3: {  	s29 =	simm.s32 $0x9;
	_ =	strace $0x80000048  }
0xb4: {  	_ =	swait.ge [sflag:s29], $0x1  }
0xb5: {  	[sflag:s29] =	ssyncadd.s32 $0xFFFFFFFF  }
0xb6: {  	_ =	strace $0x90000048  }
0xb7: {  	_ =	sfence  }
0xb8: {  	s30 =	sld [smem:$0x0];
	_ =	sdelay $0x2  }
0xb9: {  	s31 =	sshll.u32 s1, $0xD;
	s1 =	sshrl.u32 s1, $0x2  }
0xba: {  	s3 =	sand.u32 $0x4000, s31;
	s1 =	sadd.s32 s1, s30  }
0xbb: {  	s0 =	sor.u32 s3, s0;
	s1 =	sshll.u32 s1, $0x11  }
0xbc: {  	s0 =	sor.u32 s1, s0  }
0xbd: {  	s0 =	sadd.s32 $0x8F2B, s0  }
0xbe: {  	[sflag:s0] =	ssyncadd.remote.s32 $0x1  }
0xbf: {  	_ =	sfence.sel $0xFFFF  }
0xc0: {  	[dreg:$0x0] =	wrdreg $0xFFFFFFFF;
	(pc) =	sbr.abs _section_cstart, $3  }
0xc1: {  	[dreg:$0x1] =	wrdreg $0xFFFFFFFF  }
0xc2: {  	_ =	task.clear_ibuf [dreg:s7], $0x2FFFF;
	_ =	strace $0x9FFFFFFF  }
0xc3: {  	(tm) =	ssettm $0x7FFFFFFF  }
tec
execute0_lowered:
.L_overlay_start_1:
0x0: {  	(tag) =	ssettag $0x1  }
0x1: {  	v0 =	vimm.s32 $0xDB8631;
	vm0 =	vcmask $0x1700;
	v1 =	vimm.s32 $0x12101715  }
0x2: {  	v2 =	vimm.s32 $0xEC9742;
	v3 =	vimm.s32 $0x1C1A211F;
	vm1 =	vcmask $0x2718  }
0x3: {  	vm2 =	vcmask $0x3728;
	v49 =	vimm.s32 $0x13111816;
	v4 =	vimm.s32 $0x1D1B2220  }
0x4: {  	v51 =	vimm.s32 $0x8D8B8886;
	v52 =	vimm.s32 $0x97959290;
	v54 =	vimm.s32 $0xA19F9C9A  }
0x5: {  	vm4 =	vcmask $0xF00;
	vm3 =	vcmask $0x1F10;
	v58 =	vimm.s32 $0x8E8C8987  }
0x6: {  	v59 =	vimm.s32 $0x18D;
	vm14 =	vcmask $0x300;
	vm13 =	vcmask $0x704  }
0x7: {  	vm12 =	vcmask $0xB08;
	vm11 =	vcmask $0xF0C;
	v60 =	vimm.s32 $0x98969391  }
0x8: {  	vm10 =	vcmask $0x1310;
	vm9 =	vcmask $0x1714;
	vm8 =	vcmask $0x1B18  }
0x9: {  	vm7 =	vcmask $0x1F1C;
	v5 =	vimm.s32 $0xA2A09D9B;
	vm6 =	vcmask $0x2320  }
0xa: {  	vm5 =	vcmask $0x2724;
	vm15 =	vcmask $0x3734;
	v10 =	vimm.s32 $0x18E  }
0xb: {  	v11 =	vimm.s32 $0x212;
	v6 =	vimm.s32 $0x213;
	v14 =	vimm.s32 $0x297  }
0xc: {  	v15 =	vimm.s32 $0x298;
	v18 =	vimm.s32 $0x31D;
	v19 =	vimm.s32 $0x3A1  }
0xd: {  	v34 =	vimm.s32 $0x483;
	v35 =	vimm.s32 $0x484;
	v38 =	vimm.s32 $0x509  }
0xe: {  	v39 =	vimm.s32 $0x58D;
	v42 =	vimm.s32 $0x612;
	v21 =	vimm.s32 $0x697  }
0xf: {  	v45 =	vimm.s32 $0x698;
	v24 =	vimm.s32 $0x71D;
	v46 =	vimm.s32 $0x7A1  }
0x10: {  	v27 =	vimm.s32 $0x883;
	v30 =	vimm.s32 $0x909;
	v0 =	vunpack.c.l.s4.s8 v0  }
0x11: {  	v1 =	vunpack.c.0.s8.s32 v1;
	v2 =	vunpack.c.l.s4.s8 v2;
	v3 =	vunpack.c.0.s8.s32 v3  }
0x12: {  	v50 =	vunpack.c.0.s8.s32 v4;
	v53 =	vunpack.c.0.s8.s32 v52;
	v4 =	vunpack.c.0.s8.s32 v54  }
0x13: {  	v5 =	vunpack.c.0.s8.s32 v5;
	v6 =	vsel vm14, $0x191, v6;
	v21 =	vsel vm14, $0x615, v21  }
0x14: {  	v24 =	vsel vm14, $0x69B, v24;
	v27 =	vsel vm14, $0x801, v27;
	v30 =	vsel vm14, $0x887, v30  }
0x15: {  	v52 =	vimm.s32 $0xB1C;
	v54 =	vimm.s32 $0xBA2;
	v6 =	vsel vm13, $0x193, v6  }
0x16: {  	v21 =	vsel vm13, $0x617, v21;
	v24 =	vsel vm13, $0x69D, v24;
	v27 =	vsel vm13, $0x803, v27  }
0x17: {  	v30 =	vsel vm13, $0x889, v30;
	v0 =	vunpack.c.0.s8.s32 v0;
	v47 =	vunpack.c.0.s8.s32 v2  }
0x18: {  	v48 =	vand.u32 $0xFF, v3;
	v3 =	vunpack.c.0.s8.s32 v49;
	v2 =	vand.u32 $0xFF, v50  }
0x19: {  	v55 =	vand.u32 $0xFF, v4;
	v4 =	vunpack.c.0.s8.s32 v60;
	v61 =	vand.u32 $0xFF, v5  }
0x1a: {  	v5 =	vsel vm14, $0x190, v11;
	v6 =	vsel vm12, $0x196, v6;
	v21 =	vsel vm12, $0x61A, v21  }
0x1b: {  	v24 =	vsel vm12, $0x6A0, v24;
	v27 =	vsel vm12, $0x806, v27;
	v30 =	vsel vm12, $0x88C, v30  }
0x1c: {  	v49 =	vimm.s32 $0x98E;
	v50 =	vimm.s32 $0xA13;
	v60 =	vimm.s32 $0xE97  }
0x1d: {  	v5 =	vsel vm13, $0x192, v5;
	v6 =	vsel vm11, $0x198, v6;
	v21 =	vsel vm11, $0x61C, v21  }
0x1e: {  	v24 =	vsel vm11, $0x6A2, v24;
	v27 =	vsel vm11, $0x808, v27;
	v30 =	vsel vm11, $0x88E, v30  }
0x1f: {  	v0 =	vand.u32 $0xF, v0;
	v4 =	vand.u32 $0xFF, v4;
	v5 =	vsel vm12, $0x195, v5  }
0x20: {  	v6 =	vsel vm10, $0x19B, v6;
	v21 =	vsel vm10, $0x61F, v21;
	v24 =	vsel vm10, $0x702, v24  }
0x21: {  	v27 =	vsel vm10, $0x80B, v27;
	v30 =	vsel vm10, $0x891, v30;
	v0 =	vnsel vm0, $0x83, v0  }
0x22: {  	v5 =	vsel vm11, $0x197, v5;
	v6 =	vsel vm9, $0x19D, v6;
	v21 =	vsel vm9, $0x621, v21  }
0x23: {  	v24 =	vsel vm9, $0x704, v24;
	v27 =	vsel vm9, $0x80D, v27;
	v30 =	vsel vm9, $0x893, v30  }
0x24: {  	v0 =	vsel vm1, v1, v0;
	v1 =	vand.u32 $0xF, v47;
	v5 =	vsel vm10, $0x19A, v5  }
0x25: {  	v6 =	vsel vm8, $0x1A0, v6;
	v21 =	vsel vm8, $0x681, v21;
	v24 =	vsel vm8, $0x707, v24  }
0x26: {  	v27 =	vsel vm8, $0x810, v27;
	v47 =	vimm.s32 $0x884;
	v30 =	vsel vm8, $0x896, v30  }
0x27: {  	v0 =	vsel vm2, v48, v0;
	v1 =	vnsel vm0, $0x84, v1;
	vm0 =	vcmask $0x3B38  }
0x28: {  	v5 =	vsel vm9, $0x19C, v5;
	v6 =	vsel vm7, $0x1A2, v6;
	v21 =	vsel vm7, $0x683, v21  }
0x29: {  	v24 =	vsel vm7, $0x709, v24;
	v27 =	vsel vm7, $0x812, v27;
	v30 =	vsel vm7, $0x898, v30  }
0x2a: {  	v48 =	vimm.s32 $0x98D;
	v1 =	vsel vm1, v3, v1;
	v3 =	vunpack.c.0.s8.s32 v51  }
0x2b: {  	v0 =	vsel vm0, $0x81, v0;
	vm1 =	vcmask $0x3330;
	v5 =	vsel vm8, $0x19F, v5  }
0x2c: {  	v6 =	vsel vm6, $0x202, v6;
	v21 =	vsel vm6, $0x686, v21;
	v24 =	vsel vm6, $0x70C, v24  }
0x2d: {  	v27 =	vsel vm6, $0x815, v27;
	v30 =	vsel vm6, $0x89B, v30;
	v51 =	vimm.s32 $0xA97  }
0x2e: {  	v1 =	vsel vm2, v2, v1;
	v2 =	vand.u32 $0xFF, v53;
	vm2 =	vcmask $0x2F20  }
0x2f: {  	v5 =	vsel vm7, $0x1A1, v5;
	v6 =	vsel vm5, $0x204, v6;
	v21 =	vsel vm5, $0x688, v21  }
0x30: {  	v24 =	vsel vm5, $0x70E, v24;
	v27 =	vsel vm5, $0x817, v27;
	v30 =	vsel vm5, $0x89D, v30  }
0x31: {  	v53 =	vimm.s32 $0xB1D;
	v3 =	vand.u32 $0xFF, v3;
	v5 =	vsel vm6, $0x201, v5  }
0x32: {  	v56 =	vsel vm0, $0x82, v1;
	v3 =	vnsel vm4, $0x108, v3;
	v5 =	vsel vm5, $0x203, v5  }
0x33: {  	[tilespmem:$0x1FEA0] =	vst v56;
	v56 =	vimm.s32 $0xD08;
	v2 =	vsel vm3, v2, v3;
	v3 =	vsel vm14, $0x10B, v59  }
0x34: {  	v59 =	vimm.s32 $0xE12;
	v57 =	vsel vm2, v55, v2;
	v2 =	vunpack.c.0.s8.s32 v58  }
0x35: {  	v3 =	vsel vm13, $0x10D, v3;
	v55 =	vimm.s32 $0xC83;
	v58 =	vimm.s32 $0xD8E  }
0x36: {  	[tilespmem:$0x1FE90] =	vst v0;
	v3 =	vsel vm12, $0x110, v3;
	v0 =	vsel vm1, $0x101, v57;
	v57 =	vimm.s32 $0xD09  }
0x37: {  	v2 =	vand.u32 $0xFF, v2;
	v3 =	vsel vm11, $0x112, v3;
	v0 =	vsel vm15, $0x103, v0  }
0x38: {  	v3 =	vsel vm10, $0x115, v3;
	v2 =	vnsel vm4, $0x109, v2;
	vm4 =	vcmask $0x2B28  }
0x39: {  	v0 =	vsel vm0, $0x106, v0;
	v3 =	vsel vm9, $0x117, v3;
	v2 =	vsel vm3, v4, v2  }
0x3a: {  	vm3 =	vcmask $0x2F2C;
	[tilespmem:$0x1FEB0] =	vst v0;
	v0 =	vsel vm14, $0x10C, v10;
	v5 =	vsel vm4, $0x206, v5  }
0x3b: {  	v6 =	vsel vm4, $0x207, v6;
	v21 =	vsel vm4, $0x68B, v21;
	v24 =	vsel vm4, $0x711, v24  }
0x3c: {  	v27 =	vsel vm4, $0x81A, v27;
	v30 =	vsel vm4, $0x8A0, v30;
	v0 =	vsel vm13, $0x10E, v0  }
0x3d: {  	v3 =	vsel vm8, $0x11A, v3;
	v2 =	vsel vm2, v61, v2;
	v0 =	vsel vm12, $0x111, v0  }
0x3e: {  	v5 =	vsel vm3, $0x208, v5;
	v6 =	vsel vm3, $0x209, v6;
	v0 =	vsel vm11, $0x113, v0  }
0x3f: {  	v21 =	vsel vm3, $0x68D, v21;
	v24 =	vsel vm3, $0x713, v24;
	v0 =	vsel vm10, $0x116, v0  }
0x40: {  	v27 =	vsel vm3, $0x81C, v27;
	v30 =	vsel vm3, $0x8A2, v30;
	v0 =	vsel vm9, $0x118, v0  }
0x41: {  	v61 =	vimm.s32 $0xE98;
	v3 =	vsel vm7, $0x11C, v3;
	v0 =	vsel vm8, $0x11B, v0  }
0x42: {  	v2 =	vsel vm1, $0x102, v2;
	v5 =	vsel vm1, $0x20B, v5;
	v0 =	vsel vm7, $0x11D, v0  }
0x43: {  	v6 =	vsel vm1, $0x20C, v6;
	v21 =	vsel vm1, $0x690, v21;
	v0 =	vsel vm6, $0x120, v0  }
0x44: {  	v24 =	vsel vm1, $0x716, v24;
	v27 =	vsel vm1, $0x81F, v27;
	v0 =	vsel vm5, $0x122, v0  }
0x45: {  	v30 =	vsel vm1, $0x902, v30;
	v3 =	vsel vm6, $0x11F, v3;
	v0 =	vsel vm4, $0x182, v0  }
0x46: {  	v62 =	vsel vm15, $0x104, v2;
	v7 =	vsel vm15, $0x20D, v5;
	v0 =	vsel vm3, $0x184, v0  }
0x47: {  	v23 =	vsel vm15, $0x692, v21;
	v26 =	vsel vm15, $0x718, v24;
	v0 =	vsel vm1, $0x187, v0  }
0x48: {  	v29 =	vsel vm15, $0x821, v27;
	v3 =	vsel vm5, $0x121, v3;
	v0 =	vsel vm15, $0x189, v0  }
0x49: {  	v8 =	vsel vm0, $0x107, v62;
	v12 =	vsel vm0, $0x210, v7;
	v0 =	vsel vm0, $0x18C, v0  }
0x4a: {  	v44 =	vsel vm0, $0x695, v23;
	v23 =	vimm.s32 $0x71C;
	[tilespmem:$0x1FEE0] =	vst v0;
	v0 =	vsel vm14, $0x215, v14  }
0x4b: {  	v62 =	vimm.s32 $0xF1D;
	v3 =	vsel vm4, $0x181, v3;
	[tilespmem:$0x1FEC0] =	vst v8;
	v0 =	vsel vm13, $0x217, v0  }
0x4c: {  	v8 =	vsel vm15, $0x20E, v6;
	[tilespmem:$0x1FEF0] =	vst v12;
	v12 =	vimm.s32 $0x3A2;
	v0 =	vsel vm12, $0x21A, v0  }
0x4d: {  	v23 =	vsel vm14, $0x69A, v23;
	v3 =	vsel vm3, $0x183, v3;
	v0 =	vsel vm11, $0x21C, v0  }
0x4e: {  	v13 =	vsel vm0, $0x211, v8;
	v8 =	vsel vm14, $0x216, v15;
	v0 =	vsel vm10, $0x21F, v0  }
0x4f: {  	v12 =	vsel vm14, $0x320, v12;
	v15 =	vimm.s32 $0x508;
	v0 =	vsel vm9, $0x221, v0  }
0x50: {  	v23 =	vsel vm13, $0x69C, v23;
	v3 =	vsel vm1, $0x186, v3;
	v0 =	vsel vm8, $0x281, v0  }
0x51: {  	v8 =	vsel vm13, $0x218, v8;
	v12 =	vsel vm13, $0x322, v12;
	v0 =	vsel vm7, $0x283, v0  }
0x52: {  	v15 =	vsel vm14, $0x486, v15;
	v23 =	vsel vm12, $0x69F, v23;
	v0 =	vsel vm6, $0x286, v0  }
0x53: {  	v63 =	vsel vm15, $0x188, v3;
	v8 =	vsel vm12, $0x21B, v8;
	v0 =	vsel vm5, $0x288, v0  }
0x54: {  	v12 =	vsel vm12, $0x382, v12;
	v15 =	vsel vm13, $0x488, v15;
	v0 =	vsel vm4, $0x28B, v0  }
0x55: {  	v23 =	vsel vm11, $0x6A1, v23;
	v9 =	vsel vm0, $0x18B, v63;
	v0 =	vsel vm3, $0x28D, v0  }
0x56: {  	v8 =	vsel vm11, $0x21D, v8;
	v12 =	vsel vm11, $0x384, v12;
	v0 =	vsel vm1, $0x290, v0  }
0x57: {  	v15 =	vsel vm12, $0x48B, v15;
	v23 =	vsel vm10, $0x701, v23;
	v0 =	vsel vm15, $0x292, v0  }
0x58: {  	v63 =	vimm.s32 $0xFA1;
	[tilespmem:$0x1FED0] =	vst v9;
	v9 =	vimm.s32 $0x31C;
	v0 =	vsel vm0, $0x295, v0  }
0x59: {  	v8 =	vsel vm10, $0x220, v8;
	v12 =	vsel vm10, $0x387, v12;
	[tilespmem:$0x1FF10] =	vst v0;
	v0 =	vsel vm14, $0x29B, v18  }
0x5a: {  	v15 =	vsel vm11, $0x48D, v15;
	v23 =	vsel vm9, $0x703, v23;
	v0 =	vsel vm13, $0x29D, v0  }
0x5b: {  	v9 =	vsel vm14, $0x29A, v9;
	v8 =	vsel vm9, $0x222, v8;
	v0 =	vsel vm12, $0x2A0, v0  }
0x5c: {  	v12 =	vsel vm9, $0x389, v12;
	v15 =	vsel vm10, $0x490, v15;
	v0 =	vsel vm11, $0x2A2, v0  }
0x5d: {  	v23 =	vsel vm8, $0x706, v23;
	v9 =	vsel vm13, $0x29C, v9;
	v0 =	vsel vm10, $0x302, v0  }
0x5e: {  	v8 =	vsel vm8, $0x282, v8;
	v12 =	vsel vm8, $0x38C, v12;
	v0 =	vsel vm9, $0x304, v0  }
0x5f: {  	v15 =	vsel vm9, $0x492, v15;
	v23 =	vsel vm7, $0x708, v23;
	v0 =	vsel vm8, $0x307, v0  }
0x60: {  	v9 =	vsel vm12, $0x29F, v9;
	v8 =	vsel vm7, $0x284, v8;
	v0 =	vsel vm7, $0x309, v0  }
0x61: {  	v12 =	vsel vm7, $0x38E, v12;
	v15 =	vsel vm8, $0x495, v15;
	v0 =	vsel vm6, $0x30C, v0  }
0x62: {  	v23 =	vsel vm6, $0x70B, v23;
	v9 =	vsel vm11, $0x2A1, v9;
	v0 =	vsel vm5, $0x30E, v0  }
0x63: {  	v8 =	vsel vm6, $0x287, v8;
	v12 =	vsel vm6, $0x391, v12;
	v0 =	vsel vm4, $0x311, v0  }
0x64: {  	v15 =	vsel vm7, $0x497, v15;
	v23 =	vsel vm5, $0x70D, v23;
	v0 =	vsel vm3, $0x313, v0  }
0x65: {  	v9 =	vsel vm10, $0x301, v9;
	v8 =	vsel vm5, $0x289, v8;
	v0 =	vsel vm1, $0x316, v0  }
0x66: {  	v12 =	vsel vm5, $0x393, v12;
	v15 =	vsel vm6, $0x49A, v15;
	v0 =	vsel vm15, $0x318, v0  }
0x67: {  	v23 =	vsel vm4, $0x710, v23;
	v9 =	vsel vm9, $0x303, v9;
	v0 =	vsel vm0, $0x31B, v0  }
0x68: {  	v8 =	vsel vm4, $0x28C, v8;
	v12 =	vsel vm4, $0x396, v12;
	[tilespmem:$0x1FF40] =	vst v0;
	v0 =	vsel vm14, $0x401, v34  }
0x69: {  	v15 =	vsel vm5, $0x49C, v15;
	v23 =	vsel vm3, $0x712, v23;
	v0 =	vsel vm13, $0x403, v0  }
0x6a: {  	v9 =	vsel vm8, $0x306, v9;
	v8 =	vsel vm3, $0x28E, v8;
	v0 =	vsel vm12, $0x406, v0  }
0x6b: {  	v12 =	vsel vm3, $0x398, v12;
	v15 =	vsel vm4, $0x49F, v15;
	v0 =	vsel vm11, $0x408, v0  }
0x6c: {  	v23 =	vsel vm1, $0x715, v23;
	v9 =	vsel vm7, $0x308, v9;
	v0 =	vsel vm10, $0x40B, v0  }
0x6d: {  	v8 =	vsel vm1, $0x291, v8;
	v12 =	vsel vm1, $0x39B, v12;
	v0 =	vsel vm9, $0x40D, v0  }
0x6e: {  	v15 =	vsel vm3, $0x4A1, v15;
	v25 =	vsel vm15, $0x717, v23;
	v0 =	vsel vm8, $0x410, v0  }
0x6f: {  	v9 =	vsel vm6, $0x30B, v9;
	v10 =	vsel vm15, $0x293, v8;
	v0 =	vsel vm7, $0x412, v0  }
0x70: {  	v14 =	vsel vm15, $0x39D, v12;
	v15 =	vsel vm1, $0x501, v15;
	v0 =	vsel vm6, $0x415, v0  }
0x71: {  	v24 =	vsel vm0, $0x71A, v25;
	v25 =	vsel vm0, $0x71B, v26;
	v0 =	vsel vm5, $0x417, v0  }
0x72: {  	v26 =	vimm.s32 $0x7A2;
	v9 =	vsel vm5, $0x30D, v9;
	v0 =	vsel vm4, $0x41A, v0  }
0x73: {  	v16 =	vsel vm0, $0x296, v10;
	v33 =	vsel vm0, $0x3A0, v14;
	v0 =	vsel vm3, $0x41C, v0  }
0x74: {  	v14 =	vsel vm14, $0x402, v35;
	v26 =	vsel vm14, $0x720, v26;
	v0 =	vsel vm1, $0x41F, v0  }
0x75: {  	v9 =	vsel vm4, $0x310, v9;
	v14 =	vsel vm13, $0x404, v14;
	v0 =	vsel vm15, $0x421, v0  }
0x76: {  	[tilespmem:$0x1FF60] =	vst v33;
	v26 =	vsel vm13, $0x722, v26;
	v33 =	vimm.s32 $0xA12;
	v0 =	vsel vm0, $0x481, v0  }
0x77: {  	v9 =	vsel vm3, $0x312, v9;
	v14 =	vsel vm12, $0x407, v14;
	[tilespmem:$0x1FF70] =	vst v0;
	v0 =	vsel vm14, $0x487, v38  }
0x78: {  	v26 =	vsel vm12, $0x782, v26;
	v33 =	vsel vm14, $0x990, v33;
	v0 =	vsel vm13, $0x489, v0  }
0x79: {  	v9 =	vsel vm1, $0x315, v9;
	v14 =	vsel vm11, $0x409, v14;
	v0 =	vsel vm12, $0x48C, v0  }
0x7a: {  	v26 =	vsel vm11, $0x784, v26;
	v33 =	vsel vm13, $0x992, v33;
	v0 =	vsel vm11, $0x48E, v0  }
0x7b: {  	v11 =	vsel vm15, $0x317, v9;
	v14 =	vsel vm10, $0x40C, v14;
	v0 =	vsel vm10, $0x491, v0  }
0x7c: {  	v26 =	vsel vm10, $0x787, v26;
	v33 =	vsel vm12, $0x995, v33;
	v0 =	vsel vm9, $0x493, v0  }
0x7d: {  	v17 =	vsel vm0, $0x31A, v11;
	v11 =	vsel vm14, $0x31F, v19;
	v0 =	vsel vm8, $0x496, v0  }
0x7e: {  	v14 =	vsel vm9, $0x40E, v14;
	v26 =	vsel vm9, $0x789, v26;
	v0 =	vsel vm7, $0x498, v0  }
0x7f: {  	v33 =	vsel vm11, $0x997, v33;
	v11 =	vsel vm13, $0x321, v11;
	v0 =	vsel vm6, $0x49B, v0  }
0x80: {  	[tilespmem:$0x1FF30] =	vst v17;
	v14 =	vsel vm8, $0x411, v14;
	v17 =	vsel vm15, $0x503, v15;
	v0 =	vsel vm5, $0x49D, v0  }
0x81: {  	v26 =	vsel vm8, $0x78C, v26;
	v33 =	vsel vm10, $0x99A, v33;
	v0 =	vsel vm4, $0x4A0, v0  }
0x82: {  	v11 =	vsel vm12, $0x381, v11;
	v14 =	vsel vm7, $0x413, v14;
	v0 =	vsel vm3, $0x4A2, v0  }
0x83: {  	v37 =	vsel vm0, $0x506, v17;
	v17 =	vsel vm14, $0x50B, v39;
	v0 =	vsel vm1, $0x502, v0  }
0x84: {  	v26 =	vsel vm7, $0x78E, v26;
	v33 =	vsel vm9, $0x99C, v33;
	v0 =	vsel vm15, $0x504, v0  }
0x85: {  	v39 =	vimm.s32 $0xBA1;
	v11 =	vsel vm11, $0x383, v11;
	v0 =	vsel vm0, $0x507, v0  }
0x86: {  	v14 =	vsel vm6, $0x416, v14;
	v17 =	vsel vm13, $0x50D, v17;
	[tilespmem:$0x1FFA0] =	vst v0;
	v0 =	vsel vm14, $0x590, v42  }
0x87: {  	v26 =	vsel vm6, $0x791, v26;
	v33 =	vsel vm8, $0x99F, v33;
	v0 =	vsel vm13, $0x592, v0  }
0x88: {  	v39 =	vsel vm14, $0xB1F, v39;
	v11 =	vsel vm10, $0x386, v11;
	v0 =	vsel vm12, $0x595, v0  }
0x89: {  	v14 =	vsel vm5, $0x418, v14;
	v17 =	vsel vm12, $0x510, v17;
	v0 =	vsel vm11, $0x597, v0  }
0x8a: {  	v26 =	vsel vm5, $0x793, v26;
	v33 =	vsel vm7, $0x9A1, v33;
	v0 =	vsel vm10, $0x59A, v0  }
0x8b: {  	v39 =	vsel vm13, $0xB21, v39;
	v11 =	vsel vm9, $0x388, v11;
	v0 =	vsel vm9, $0x59C, v0  }
0x8c: {  	v14 =	vsel vm4, $0x41B, v14;
	v18 =	vimm.s32 $0x58E;
	v0 =	vsel vm8, $0x59F, v0  }
0x8d: {  	v17 =	vsel vm11, $0x512, v17;
	v26 =	vsel vm4, $0x796, v26;
	v0 =	vsel vm7, $0x5A1, v0  }
0x8e: {  	v33 =	vsel vm6, $0xA01, v33;
	v39 =	vsel vm12, $0xB81, v39;
	v0 =	vsel vm6, $0x601, v0  }
0x8f: {  	v11 =	vsel vm8, $0x38B, v11;
	v14 =	vsel vm3, $0x41D, v14;
	v0 =	vsel vm5, $0x603, v0  }
0x90: {  	v18 =	vsel vm14, $0x50C, v18;
	v17 =	vsel vm10, $0x515, v17;
	v0 =	vsel vm4, $0x606, v0  }
0x91: {  	v26 =	vsel vm3, $0x798, v26;
	v33 =	vsel vm5, $0xA03, v33;
	v0 =	vsel vm3, $0x608, v0  }
0x92: {  	v39 =	vsel vm11, $0xB83, v39;
	v11 =	vsel vm7, $0x38D, v11;
	v0 =	vsel vm1, $0x60B, v0  }
0x93: {  	v14 =	vsel vm1, $0x420, v14;
	v18 =	vsel vm13, $0x50E, v18;
	v0 =	vsel vm15, $0x60D, v0  }
0x94: {  	v17 =	vsel vm9, $0x517, v17;
	v26 =	vsel vm1, $0x79B, v26;
	v0 =	vsel vm0, $0x610, v0  }
0x95: {  	v33 =	vsel vm4, $0xA06, v33;
	v39 =	vsel vm10, $0xB86, v39;
	[tilespmem:$0x1FFD0] =	vst v0;
	v0 =	vsel vm14, $0x616, v45  }
0x96: {  	[tilespmem:$0x1FF20] =	vst v16;
	v11 =	vsel vm6, $0x390, v11;
	v16 =	vsel vm15, $0x422, v14;
	v0 =	vsel vm13, $0x618, v0  }
0x97: {  	v18 =	vsel vm12, $0x511, v18;
	v17 =	vsel vm8, $0x51A, v17;
	v0 =	vsel vm12, $0x61B, v0  }
0x98: {  	v28 =	vsel vm15, $0x79D, v26;
	v33 =	vsel vm3, $0xA08, v33;
	v0 =	vsel vm11, $0x61D, v0  }
0x99: {  	v39 =	vsel vm9, $0xB88, v39;
	v11 =	vsel vm5, $0x392, v11;
	v0 =	vsel vm10, $0x620, v0  }
0x9a: {  	v36 =	vsel vm0, $0x482, v16;
	v18 =	vsel vm11, $0x513, v18;
	v0 =	vsel vm9, $0x622, v0  }
0x9b: {  	v17 =	vsel vm7, $0x51C, v17;
	v27 =	vsel vm0, $0x7A0, v28;
	v0 =	vsel vm8, $0x682, v0  }
0x9c: {  	v28 =	vsel vm0, $0x881, v29;
	v29 =	vimm.s32 $0x908;
	v0 =	vsel vm7, $0x684, v0  }
0x9d: {  	v33 =	vsel vm1, $0xA0B, v33;
	v39 =	vsel vm8, $0xB8B, v39;
	v0 =	vsel vm6, $0x687, v0  }
0x9e: {  	v11 =	vsel vm4, $0x395, v11;
	v18 =	vsel vm10, $0x516, v18;
	v0 =	vsel vm5, $0x689, v0  }
0x9f: {  	v17 =	vsel vm6, $0x51F, v17;
	v29 =	vsel vm14, $0x886, v29;
	v0 =	vsel vm4, $0x68C, v0  }
0xa0: {  	[tilespmem:$0x1FF80] =	vst v36;
	v35 =	vsel vm15, $0xA0D, v33;
	v36 =	vimm.s32 $0xA98;
	v0 =	vsel vm3, $0x68E, v0  }
0xa1: {  	v39 =	vsel vm7, $0xB8D, v39;
	v11 =	vsel vm3, $0x397, v11;
	v0 =	vsel vm1, $0x691, v0  }
0xa2: {  	v18 =	vsel vm9, $0x518, v18;
	v17 =	vsel vm5, $0x521, v17;
	v0 =	vsel vm15, $0x693, v0  }
0xa3: {  	v29 =	vsel vm13, $0x888, v29;
	v23 =	vsel vm0, $0x696, v0;
	v0 =	vsel vm14, $0x71F, v46  }
0xa4: {  	v36 =	vsel vm14, $0xA16, v36;
	v39 =	vsel vm6, $0xB90, v39;
	v0 =	vsel vm13, $0x721, v0  }
0xa5: {  	v11 =	vsel vm1, $0x39A, v11;
	v18 =	vsel vm8, $0x51B, v18;
	v0 =	vsel vm12, $0x781, v0  }
0xa6: {  	v17 =	vsel vm4, $0x581, v17;
	v29 =	vsel vm12, $0x88B, v29;
	v0 =	vsel vm11, $0x783, v0  }
0xa7: {  	v36 =	vsel vm13, $0xA18, v36;
	v39 =	vsel vm5, $0xB92, v39;
	v0 =	vsel vm10, $0x786, v0  }
0xa8: {  	[tilespmem:$0x1FF00] =	vst v13;
	v13 =	vsel vm15, $0x39C, v11;
	v18 =	vsel vm7, $0x51D, v18;
	v0 =	vsel vm9, $0x788, v0  }
0xa9: {  	v17 =	vsel vm3, $0x583, v17;
	v29 =	vsel vm11, $0x88D, v29;
	v0 =	vsel vm8, $0x78B, v0  }
0xaa: {  	v36 =	vsel vm12, $0xA1B, v36;
	v39 =	vsel vm4, $0xB95, v39;
	v0 =	vsel vm7, $0x78D, v0  }
0xab: {  	v32 =	vsel vm0, $0x39F, v13;
	v29 =	vsel vm10, $0x890, v29;
	v0 =	vsel vm6, $0x790, v0  }
0xac: {  	v18 =	vsel vm6, $0x520, v18;
	v29 =	vsel vm9, $0x892, v29;
	v0 =	vsel vm5, $0x792, v0  }
0xad: {  	v17 =	vsel vm1, $0x586, v17;
	v29 =	vsel vm8, $0x895, v29;
	v0 =	vsel vm4, $0x795, v0  }
0xae: {  	v36 =	vsel vm11, $0xA1D, v36;
	v29 =	vsel vm7, $0x897, v29;
	v0 =	vsel vm3, $0x797, v0  }
0xaf: {  	v39 =	vsel vm3, $0xB97, v39;
	v29 =	vsel vm6, $0x89A, v29;
	v0 =	vsel vm1, $0x79A, v0  }
0xb0: {  	v18 =	vsel vm5, $0x522, v18;
	v29 =	vsel vm5, $0x89C, v29;
	v0 =	vsel vm15, $0x79C, v0  }
0xb1: {  	v29 =	vsel vm4, $0x89F, v29;
	v26 =	vsel vm0, $0x79F, v0;
	v0 =	vsel vm14, $0x802, v47  }
0xb2: {  	v19 =	vsel vm15, $0x588, v17;
	v29 =	vsel vm3, $0x8A1, v29;
	v0 =	vsel vm13, $0x804, v0  }
0xb3: {  	[tilespmem:$0x1FF50] =	vst v32;
	v32 =	vsel vm15, $0x904, v30;
	v29 =	vsel vm1, $0x901, v29;
	v0 =	vsel vm12, $0x807, v0  }
0xb4: {  	v36 =	vsel vm10, $0xA20, v36;
	v31 =	vsel vm15, $0x903, v29;
	v0 =	vsel vm11, $0x809, v0  }
0xb5: {  	v39 =	vsel vm1, $0xB9A, v39;
	v30 =	vsel vm0, $0x906, v31;
	v0 =	vsel vm10, $0x80C, v0  }
0xb6: {  	v31 =	vsel vm0, $0x907, v32;
	v32 =	vsel vm14, $0x90C, v49;
	v0 =	vsel vm9, $0x80E, v0  }
0xb7: {  	v18 =	vsel vm4, $0x582, v18;
	v32 =	vsel vm13, $0x90E, v32;
	v0 =	vsel vm8, $0x811, v0  }
0xb8: {  	v40 =	vsel vm0, $0x58B, v19;
	v32 =	vsel vm12, $0x911, v32;
	v0 =	vsel vm7, $0x813, v0  }
0xb9: {  	v36 =	vsel vm9, $0xA22, v36;
	v32 =	vsel vm11, $0x913, v32;
	v0 =	vsel vm6, $0x816, v0  }
0xba: {  	v18 =	vsel vm3, $0x584, v18;
	v32 =	vsel vm10, $0x916, v32;
	v0 =	vsel vm5, $0x818, v0  }
0xbb: {  	v36 =	vsel vm8, $0xA82, v36;
	v32 =	vsel vm9, $0x918, v32;
	v0 =	vsel vm4, $0x81B, v0  }
0xbc: {  	v18 =	vsel vm1, $0x587, v18;
	v32 =	vsel vm8, $0x91B, v32;
	v0 =	vsel vm3, $0x81D, v0  }
0xbd: {  	v36 =	vsel vm7, $0xA84, v36;
	v32 =	vsel vm7, $0x91D, v32;
	v0 =	vsel vm1, $0x820, v0  }
0xbe: {  	v20 =	vsel vm15, $0x589, v18;
	v32 =	vsel vm6, $0x920, v32;
	v0 =	vsel vm15, $0x822, v0  }
0xbf: {  	v32 =	vsel vm5, $0x922, v32;
	v29 =	vsel vm0, $0x882, v0;
	v0 =	vsel vm14, $0x90B, v48  }
0xc0: {  	v36 =	vsel vm6, $0xA87, v36;
	v32 =	vsel vm4, $0x982, v32;
	v0 =	vsel vm13, $0x90D, v0  }
0xc1: {  	v41 =	vsel vm0, $0x58C, v20;
	v32 =	vsel vm3, $0x984, v32;
	v0 =	vsel vm12, $0x910, v0  }
0xc2: {  	v20 =	vimm.s32 $0x613;
	v32 =	vsel vm1, $0x987, v32;
	v0 =	vsel vm11, $0x912, v0  }
0xc3: {  	v36 =	vsel vm5, $0xA89, v36;
	v34 =	vsel vm15, $0x989, v32;
	v0 =	vsel vm10, $0x915, v0  }
0xc4: {  	v20 =	vsel vm14, $0x591, v20;
	v33 =	vsel vm0, $0x98C, v34;
	v0 =	vsel vm9, $0x917, v0  }
0xc5: {  	v34 =	vsel vm0, $0xA10, v35;
	v35 =	vsel vm14, $0xA15, v51;
	v0 =	vsel vm8, $0x91A, v0  }
0xc6: {  	v36 =	vsel vm4, $0xA8C, v36;
	v35 =	vsel vm13, $0xA17, v35;
	v0 =	vsel vm7, $0x91C, v0  }
0xc7: {  	[tilespmem:$0x1FFC0] =	vst v41;
	v41 =	vsel vm15, $0xB9C, v39;
	v35 =	vsel vm12, $0xA1A, v35;
	v0 =	vsel vm6, $0x91F, v0  }
0xc8: {  	v20 =	vsel vm13, $0x593, v20;
	v35 =	vsel vm11, $0xA1C, v35;
	v0 =	vsel vm5, $0x921, v0  }
0xc9: {  	v36 =	vsel vm3, $0xA8E, v36;
	v35 =	vsel vm10, $0xA1F, v35;
	v0 =	vsel vm4, $0x981, v0  }
0xca: {  	v20 =	vsel vm12, $0x596, v20;
	v35 =	vsel vm9, $0xA21, v35;
	v0 =	vsel vm3, $0x983, v0  }
0xcb: {  	v36 =	vsel vm1, $0xA91, v36;
	v35 =	vsel vm8, $0xA81, v35;
	v0 =	vsel vm1, $0x986, v0  }
0xcc: {  	v20 =	vsel vm11, $0x598, v20;
	v35 =	vsel vm7, $0xA83, v35;
	v0 =	vsel vm15, $0x988, v0  }
0xcd: {  	v35 =	vsel vm6, $0xA86, v35;
	v32 =	vsel vm0, $0x98B, v0;
	v0 =	vsel vm14, $0x991, v50  }
0xce: {  	v20 =	vsel vm10, $0x59B, v20;
	v35 =	vsel vm5, $0xA88, v35;
	v0 =	vsel vm13, $0x993, v0  }
0xcf: {  	v20 =	vsel vm9, $0x59D, v20;
	v35 =	vsel vm4, $0xA8B, v35;
	v0 =	vsel vm12, $0x996, v0  }
0xd0: {  	v20 =	vsel vm8, $0x5A0, v20;
	v35 =	vsel vm3, $0xA8D, v35;
	v0 =	vsel vm11, $0x998, v0  }
0xd1: {  	v20 =	vsel vm7, $0x5A2, v20;
	v35 =	vsel vm1, $0xA90, v35;
	v0 =	vsel vm10, $0x99B, v0  }
0xd2: {  	[tilespmem:$0x1FF90] =	vst v37;
	v20 =	vsel vm6, $0x602, v20;
	v37 =	vsel vm15, $0xA92, v35;
	v0 =	vsel vm9, $0x99D, v0  }
0xd3: {  	v38 =	vsel vm15, $0xA93, v36;
	v36 =	vsel vm0, $0xA95, v37;
	v0 =	vsel vm8, $0x9A0, v0  }
0xd4: {  	v37 =	vsel vm0, $0xA96, v38;
	v38 =	vsel vm14, $0xA9B, v53;
	v0 =	vsel vm7, $0x9A2, v0  }
0xd5: {  	v20 =	vsel vm5, $0x604, v20;
	v38 =	vsel vm13, $0xA9D, v38;
	v0 =	vsel vm6, $0xA02, v0  }
0xd6: {  	v20 =	vsel vm4, $0x607, v20;
	v38 =	vsel vm12, $0xAA0, v38;
	v0 =	vsel vm5, $0xA04, v0  }
0xd7: {  	v20 =	vsel vm3, $0x609, v20;
	v38 =	vsel vm11, $0xAA2, v38;
	v0 =	vsel vm4, $0xA07, v0  }
0xd8: {  	v20 =	vsel vm1, $0x60C, v20;
	v38 =	vsel vm10, $0xB02, v38;
	v0 =	vsel vm3, $0xA09, v0  }
0xd9: {  	v22 =	vsel vm15, $0x60E, v20;
	v38 =	vsel vm9, $0xB04, v38;
	v0 =	vsel vm1, $0xA0C, v0  }
0xda: {  	v43 =	vsel vm0, $0x611, v22;
	v38 =	vsel vm8, $0xB07, v38;
	v0 =	vsel vm15, $0xA0E, v0  }
0xdb: {  	v38 =	vsel vm7, $0xB09, v38;
	v35 =	vsel vm0, $0xA11, v0;
	v0 =	vsel vm14, $0xA9A, v52  }
0xdc: {  	v51 =	vimm.s32 $0xF1C;
	v38 =	vsel vm6, $0xB0C, v38;
	v0 =	vsel vm13, $0xA9C, v0  }
0xdd: {  	v51 =	vsel vm14, $0xE9A, v51;
	v38 =	vsel vm5, $0xB0E, v38;
	v0 =	vsel vm12, $0xA9F, v0  }
0xde: {  	v51 =	vsel vm13, $0xE9C, v51;
	v38 =	vsel vm4, $0xB11, v38;
	v0 =	vsel vm11, $0xAA1, v0  }
0xdf: {  	v42 =	vimm.s32 $0xC84;
	v38 =	vsel vm3, $0xB13, v38;
	v0 =	vsel vm10, $0xB01, v0  }
0xe0: {  	v42 =	vsel vm14, $0xC02, v42;
	v38 =	vsel vm1, $0xB16, v38;
	v0 =	vsel vm9, $0xB03, v0  }
0xe1: {  	[tilespmem:$0x1FFB0] =	vst v40;
	v42 =	vsel vm13, $0xC04, v42;
	v40 =	vsel vm15, $0xB18, v38;
	v0 =	vsel vm8, $0xB06, v0  }
0xe2: {  	v42 =	vsel vm12, $0xC07, v42;
	v39 =	vsel vm0, $0xB1B, v40;
	v0 =	vsel vm7, $0xB08, v0  }
0xe3: {  	v40 =	vsel vm0, $0xB9F, v41;
	v41 =	vsel vm14, $0xC01, v55;
	v0 =	vsel vm6, $0xB0B, v0  }
0xe4: {  	v42 =	vsel vm11, $0xC09, v42;
	v41 =	vsel vm13, $0xC03, v41;
	v0 =	vsel vm5, $0xB0D, v0  }
0xe5: {  	v42 =	vsel vm10, $0xC0C, v42;
	v41 =	vsel vm12, $0xC06, v41;
	v0 =	vsel vm4, $0xB10, v0  }
0xe6: {  	v42 =	vsel vm9, $0xC0E, v42;
	v41 =	vsel vm11, $0xC08, v41;
	v0 =	vsel vm3, $0xB12, v0  }
0xe7: {  	v42 =	vsel vm8, $0xC11, v42;
	v41 =	vsel vm10, $0xC0B, v41;
	v0 =	vsel vm1, $0xB15, v0  }
0xe8: {  	v42 =	vsel vm7, $0xC13, v42;
	v41 =	vsel vm9, $0xC0D, v41;
	v0 =	vsel vm15, $0xB17, v0  }
0xe9: {  	v41 =	vsel vm8, $0xC10, v41;
	v38 =	vsel vm0, $0xB1A, v0;
	v0 =	vsel vm14, $0xB20, v54  }
0xea: {  	v42 =	vsel vm6, $0xC16, v42;
	v41 =	vsel vm7, $0xC12, v41;
	v0 =	vsel vm13, $0xB22, v0  }
0xeb: {  	v42 =	vsel vm5, $0xC18, v42;
	v41 =	vsel vm6, $0xC15, v41;
	v0 =	vsel vm12, $0xB82, v0  }
0xec: {  	v42 =	vsel vm4, $0xC1B, v42;
	v41 =	vsel vm5, $0xC17, v41;
	v0 =	vsel vm11, $0xB84, v0  }
0xed: {  	v42 =	vsel vm3, $0xC1D, v42;
	v41 =	vsel vm4, $0xC1A, v41;
	v0 =	vsel vm10, $0xB87, v0  }
0xee: {  	v42 =	vsel vm1, $0xC20, v42;
	v41 =	vsel vm3, $0xC1C, v41;
	v0 =	vsel vm9, $0xB89, v0  }
0xef: {  	[tilespmem:$0x1FFF0] =	vst v44;
	v44 =	vsel vm15, $0xC22, v42;
	v41 =	vsel vm1, $0xC1F, v41;
	v0 =	vsel vm8, $0xB8C, v0  }
0xf0: {  	[tilespmem:$0x1FFE0] =	vst v43;
	v45 =	vimm.s32 $0xD8D;
	v43 =	vsel vm15, $0xC21, v41;
	v0 =	vsel vm7, $0xB8E, v0  }
0xf1: {  	v45 =	vsel vm14, $0xD0B, v45;
	v42 =	vsel vm0, $0xC81, v43;
	v0 =	vsel vm6, $0xB91, v0  }
0xf2: {  	v43 =	vsel vm0, $0xC82, v44;
	v44 =	vsel vm14, $0xC87, v57;
	v0 =	vsel vm5, $0xB93, v0  }
0xf3: {  	v45 =	vsel vm13, $0xD0D, v45;
	v44 =	vsel vm13, $0xC89, v44;
	v0 =	vsel vm4, $0xB96, v0  }
0xf4: {  	v45 =	vsel vm12, $0xD10, v45;
	v44 =	vsel vm12, $0xC8C, v44;
	v0 =	vsel vm3, $0xB98, v0  }
0xf5: {  	v45 =	vsel vm11, $0xD12, v45;
	v44 =	vsel vm11, $0xC8E, v44;
	v0 =	vsel vm1, $0xB9B, v0  }
0xf6: {  	v45 =	vsel vm10, $0xD15, v45;
	v44 =	vsel vm10, $0xC91, v44;
	v0 =	vsel vm15, $0xB9D, v0  }
0xf7: {  	v44 =	vsel vm9, $0xC93, v44;
	v41 =	vsel vm0, $0xBA0, v0;
	v0 =	vsel vm14, $0xC86, v56  }
0xf8: {  	v45 =	vsel vm9, $0xD17, v45;
	v44 =	vsel vm8, $0xC96, v44;
	v0 =	vsel vm13, $0xC88, v0  }
0xf9: {  	v45 =	vsel vm8, $0xD1A, v45;
	v44 =	vsel vm7, $0xC98, v44;
	v0 =	vsel vm12, $0xC8B, v0  }
0xfa: {  	v45 =	vsel vm7, $0xD1C, v45;
	v44 =	vsel vm6, $0xC9B, v44;
	v0 =	vsel vm11, $0xC8D, v0  }
0xfb: {  	v45 =	vsel vm6, $0xD1F, v45;
	v44 =	vsel vm5, $0xC9D, v44;
	v0 =	vsel vm10, $0xC90, v0  }
0xfc: {  	v45 =	vsel vm5, $0xD21, v45;
	v44 =	vsel vm4, $0xCA0, v44;
	v0 =	vsel vm9, $0xC92, v0  }
0xfd: {  	v45 =	vsel vm4, $0xD81, v45;
	v44 =	vsel vm3, $0xCA2, v44;
	v0 =	vsel vm8, $0xC95, v0  }
0xfe: {  	v45 =	vsel vm3, $0xD83, v45;
	v44 =	vsel vm1, $0xD02, v44;
	v0 =	vsel vm7, $0xC97, v0  }
0xff: {  	v45 =	vsel vm1, $0xD86, v45;
	v46 =	vsel vm15, $0xD04, v44;
	v0 =	vsel vm6, $0xC9A, v0  }
0x100: {  	v47 =	vsel vm15, $0xD88, v45;
	v45 =	vsel vm0, $0xD07, v46;
	v0 =	vsel vm5, $0xC9C, v0  }
0x101: {  	v46 =	vsel vm0, $0xD8B, v47;
	v47 =	vsel vm14, $0xD90, v59;
	v0 =	vsel vm4, $0xC9F, v0  }
0x102: {  	v47 =	vsel vm13, $0xD92, v47;
	v48 =	vimm.s32 $0xE13;
	v0 =	vsel vm3, $0xCA1, v0  }
0x103: {  	v47 =	vsel vm12, $0xD95, v47;
	v48 =	vsel vm14, $0xD91, v48;
	v0 =	vsel vm1, $0xD01, v0  }
0x104: {  	v47 =	vsel vm11, $0xD97, v47;
	v48 =	vsel vm13, $0xD93, v48;
	v0 =	vsel vm15, $0xD03, v0  }
0x105: {  	v48 =	vsel vm12, $0xD96, v48;
	v44 =	vsel vm0, $0xD06, v0;
	v0 =	vsel vm14, $0xD0C, v58  }
0x106: {  	v47 =	vsel vm10, $0xD9A, v47;
	v48 =	vsel vm11, $0xD98, v48;
	v0 =	vsel vm13, $0xD0E, v0  }
0x107: {  	v47 =	vsel vm9, $0xD9C, v47;
	v48 =	vsel vm10, $0xD9B, v48;
	v0 =	vsel vm12, $0xD11, v0  }
0x108: {  	v47 =	vsel vm8, $0xD9F, v47;
	v48 =	vsel vm9, $0xD9D, v48;
	v0 =	vsel vm11, $0xD13, v0  }
0x109: {  	v47 =	vsel vm7, $0xDA1, v47;
	v48 =	vsel vm8, $0xDA0, v48;
	v0 =	vsel vm10, $0xD16, v0  }
0x10a: {  	v47 =	vsel vm6, $0xE01, v47;
	v48 =	vsel vm7, $0xDA2, v48;
	v0 =	vsel vm9, $0xD18, v0  }
0x10b: {  	v47 =	vsel vm5, $0xE03, v47;
	v48 =	vsel vm6, $0xE02, v48;
	v0 =	vsel vm8, $0xD1B, v0  }
0x10c: {  	v47 =	vsel vm4, $0xE06, v47;
	v48 =	vsel vm5, $0xE04, v48;
	v0 =	vsel vm7, $0xD1D, v0  }
0x10d: {  	v47 =	vsel vm3, $0xE08, v47;
	v48 =	vsel vm4, $0xE07, v48;
	v0 =	vsel vm6, $0xD20, v0  }
0x10e: {  	v47 =	vsel vm1, $0xE0B, v47;
	v48 =	vsel vm3, $0xE09, v48;
	v0 =	vsel vm5, $0xD22, v0  }
0x10f: {  	v49 =	vsel vm15, $0xE0D, v47;
	v48 =	vsel vm1, $0xE0C, v48;
	v0 =	vsel vm4, $0xD82, v0  }
0x110: {  	v50 =	vsel vm15, $0xE0E, v48;
	v48 =	vsel vm0, $0xE10, v49;
	v0 =	vsel vm3, $0xD84, v0  }
0x111: {  	v49 =	vsel vm0, $0xE11, v50;
	v50 =	vsel vm14, $0xE16, v61;
	v0 =	vsel vm1, $0xD87, v0  }
0x112: {  	v51 =	vsel vm12, $0xE9F, v51;
	v50 =	vsel vm13, $0xE18, v50;
	v0 =	vsel vm15, $0xD89, v0  }
0x113: {  	v50 =	vsel vm12, $0xE1B, v50;
	v47 =	vsel vm0, $0xD8C, v0;
	v0 =	vsel vm14, $0xE15, v60  }
0x114: {  	v51 =	vsel vm11, $0xEA1, v51;
	v50 =	vsel vm11, $0xE1D, v50;
	v0 =	vsel vm13, $0xE17, v0  }
0x115: {  	v51 =	vsel vm10, $0xF01, v51;
	v50 =	vsel vm10, $0xE20, v50;
	v0 =	vsel vm12, $0xE1A, v0  }
0x116: {  	v51 =	vsel vm9, $0xF03, v51;
	v50 =	vsel vm9, $0xE22, v50;
	v0 =	vsel vm11, $0xE1C, v0  }
0x117: {  	v51 =	vsel vm8, $0xF06, v51;
	v50 =	vsel vm8, $0xE82, v50;
	v0 =	vsel vm10, $0xE1F, v0  }
0x118: {  	v51 =	vsel vm7, $0xF08, v51;
	v50 =	vsel vm7, $0xE84, v50;
	v0 =	vsel vm9, $0xE21, v0  }
0x119: {  	v51 =	vsel vm6, $0xF0B, v51;
	v50 =	vsel vm6, $0xE87, v50;
	v0 =	vsel vm8, $0xE81, v0  }
0x11a: {  	v51 =	vsel vm5, $0xF0D, v51;
	v50 =	vsel vm5, $0xE89, v50;
	v0 =	vsel vm7, $0xE83, v0  }
0x11b: {  	v51 =	vsel vm4, $0xF10, v51;
	v50 =	vsel vm4, $0xE8C, v50;
	v0 =	vsel vm6, $0xE86, v0  }
0x11c: {  	v51 =	vsel vm3, $0xF12, v51;
	v50 =	vsel vm3, $0xE8E, v50;
	v0 =	vsel vm5, $0xE88, v0  }
0x11d: {  	v51 =	vsel vm1, $0xF15, v51;
	v50 =	vsel vm1, $0xE91, v50;
	v0 =	vsel vm4, $0xE8B, v0  }
0x11e: {  	v53 =	vsel vm15, $0xF17, v51;
	v52 =	vsel vm15, $0xE93, v50;
	v0 =	vsel vm3, $0xE8D, v0  }
0x11f: {  	v51 =	vsel vm0, $0xE96, v52;
	v52 =	vsel vm0, $0xF1A, v53;
	v0 =	vsel vm1, $0xE90, v0  }
0x120: {  	v53 =	vsel vm14, $0xF1F, v63;
	v54 =	vimm.s32 $0xFA2;
	v0 =	vsel vm15, $0xE92, v0  }
0x121: {  	s4 =	rddreg [dreg:$0x0];
	v54 =	vsel vm14, $0xF20, v54;
	v50 =	vsel vm0, $0xE95, v0;
	v0 =	vsel vm14, $0xE9B, v62  }
0x122: {  	s6 =	rddreg [dreg:$0x1];
	v53 =	vsel vm13, $0xF21, v53;
	v54 =	vsel vm13, $0xF22, v54;
	v0 =	vsel vm13, $0xE9D, v0  }
0x123: {  	s1 =	rddreg [dreg:$0x2];
	v53 =	vsel vm12, $0xF81, v53;
	v54 =	vsel vm12, $0xF82, v54;
	v0 =	vsel vm12, $0xEA0, v0  }
0x124: {  	s0 =	rddreg [dreg:$0x3];
	s3 =	srdreg.scid;
	s2 =	simm.s32 $0x0;
	v53 =	vsel vm11, $0xF83, v53;
	v54 =	vsel vm11, $0xF84, v54;
	v0 =	vsel vm11, $0xEA2, v0  }
0x125: {  	s5 =	stileid.u32;
	s10 =	simm.s32 $0x70;
	s11 =	simm.s32 $0x10188;
	v53 =	vsel vm10, $0xF86, v53;
	v54 =	vsel vm10, $0xF87, v54;
	v0 =	vsel vm10, $0xF02, v0  }
0x126: {  	s12 =	simm.s32 $0x11D88;
	s13 =	simm.s32 $0x101F8;
	s14 =	simm.s32 $0x15588;
	v53 =	vsel vm9, $0xF88, v53;
	v54 =	vsel vm9, $0xF89, v54;
	v0 =	vsel vm9, $0xF04, v0  }
0x127: {  	s15 =	simm.s32 $0x1;
	s16 =	simm.s32 $0x80;
	s17 =	simm.s32 $0x400;
	v53 =	vsel vm8, $0xF8B, v53;
	v54 =	vsel vm8, $0xF8C, v54;
	v0 =	vsel vm8, $0xF07, v0  }
0x128: {  	s18 =	simm.s32 $0x2;
	s19 =	simm.s32 $0x0;
	s7 =	sand.u32 $0x1, s3;
	v53 =	vsel vm7, $0xF8D, v53;
	v54 =	vsel vm7, $0xF8E, v54;
	v0 =	vsel vm7, $0xF09, v0  }
0x129: {  	[smem:$0x7FF] =	sst s2;
	s8 =	sshll.u32 s5, $0xA;
	s3 =	sadd.s32 $0x40400, s4;
	v53 =	vsel vm6, $0xF90, v53;
	v54 =	vsel vm6, $0xF91, v54;
	v0 =	vsel vm6, $0xF0C, v0  }
0x12a: {  	p0 =	sne.s32 s5, $0x0;
	s9 =	sshll.u32 s7, $0x9;
	s7 =	ssub.s32 $0x2, s7;
	v53 =	vsel vm5, $0xF92, v53;
	v54 =	vsel vm5, $0xF93, v54;
	v0 =	vsel vm5, $0xF0E, v0  }
.Ltmp0:
0x12b: {  	s8 =	sor.u32 s9, s8;
	s31 =	sshrl.u32 s7, $0x1;
	v53 =	vsel vm4, $0xF95, v53;
	v54 =	vsel vm4, $0xF96, v54;
	v0 =	vsel vm4, $0xF11, v0;
	(pc) =	sbr.rel .LBB2_1-.Ltmp0, $4  }
0x12c: {  	s9 =	sshll.u32 s8, $0x4;
	s8 =	sshrl.u32 s8, $0x3;
	s7 =	ssub.s32 s7, s31;
	v53 =	vsel vm3, $0xF97, v53;
	v54 =	vsel vm3, $0xF98, v54;
	v0 =	vsel vm3, $0xF13, v0  }
0x12d: {  	s4 =	sadd.s32 s9, s4;
	s8 =	smul.u32 $0x700, s8;
	s5 =	smax.u32 s7, $0x1;
	v53 =	vsel vm1, $0xF9A, v53;
	v54 =	vsel vm1, $0xF9B, v54;
	v0 =	vsel vm1, $0xF16, v0  }
0x12e: {  	s7 =	sshrl.u32 @!p0 s1, $0x3;
	s9 =	simm.s32 $0x3;
	s4 =	sadd.s32 $0x400, s4;
	v55 =	vsel vm15, $0xF9C, v53;
	v56 =	vsel vm15, $0xF9D, v54;
	v0 =	vsel vm15, $0xF18, v0  }
0x12f: {  	s6 =	sadd.s32 s8, s6;
	s8 =	simm.s32 $0x188;
	_ =	strace $0x80000047;
	v54 =	vsel vm0, $0xF9F, v55;
	v55 =	vsel vm0, $0xFA0, v56;
	v53 =	vsel vm0, $0xF1B, v0  }
.LBB2_5:
0x130: {  	s19 =	sadd.s32 $0x1, s19  }
0x131: {  	p1 =	sne.s32 s19, s5  }
.Ltmp1:
0x132: {  	_ = 	snop;
	(pc) =	sbr.rel @!p1 .LBB2_6-.Ltmp1, $4  }
0x133: {  	_ = 	snop  }
0x134: {  	_ =	swait.ge [sflag:s18], $0x7000  }
0x135: {  	[sflag:s18] =	ssyncset.done $0x0  }
0x136: {  	[sflag:s18] =	ssyncadd.s32 $0xFFFF9000  }
.LBB2_1:
0x137: {  	s20 =	simm.s32 @!p0 $0x1C03  }
0x138: {  	[spmem:s7], [sflag:s20] =	dma.local @!p0 [hbm:s3], $0x310  }
0x139: {  	s20 =	simm.s32 @!p0 $0x3  }
0x13a: {  	_ =	swait.ge @!p0 [sflag:s20], $0x310  }
0x13b: {  	[sflag:s20] =	ssyncset.done @!p0 $0x0  }
0x13c: {  	[sflag:s20] =	ssyncadd.s32 @!p0 $0xFFFFFCF0  }
0x13d: {  	[tilespmem:s8], [sflag:$0x3] =	stream.linear.gather [hbm4b:s4+s2], $0x10000, $0x38;
	[tilespmem:$0x1FD88] =	vst v63  }
0x13e: {  	_ =	swait.ge [sflag:s9], $0x10000  }
0x13f: {  	v0 =	vld [tilespmem:$0x1FE90];
	_ =	sdelay $0x1  }
0x140: {  	v1 =	vld [tilespmem:$0x1FEA0];
	_ =	sdelay $0x3  }
0x141: {  	[sflag:s9] =	ssyncset.done $0x0  }
0x142: {  	[sflag:s9] =	ssyncadd.s32 $0xFFFF0000  }
0x143: {  	v0 =	vld.idx.msk [tilespmem:v0+s8+$0x0], $0xffff  }
0x144: {  	v17 =	vld [tilespmem:$0x1FEB0]  }
0x145: {  	v56 =	vld.idx.msk [tilespmem:v1+s8+$0x0], $0xffff  }
0x146: {  	v18 =	vld [tilespmem:$0x1FEC0];
	_ =	sdelay $0x1  }
0x147: {  	v0 =	vmul.u32 $0x7, v0;
	_ =	sdelay $0x1  }
0x148: {  	v0 =	vadd.s32 v56, v0  }
0x149: {  	[tilespmem:$0x10188] =	vst v0  }
0x14a: {  	v0 =	vld.idx.msk [tilespmem:v17+s8+$0x0], $0xffff  }
0x14b: {  	v59 =	vld [tilespmem:$0x1FED0]  }
0x14c: {  	v19 =	vld.idx.msk [tilespmem:v18+s8+$0x0], $0xffff  }
0x14d: {  	v60 =	vld [tilespmem:$0x1FEE0];
	_ =	sdelay $0x1  }
0x14e: {  	v0 =	vmul.u32 $0x7, v0;
	_ =	sdelay $0x1  }
0x14f: {  	v0 =	vadd.s32 v19, v0  }
0x150: {  	[tilespmem:$0x10198] =	vst v0  }
0x151: {  	v0 =	vld.idx.msk [tilespmem:v59+s8+$0x0], $0xffff  }
0x152: {  	v62 =	vld [tilespmem:$0x1FEF0]  }
0x153: {  	v61 =	vld.idx.msk [tilespmem:v60+s8+$0x0], $0xffff  }
0x154: {  	v63 =	vld [tilespmem:$0x1FF00];
	_ =	sdelay $0x1  }
0x155: {  	v0 =	vmul.u32 $0x7, v0;
	_ =	sdelay $0x1  }
0x156: {  	v0 =	vadd.s32 v61, v0  }
0x157: {  	[tilespmem:$0x101A8] =	vst v0  }
0x158: {  	v0 =	vld.idx.msk [tilespmem:v62+s8+$0x0], $0xffff  }
0x159: {  	v5 =	vld [tilespmem:$0x1FF10]  }
0x15a: {  	v4 =	vld.idx.msk [tilespmem:v63+s8+$0x0], $0xffff  }
0x15b: {  	v6 =	vld [tilespmem:$0x1FF20];
	_ =	sdelay $0x1  }
0x15c: {  	v0 =	vmul.u32 $0x7, v0;
	_ =	sdelay $0x1  }
0x15d: {  	v0 =	vadd.s32 v4, v0  }
0x15e: {  	[tilespmem:$0x101B8] =	vst v0  }
0x15f: {  	v0 =	vld.idx.msk [tilespmem:v5+s8+$0x0], $0xffff  }
0x160: {  	v8 =	vld [tilespmem:$0x1FF30]  }
0x161: {  	v7 =	vld.idx.msk [tilespmem:v6+s8+$0x0], $0xffff  }
0x162: {  	v9 =	vld [tilespmem:$0x1FF40];
	_ =	sdelay $0x1  }
0x163: {  	v0 =	vmul.u32 $0x7, v0;
	_ =	sdelay $0x1  }
0x164: {  	v0 =	vadd.s32 v7, v0  }
0x165: {  	[tilespmem:$0x101C8] =	vst v0  }
0x166: {  	v0 =	vld.idx.msk [tilespmem:v8+s8+$0x0], $0xffff  }
0x167: {  	v11 =	vld [tilespmem:$0x1FF50]  }
0x168: {  	v10 =	vld.idx.msk [tilespmem:v9+s8+$0x0], $0xffff  }
0x169: {  	v12 =	vld [tilespmem:$0x1FF60];
	_ =	sdelay $0x1  }
0x16a: {  	v0 =	vmul.u32 $0x7, v0;
	_ =	sdelay $0x1  }
0x16b: {  	v0 =	vadd.s32 v10, v0  }
0x16c: {  	[tilespmem:$0x101D8] =	vst v0  }
0x16d: {  	v0 =	vld.idx.msk [tilespmem:v11+s8+$0x0], $0xffff  }
0x16e: {  	v14 =	vld [tilespmem:$0x1FF70]  }
0x16f: {  	v13 =	vld.idx.msk [tilespmem:v12+s8+$0x0], $0xffff  }
0x170: {  	v15 =	vld [tilespmem:$0x1FF80];
	_ =	sdelay $0x1  }
0x171: {  	v0 =	vmul.u32 $0x7, v0;
	_ =	sdelay $0x1  }
0x172: {  	v0 =	vadd.s32 v13, v0  }
0x173: {  	[tilespmem:$0x101E8] =	vst v0  }
0x174: {  	v0 =	vld.idx.msk [tilespmem:v14+s8+$0x0], $0xffff  }
0x175: {  	v17 =	vld [tilespmem:$0x1FF90]  }
0x176: {  	v16 =	vld.idx.msk [tilespmem:v15+s8+$0x0], $0xffff  }
0x177: {  	v18 =	vld [tilespmem:$0x1FFA0];
	_ =	sdelay $0x1  }
0x178: {  	v0 =	vmul.u32 $0x7, v0;
	_ =	sdelay $0x1  }
0x179: {  	v0 =	vadd.s32 v16, v0  }
0x17a: {  	[tilespmem:$0x101F8] =	vst v0  }
0x17b: {  	v0 =	vld.idx.msk [tilespmem:v17+s8+$0x0], $0xffff  }
0x17c: {  	v60 =	vld [tilespmem:$0x1FFB0]  }
0x17d: {  	v19 =	vld.idx.msk [tilespmem:v18+s8+$0x0], $0xffff  }
0x17e: {  	v61 =	vld [tilespmem:$0x1FFC0];
	_ =	sdelay $0x1  }
0x17f: {  	v0 =	vmul.u32 $0x7, v0;
	_ =	sdelay $0x1  }
0x180: {  	v0 =	vadd.s32 v19, v0  }
0x181: {  	[tilespmem:$0x10208] =	vst v0  }
0x182: {  	v0 =	vld.idx.msk [tilespmem:v60+s8+$0x0], $0xffff  }
0x183: {  	v63 =	vld [tilespmem:$0x1FFD0]  }
0x184: {  	v62 =	vld.idx.msk [tilespmem:v61+s8+$0x0], $0xffff  }
0x185: {  	v4 =	vld [tilespmem:$0x1FFE0];
	_ =	sdelay $0x1  }
0x186: {  	v0 =	vmul.u32 $0x7, v0;
	_ =	sdelay $0x1  }
0x187: {  	v0 =	vadd.s32 v62, v0  }
0x188: {  	[tilespmem:$0x10218] =	vst v0  }
0x189: {  	v0 =	vld.idx.msk [tilespmem:v63+s8+$0x0], $0xffff  }
0x18a: {  	v6 =	vld [tilespmem:$0x1FFF0]  }
0x18b: {  	v5 =	vld.idx.msk [tilespmem:v4+s8+$0x0], $0xffff;
	_ =	sdelay $0x2  }
0x18c: {  	v0 =	vmul.u32 $0x7, v0;
	_ =	sdelay $0x1  }
0x18d: {  	v0 =	vadd.s32 v5, v0  }
0x18e: {  	[tilespmem:$0x10228] =	vst v0  }
0x18f: {  	v0 =	vld.idx.msk [tilespmem:v6+s8+$0x0], $0xffff;
	_ =	sdelay $0x1  }
0x190: {  	v7 =	vld.idx.msk [tilespmem:v23+s8+$0x0], $0xffff;
	_ =	sdelay $0x2  }
0x191: {  	v0 =	vmul.u32 $0x7, v0;
	_ =	sdelay $0x1  }
0x192: {  	v0 =	vadd.s32 v7, v0  }
0x193: {  	[tilespmem:$0x10238] =	vst v0  }
0x194: {  	v0 =	vld.idx.msk [tilespmem:v24+s8+$0x0], $0xffff;
	_ =	sdelay $0x1  }
0x195: {  	v8 =	vld.idx.msk [tilespmem:v25+s8+$0x0], $0xffff;
	_ =	sdelay $0x2  }
0x196: {  	v0 =	vmul.u32 $0x7, v0;
	_ =	sdelay $0x1  }
0x197: {  	v0 =	vadd.s32 v8, v0  }
0x198: {  	[tilespmem:$0x10248] =	vst v0  }
0x199: {  	v0 =	vld.idx.msk [tilespmem:v26+s8+$0x0], $0xffff;
	_ =	sdelay $0x1  }
0x19a: {  	v9 =	vld.idx.msk [tilespmem:v27+s8+$0x0], $0xffff;
	_ =	sdelay $0x2  }
0x19b: {  	v0 =	vmul.u32 $0x7, v0;
	_ =	sdelay $0x1  }
0x19c: {  	v0 =	vadd.s32 v9, v0  }
0x19d: {  	[tilespmem:$0x10258] =	vst v0  }
0x19e: {  	v0 =	vld.idx.msk [tilespmem:v28+s8+$0x0], $0xffff;
	_ =	sdelay $0x1  }
0x19f: {  	v10 =	vld.idx.msk [tilespmem:v29+s8+$0x0], $0xffff;
	_ =	sdelay $0x2  }
0x1a0: {  	v0 =	vmul.u32 $0x7, v0;
	_ =	sdelay $0x1  }
0x1a1: {  	v0 =	vadd.s32 v10, v0  }
0x1a2: {  	[tilespmem:$0x10268] =	vst v0  }
0x1a3: {  	v0 =	vld.idx.msk [tilespmem:v30+s8+$0x0], $0xffff;
	_ =	sdelay $0x1  }
0x1a4: {  	v11 =	vld.idx.msk [tilespmem:v31+s8+$0x0], $0xffff;
	_ =	sdelay $0x2  }
0x1a5: {  	v0 =	vmul.u32 $0x7, v0;
	_ =	sdelay $0x1  }
0x1a6: {  	v0 =	vadd.s32 v11, v0  }
0x1a7: {  	[tilespmem:$0x10278] =	vst v0  }
0x1a8: {  	v0 =	vld.idx.msk [tilespmem:v32+s8+$0x0], $0xffff;
	_ =	sdelay $0x1  }
0x1a9: {  	v12 =	vld.idx.msk [tilespmem:v33+s8+$0x0], $0xffff;
	_ =	sdelay $0x2  }
0x1aa: {  	v0 =	vmul.u32 $0x7, v0;
	_ =	sdelay $0x1  }
0x1ab: {  	v0 =	vadd.s32 v12, v0  }
0x1ac: {  	[tilespmem:$0x10288] =	vst v0  }
0x1ad: {  	v0 =	vld.idx.msk [tilespmem:v34+s8+$0x0], $0xffff;
	_ =	sdelay $0x1  }
0x1ae: {  	v13 =	vld.idx.msk [tilespmem:v35+s8+$0x0], $0xffff;
	_ =	sdelay $0x2  }
0x1af: {  	v0 =	vmul.u32 $0x7, v0;
	_ =	sdelay $0x1  }
0x1b0: {  	v0 =	vadd.s32 v13, v0  }
0x1b1: {  	[tilespmem:$0x10298] =	vst v0  }
0x1b2: {  	v0 =	vld.idx.msk [tilespmem:v36+s8+$0x0], $0xffff;
	_ =	sdelay $0x1  }
0x1b3: {  	v14 =	vld.idx.msk [tilespmem:v37+s8+$0x0], $0xffff;
	_ =	sdelay $0x2  }
0x1b4: {  	v0 =	vmul.u32 $0x7, v0;
	_ =	sdelay $0x1  }
0x1b5: {  	v0 =	vadd.s32 v14, v0  }
0x1b6: {  	[tilespmem:$0x102A8] =	vst v0  }
0x1b7: {  	v0 =	vld.idx.msk [tilespmem:v38+s8+$0x0], $0xffff;
	_ =	sdelay $0x1  }
0x1b8: {  	v15 =	vld.idx.msk [tilespmem:v39+s8+$0x0], $0xffff;
	_ =	sdelay $0x2  }
0x1b9: {  	v0 =	vmul.u32 $0x7, v0;
	_ =	sdelay $0x1  }
0x1ba: {  	v0 =	vadd.s32 v15, v0  }
0x1bb: {  	[tilespmem:$0x102B8] =	vst v0  }
0x1bc: {  	v0 =	vld.idx.msk [tilespmem:v40+s8+$0x0], $0xffff;
	_ =	sdelay $0x1  }
0x1bd: {  	v16 =	vld.idx.msk [tilespmem:v41+s8+$0x0], $0xffff;
	_ =	sdelay $0x2  }
0x1be: {  	v0 =	vmul.u32 $0x7, v0;
	_ =	sdelay $0x1  }
0x1bf: {  	v0 =	vadd.s32 v16, v0  }
0x1c0: {  	[tilespmem:$0x102C8] =	vst v0  }
0x1c1: {  	v0 =	vld.idx.msk [tilespmem:v42+s8+$0x0], $0xffff;
	_ =	sdelay $0x1  }
0x1c2: {  	v17 =	vld.idx.msk [tilespmem:v43+s8+$0x0], $0xffff;
	_ =	sdelay $0x2  }
0x1c3: {  	v0 =	vmul.u32 $0x7, v0;
	_ =	sdelay $0x1  }
0x1c4: {  	v0 =	vadd.s32 v17, v0  }
0x1c5: {  	[tilespmem:$0x102D8] =	vst v0  }
0x1c6: {  	v0 =	vld.idx.msk [tilespmem:v44+s8+$0x0], $0xffff;
	_ =	sdelay $0x1  }
0x1c7: {  	v18 =	vld.idx.msk [tilespmem:v45+s8+$0x0], $0xffff;
	_ =	sdelay $0x2  }
0x1c8: {  	v0 =	vmul.u32 $0x7, v0;
	_ =	sdelay $0x1  }
0x1c9: {  	v0 =	vadd.s32 v18, v0  }
0x1ca: {  	[tilespmem:$0x102E8] =	vst v0  }
0x1cb: {  	v0 =	vld.idx.msk [tilespmem:v46+s8+$0x0], $0xffff;
	_ =	sdelay $0x1  }
0x1cc: {  	v19 =	vld.idx.msk [tilespmem:v47+s8+$0x0], $0xffff;
	_ =	sdelay $0x2  }
0x1cd: {  	v0 =	vmul.u32 $0x7, v0;
	_ =	sdelay $0x1  }
0x1ce: {  	v0 =	vadd.s32 v19, v0  }
0x1cf: {  	[tilespmem:$0x102F8] =	vst v0  }
0x1d0: {  	v0 =	vld.idx.msk [tilespmem:v48+s8+$0x0], $0xffff;
	_ =	sdelay $0x1  }
0x1d1: {  	v60 =	vld.idx.msk [tilespmem:v49+s8+$0x0], $0xffff;
	_ =	sdelay $0x2  }
0x1d2: {  	v0 =	vmul.u32 $0x7, v0;
	_ =	sdelay $0x1  }
0x1d3: {  	v0 =	vadd.s32 v60, v0  }
0x1d4: {  	[tilespmem:$0x10308] =	vst v0  }
0x1d5: {  	v0 =	vld.idx.msk [tilespmem:v50+s8+$0x0], $0xffff;
	_ =	sdelay $0x1  }
0x1d6: {  	v61 =	vld.idx.msk [tilespmem:v51+s8+$0x0], $0xffff;
	_ =	sdelay $0x2  }
0x1d7: {  	v0 =	vmul.u32 $0x7, v0;
	_ =	sdelay $0x1  }
0x1d8: {  	v0 =	vadd.s32 v61, v0  }
0x1d9: {  	[tilespmem:$0x10318] =	vst v0  }
0x1da: {  	v0 =	vld.idx.msk [tilespmem:v52+s8+$0x0], $0xffff;
	_ =	sdelay $0x1  }
0x1db: {  	v62 =	vld.idx.msk [tilespmem:v53+s8+$0x0], $0xffff;
	_ =	sdelay $0x2  }
0x1dc: {  	v0 =	vmul.u32 $0x7, v0;
	_ =	sdelay $0x1  }
0x1dd: {  	v0 =	vadd.s32 v62, v0  }
0x1de: {  	[tilespmem:$0x10328] =	vst v0  }
0x1df: {  	v0 =	vld.idx.msk [tilespmem:v54+s8+$0x0], $0xffff;
	_ =	sdelay $0x1  }
0x1e0: {  	v63 =	vld.idx.msk [tilespmem:v55+s8+$0x0], $0xffff;
	_ =	sdelay $0x2  }
0x1e1: {  	v0 =	vmul.u32 $0x7, v0;
	_ =	sdelay $0x1  }
0x1e2: {  	v0 =	vadd.s32 v63, v0  }
.Ltmp2:
0x1e3: {  	[tilespmem:$0x10338] =	vst v0;
	(pc) =	sbr.rel .LBB2_2-.Ltmp2, $4  }
0x1e4: {  	s21 =	smov.u32 s6;
	[bflag:$0x0] =	sbarrier.arrive $0xFFFF  }
0x1e5: {  	[tilespmem:s12], [sflag:$0x1] =	stream.indirect.gather [spmem:s1], $0x80, s11, s10, $0xb8;
	[tilespmem:$0x1FD88] =	vst v63  }
0x1e6: {  	s22 =	simm.s32 $0x1;
	s23 =	simm.s32 $0x0;
	s20 =	simm.s32 $0x28  }
0x1e7: {  	[tilespmem:s14], [sflag:$0x1] =	stream.indirect.gather [spmem:s1], $0x80, s13, s10, $0xb8;
	[tilespmem:$0x1FD88] =	vst v63  }
.LBB2_4:
0x1e8: {  	_ =	swait.ge [sflag:s15], $0x3800  }
0x1e9: {  	[sflag:s15] =	ssyncset.done $0x0  }
0x1ea: {  	s24 =	sand.u32 $0x1, s24;
	[sflag:s15] =	ssyncadd.s32 $0xFFFFC800  }
0x1eb: {  	p1 =	seq.s32 s24, $0x1;
	s24 =	simm.s32 $0x7000;
	_ =	swait.ge [sflag:s15], $0x3800  }
0x1ec: {  	s24 =	simm.s32 @!p1 $0x0;
	[sflag:s15] =	ssyncset.done $0x0  }
0x1ed: {  	s25 =	sadd.s32 $0x11D88, s24;
	[sflag:s15] =	ssyncadd.s32 $0xFFFFC800  }
0x1ee: {  	[hbm4b:s21+s16] =	stream.strided.scatter [tilespmem:s25], [sflag:$0x2], $0x700, s17, s16, $0x38;
	[tilespmem:$0x1FD88] =	vst v63  }
0x1ef: {  	s26 =	sadd.s32 $0x10, s21;
	s29 =	sadd.s32 $0x12488, s24  }
0x1f0: {  	[hbm4b:s26+s16] =	stream.strided.scatter [tilespmem:s29], [sflag:$0x2], $0x700, s17, s16, $0x38;
	[tilespmem:$0x1FD88] =	vst v63  }
0x1f1: {  	s31 =	sadd.s32 $0x20, s21;
	s30 =	sadd.s32 $0x12B88, s24  }
0x1f2: {  	[hbm4b:s31+s16] =	stream.strided.scatter [tilespmem:s30], [sflag:$0x2], $0x700, s17, s16, $0x38;
	[tilespmem:$0x1FD88] =	vst v63  }
0x1f3: {  	s28 =	sadd.s32 $0x13288, s24;
	s29 =	sadd.s32 $0x30, s21  }
0x1f4: {  	[hbm4b:s29+s16] =	stream.strided.scatter [tilespmem:s28], [sflag:$0x2], $0x700, s17, s16, $0x38;
	[tilespmem:$0x1FD88] =	vst v63  }
0x1f5: {  	s30 =	sadd.s32 $0x13988, s24;
	s31 =	sadd.s32 $0x40, s21  }
0x1f6: {  	[hbm4b:s31+s16] =	stream.strided.scatter [tilespmem:s30], [sflag:$0x2], $0x700, s17, s16, $0x38;
	[tilespmem:$0x1FD88] =	vst v63  }
0x1f7: {  	s28 =	sadd.s32 $0x14088, s24;
	s29 =	sadd.s32 $0x50, s21  }
0x1f8: {  	[hbm4b:s29+s16] =	stream.strided.scatter [tilespmem:s28], [sflag:$0x2], $0x700, s17, s16, $0x38;
	[tilespmem:$0x1FD88] =	vst v63  }
0x1f9: {  	s30 =	sadd.s32 $0x14788, s24;
	s31 =	sadd.s32 $0x60, s21  }
0x1fa: {  	[hbm4b:s31+s16] =	stream.strided.scatter [tilespmem:s30], [sflag:$0x2], $0x700, s17, s16, $0x38;
	[tilespmem:$0x1FD88] =	vst v63  }
0x1fb: {  	s28 =	sadd.s32 $0x14E88, s24;
	s29 =	sadd.s32 $0x70, s21  }
0x1fc: {  	[hbm4b:s29+s16] =	stream.strided.scatter [tilespmem:s28], [sflag:$0x2], $0x700, s17, s16, $0x38;
	[tilespmem:$0x1FD88] =	vst v63  }
0x1fd: {  	s30 =	sadd.s32 $0x15588, s24;
	s31 =	sadd.s32 $0x700, s21  }
0x1fe: {  	[hbm4b:s31+s16] =	stream.strided.scatter [tilespmem:s30], [sflag:$0x2], $0x700, s17, s16, $0x38;
	[tilespmem:$0x1FD88] =	vst v63  }
0x1ff: {  	s28 =	sadd.s32 $0x15C88, s24;
	s29 =	sadd.s32 $0x710, s21  }
0x200: {  	[hbm4b:s29+s16] =	stream.strided.scatter [tilespmem:s28], [sflag:$0x2], $0x700, s17, s16, $0x38;
	[tilespmem:$0x1FD88] =	vst v63  }
0x201: {  	s30 =	sadd.s32 $0x16388, s24;
	s31 =	sadd.s32 $0x720, s21  }
0x202: {  	[hbm4b:s31+s16] =	stream.strided.scatter [tilespmem:s30], [sflag:$0x2], $0x700, s17, s16, $0x38;
	[tilespmem:$0x1FD88] =	vst v63  }
0x203: {  	s28 =	sadd.s32 $0x16A88, s24;
	s29 =	sadd.s32 $0x730, s21  }
0x204: {  	[hbm4b:s29+s16] =	stream.strided.scatter [tilespmem:s28], [sflag:$0x2], $0x700, s17, s16, $0x38;
	[tilespmem:$0x1FD88] =	vst v63  }
0x205: {  	s23 =	sadd.s32 $0x380, s23;
	s30 =	sadd.s32 $0x17188, s24;
	s31 =	sadd.s32 $0x740, s21  }
0x206: {  	[hbm4b:s31+s16] =	stream.strided.scatter [tilespmem:s30], [sflag:$0x2], $0x700, s17, s16, $0x38;
	[tilespmem:$0x1FD88] =	vst v63  }
0x207: {  	p1 =	sne.s32 s23, $0x7000;
	s26 =	sadd.s32 $0x17888, s24;
	s28 =	sadd.s32 $0x750, s21  }
0x208: {  	[hbm4b:s28+s16] =	stream.strided.scatter [tilespmem:s26], [sflag:$0x2], $0x700, s17, s16, $0x38;
	[tilespmem:$0x1FD88] =	vst v63  }
.Ltmp3:
0x209: {  	s22 =	sadd.s32 $0x1, s22;
	(pc) =	sbr.rel @!p1 .LBB2_5-.Ltmp3, $4  }
0x20a: {  	s20 =	sadd.s32 $0x10, s20;
	s29 =	sadd.s32 $0x17F88, s24;
	s30 =	sadd.s32 $0x760, s21  }
0x20b: {  	[hbm4b:s30+s16] =	stream.strided.scatter [tilespmem:s29], [sflag:$0x2], $0x700, s17, s16, $0x38;
	[tilespmem:$0x1FD88] =	vst v63  }
0x20c: {  	s24 =	sor.u32 $0x18688, s24;
	s31 =	sadd.s32 $0x770, s21;
	s21 =	sadd.s32 $0xE00, s21  }
0x20d: {  	[hbm4b:s31+s16] =	stream.strided.scatter [tilespmem:s24], [sflag:$0x2], $0x700, s17, s16, $0x38;
	[tilespmem:$0x1FD88] =	vst v63  }
.LBB2_2:
0x20e: {  	s24 =	sadd.s32 $0xFFFFFFFF, s22  }
0x20f: {  	p1 =	sgt.u32 s24, $0x1D  }
0x210: {  	v0 =	vimm.s32 @!p1 $0xDB8631  }
0x211: {  	v56 =	vimm.s32 @!p1 $0x80;
	vm0 =	vcmask @!p1 $0x3700;
	vm3 =	vcmask @!p1 $0x1700  }
0x212: {  	v58 =	vimm.s32 @!p1 $0xEC9742;
	vm1 =	vcmask @!p1 $0x2718;
	v61 =	vimm.s32 @!p1 $0x13111816  }
0x213: {  	s25 =	sadd.s32 @!p1 $0xFFFFFFF8, s20;
	vm2 =	vcmask @!p1 $0x3B38;
	v3 =	vimm.s32 @!p1 $0x211F1C1A;
	v0 =	vunpack.c.l.s4.s8 @!p1 v0  }
0x214: {  	v4 =	vimm.s32 @!p1 $0xD0B0806;
	v5 =	vimm.s32 @!p1 $0x17151210;
	v6 =	vimm.s32 @!p1 $0x9070402  }
0x215: {  	v7 =	vimm.s32 @!p1 $0x22201D1B;
	v57 =	vmov @!p1 s25;
	v0 =	vunpack.c.0.s8.s32 @!p1 v0  }
0x216: {  	v56 =	vsel @!p1 vm0, $0x0, v56;
	v58 =	vunpack.c.l.s4.s8 @!p1 v58;
	v61 =	vunpack.c.0.s8.s32 @!p1 v61  }
0x217: {  	vm0 =	vcmask @!p1 $0x3728;
	v1 =	vand.u32 @!p1 $0xF, v0;
	v0 =	vimm.s32 @!p1 $0x12101715  }
0x218: {  	v58 =	vunpack.c.0.s8.s32 @!p1 v58;
	v60 =	vunpack.c.0.s8.s32 @!p1 v0;
	v0 =	vimm.s32 @!p1 $0x1C1A211F  }
0x219: {  	v57 =	vshll.u32 @!p1 v57, $0x7;
	v59 =	vnsel @!p1 vm3, $0x3, v1;
	v0 =	vunpack.c.0.s8.s32 @!p1 v0  }
0x21a: {  	v2 =	vand.u32 @!p1 $0xF, v58;
	v58 =	vimm.s32 @!p1 $0x1D1B2220;
	v59 =	vsel @!p1 vm1, v60, v59  }
0x21b: {  	v62 =	vnsel @!p1 vm3, $0x4, v2;
	v63 =	vunpack.c.0.s8.s32 @!p1 v58;
	v0 =	vsel @!p1 vm0, v0, v59  }
0x21c: {  	v59 =	vsel @!p1 vm1, v61, v62;
	v62 =	vor.u32 @!p1 v56, v57;
	v58 =	vsel @!p1 vm2, $0x1, v0  }
0x21d: {  	v8 =	vimm.s32 @!p1 $0xE0C0907;
	v0 =	vsel @!p1 vm0, v63, v59;
	v63 =	vor.u32 @!p1 v58, v62  }
0x21e: {  	v9 =	vimm.s32 @!p1 $0x18161311;
	vm4 =	vcmask @!p1 $0x2F00;
	v59 =	vsel @!p1 vm2, $0x2, v0  }
0x21f: {  	v3 =	vunpack.c.0.s8.s32 @!p1 v3;
	v4 =	vunpack.c.0.s8.s32 @!p1 v4;
	v0 =	vor.u32 @!p1 v59, v62  }
0x220: {  	v5 =	vunpack.c.0.s8.s32 @!p1 v5;
	v6 =	vunpack.c.0.s8.s32 @!p1 v6;
	v62 =	vimm.s32 @!p1 $0x8060301  }
0x221: {  	s25 =	simm.s32 @!p1 $0x188;
	v7 =	vunpack.c.0.s8.s32 @!p1 v7;
	vm1 =	vcmask @!p1 $0x1F10;
	v62 =	vunpack.c.0.s8.s32 @!p1 v62  }
0x222: {  	v8 =	vunpack.c.0.s8.s32 @!p1 v8;
	v9 =	vunpack.c.0.s8.s32 @!p1 v9;
	v12 =	vsel @!p1 vm1, v5, v4;
	v10 =	vld.idx.msk @!p1 [tilespmem:v63+s25+$0x0], $0xffff  }
0x223: {  	v6 =	vsel @!p1 vm1, v6, v7;
	v11 =	vsel @!p1 vm1, v62, v3;
	v63 =	vimm.s32 @!p1 $0x100  }
0x224: {  	v13 =	vsel @!p1 vm1, v9, v8;
	v62 =	vsel @!p1 vm4, $0x80, v63;
	v14 =	vld.idx.msk @!p1 [tilespmem:v0+s25+$0x0], $0xffff;
	v0 =	vcombine.low @!p1 v12, v11  }
0x225: {  	v63 =	vcombine.low @!p1 v13, v6;
	v6 =	vor.u32 @!p1 v62, v57  }
0x226: {  	v15 =	vimm.s32 @!p1 $0x12100D0B;
	v11 =	vor.u32 @!p1 v0, v6  }
0x227: {  	v16 =	vimm.s32 @!p1 $0x1C1A1715;
	v17 =	vimm.s32 @!p1 $0x301211F;
	v10 =	vmul.u32 @!p1 $0x7, v10  }
0x228: {  	v19 =	vimm.s32 @!p1 $0x4022220;
	v17 =	vunpack.c.0.s8.s32 @!p1 v17;
	v6 =	vor.u32 @!p1 v63, v6  }
0x229: {  	s26 =	sshra.s32 @!p1 s23, $0x2;
	v15 =	vunpack.c.0.s8.s32 @!p1 v15;
	v16 =	vunpack.c.0.s8.s32 @!p1 v16;
	v10 =	vadd.s32 @!p1 v14, v10  }
0x22a: {  	v18 =	vimm.s32 @!p1 $0x180;
	v19 =	vunpack.c.0.s8.s32 @!p1 v19;
	v4 =	vsel @!p1 vm1, v4, v17;
	[tilespmem:s26+$0x10348] =	vst @!p1 v10  }
0x22b: {  	v14 =	vimm.s32 @!p1 $0x13110E0C;
	v10 =	vsel @!p1 vm1, v16, v15;
	v15 =	vimm.s32 @!p1 $0x1D1B1816;
	v11 =	vld.idx.msk @!p1 [tilespmem:v11+s25+$0x0], $0xffff  }
0x22c: {  	vm4 =	vcmask @!p1 $0x2700;
	v14 =	vunpack.c.0.s8.s32 @!p1 v14;
	v15 =	vunpack.c.0.s8.s32 @!p1 v15  }
0x22d: {  	v18 =	vsel @!p1 vm4, $0x100, v18;
	v6 =	vld.idx.msk @!p1 [tilespmem:v6+s25+$0x0], $0xffff;
	v10 =	vcombine.low @!p1 v10, v4  }
0x22e: {  	v8 =	vsel @!p1 vm1, v8, v19;
	v20 =	vor.u32 @!p1 v18, v57;
	v14 =	vsel @!p1 vm1, v15, v14  }
0x22f: {  	v21 =	vor.u32 @!p1 v10, v20;
	v14 =	vcombine.low @!p1 v14, v8  }
0x230: {  	v11 =	vmul.u32 @!p1 $0x7, v11  }
0x231: {  	v20 =	vor.u32 @!p1 v14, v20  }
0x232: {  	v22 =	vlaneseq.u32 @!p1;
	v6 =	vadd.s32 @!p1 v6, v11  }
0x233: {  	vm4 =	vcmask @!p1 $0xF00;
	v11 =	vshrl.u32 @!p1 v22, $0x3;
	[tilespmem:s26+$0x10358] =	vst @!p1 v6  }
0x234: {  	v6 =	vmul.u32 @!p1 $0x80, v11;
	v11 =	vld.idx.msk @!p1 [tilespmem:v21+s25+$0x0], $0xffff;
	v21 =	vnsel @!p1 vm4, $0x12, v5  }
0x235: {  	vm5 =	vcmask @!p1 $0x3720;
	v21 =	vsel @!p1 vm1, v3, v21  }
0x236: {  	v6 =	vadd.s32 @!p1 $0x180, v6;
	v20 =	vld.idx.msk @!p1 [tilespmem:v20+s25+$0x0], $0xffff;
	v1 =	vsel @!p1 vm5, v1, v21;
	v21 =	vnsel @!p1 vm4, $0x13, v9  }
0x237: {  	v22 =	vor.u32 @!p1 v6, v57;
	v1 =	vsel @!p1 vm2, $0x10, v1;
	v21 =	vsel @!p1 vm1, v7, v21  }
0x238: {  	v2 =	vsel @!p1 vm5, v2, v21;
	v21 =	vor.u32 @!p1 v1, v22  }
0x239: {  	v11 =	vmul.u32 @!p1 $0x7, v11;
	v2 =	vsel @!p1 vm2, $0x11, v2  }
0x23a: {  	v22 =	vor.u32 @!p1 v2, v22  }
0x23b: {  	v11 =	vadd.s32 @!p1 v20, v11  }
0x23c: {  	[tilespmem:s26+$0x10368] =	vst @!p1 v11  }
0x23d: {  	v11 =	vld.idx.msk @!p1 [tilespmem:v21+s25+$0x0], $0xffff  }
0x23e: {  	v16 =	vsel @!p1 vm1, v17, v16;
	v20 =	vimm.s32 @!p1 $0x280  }
0x23f: {  	v12 =	vcombine.low @!p1 v16, v12;
	v15 =	vsel @!p1 vm1, v19, v15;
	v17 =	vsel @!p1 vm3, $0x200, v20;
	v20 =	vld.idx.msk @!p1 [tilespmem:v22+s25+$0x0], $0xffff  }
0x240: {  	v13 =	vcombine.low @!p1 v15, v13;
	v15 =	vimm.s32 @!p1 $0x863100DB;
	v16 =	vor.u32 @!p1 v17, v57  }
0x241: {  	v15 =	vunpack.c.l.s4.s8 @!p1 v15;
	v19 =	vor.u32 @!p1 v12, v16  }
0x242: {  	v11 =	vmul.u32 @!p1 $0x7, v11  }
0x243: {  	v15 =	vunpack.c.0.s8.s32 @!p1 v15;
	v21 =	vimm.s32 @!p1 $0x974200EC;
	v16 =	vor.u32 @!p1 v13, v16  }
0x244: {  	v11 =	vadd.s32 @!p1 v20, v11;
	v20 =	vunpack.c.l.s4.s8 @!p1 v21  }
0x245: {  	v15 =	vand.u32 @!p1 $0xF, v15;
	vm3 =	vcmask @!p1 $0x2710;
	[tilespmem:s26+$0x10378] =	vst @!p1 v11  }
0x246: {  	v21 =	vimm.s32 @!p1 $0x300;
	v11 =	vnsel @!p1 vm4, $0x1C, v3;
	v19 =	vld.idx.msk @!p1 [tilespmem:v19+s25+$0x0], $0xffff;
	v20 =	vunpack.c.0.s8.s32 @!p1 v20  }
0x247: {  	v21 =	vsel @!p1 vm4, $0x280, v21;
	v11 =	vsel @!p1 vm3, v15, v11  }
0x248: {  	v15 =	vld.idx.msk @!p1 [tilespmem:v16+s25+$0x0], $0xffff;
	v16 =	vnsel @!p1 vm4, $0x1D, v7;
	v11 =	vsel @!p1 vm0, v60, v11;
	v20 =	vand.u32 @!p1 $0xF, v20  }
0x249: {  	v22 =	vor.u32 @!p1 v21, v57;
	v11 =	vsel @!p1 vm2, $0x1A, v11;
	v16 =	vsel @!p1 vm3, v20, v16  }
0x24a: {  	v20 =	vor.u32 @!p1 v11, v22;
	v16 =	vsel @!p1 vm0, v61, v16  }
0x24b: {  	v19 =	vmul.u32 @!p1 $0x7, v19;
	v16 =	vsel @!p1 vm2, $0x1B, v16  }
0x24c: {  	v22 =	vor.u32 @!p1 v16, v22  }
0x24d: {  	v15 =	vadd.s32 @!p1 v15, v19  }
0x24e: {  	[tilespmem:s26+$0x10388] =	vst @!p1 v15  }
0x24f: {  	v15 =	vld.idx.msk @!p1 [tilespmem:v20+s25+$0x0], $0xffff  }
0x250: {  	v3 =	vsel @!p1 vm1, v3, v5;
	vm0 =	vcmask @!p1 $0x700;
	v19 =	vimm.s32 @!p1 $0x380  }
0x251: {  	v3 =	vcombine.low @!p1 v4, v3;
	v5 =	vsel @!p1 vm0, $0x300, v19;
	v19 =	vld.idx.msk @!p1 [tilespmem:v22+s25+$0x0], $0xffff  }
0x252: {  	v7 =	vsel @!p1 vm1, v7, v9;
	v4 =	vor.u32 @!p1 v5, v57  }
0x253: {  	v7 =	vcombine.low @!p1 v8, v7;
	v9 =	vor.u32 @!p1 v3, v4  }
0x254: {  	v8 =	vmul.u32 @!p1 $0x7, v15  }
0x255: {  	v4 =	vor.u32 @!p1 v7, v4  }
0x256: {  	v8 =	vadd.s32 @!p1 v19, v8  }
0x257: {  	[tilespmem:s26+$0x10398] =	vst @!p1 v8  }
0x258: {  	v8 =	vld.idx.msk @!p1 [tilespmem:v9+s25+$0x0], $0xffff  }
0x259: {  	v9 =	vmov @!p1 s20  }
0x25a: {  	v4 =	vld.idx.msk @!p1 [tilespmem:v4+s25+$0x0], $0xffff;
	v9 =	vshll.u32 @!p1 v9, $0x7  }
0x25b: {  	v15 =	vor.u32 @!p1 v56, v9  }
0x25c: {  	v19 =	vor.u32 @!p1 v58, v15  }
0x25d: {  	v8 =	vmul.u32 @!p1 $0x7, v8  }
0x25e: {  	v15 =	vor.u32 @!p1 v59, v15  }
0x25f: {  	v4 =	vadd.s32 @!p1 v4, v8  }
0x260: {  	[tilespmem:s26+$0x103A8] =	vst @!p1 v4  }
0x261: {  	v4 =	vld.idx.msk @!p1 [tilespmem:v19+s25+$0x0], $0xffff;
	_ =	sdelay $0x1  }
0x262: {  	v8 =	vld.idx.msk @!p1 [tilespmem:v15+s25+$0x0], $0xffff  }
0x263: {  	v15 =	vor.u32 @!p1 v62, v9  }
0x264: {  	v0 =	vor.u32 @!p1 v0, v15  }
0x265: {  	v4 =	vmul.u32 @!p1 $0x7, v4  }
0x266: {  	v15 =	vor.u32 @!p1 v63, v15  }
0x267: {  	v4 =	vadd.s32 @!p1 v8, v4  }
0x268: {  	[tilespmem:s26+$0x103B8] =	vst @!p1 v4  }
0x269: {  	v0 =	vld.idx.msk @!p1 [tilespmem:v0+s25+$0x0], $0xffff;
	_ =	sdelay $0x1  }
0x26a: {  	v4 =	vld.idx.msk @!p1 [tilespmem:v15+s25+$0x0], $0xffff  }
0x26b: {  	v8 =	vor.u32 @!p1 v18, v9  }
0x26c: {  	v10 =	vor.u32 @!p1 v10, v8  }
0x26d: {  	v0 =	vmul.u32 @!p1 $0x7, v0  }
0x26e: {  	v8 =	vor.u32 @!p1 v14, v8  }
0x26f: {  	v0 =	vadd.s32 @!p1 v4, v0  }
0x270: {  	[tilespmem:s26+$0x103C8] =	vst @!p1 v0  }
0x271: {  	v0 =	vld.idx.msk @!p1 [tilespmem:v10+s25+$0x0], $0xffff;
	_ =	sdelay $0x1  }
0x272: {  	v4 =	vld.idx.msk @!p1 [tilespmem:v8+s25+$0x0], $0xffff  }
0x273: {  	v6 =	vor.u32 @!p1 v6, v9  }
0x274: {  	v1 =	vor.u32 @!p1 v1, v6  }
0x275: {  	v0 =	vmul.u32 @!p1 $0x7, v0  }
0x276: {  	v2 =	vor.u32 @!p1 v2, v6  }
0x277: {  	v0 =	vadd.s32 @!p1 v4, v0  }
0x278: {  	[tilespmem:s26+$0x103D8] =	vst @!p1 v0  }
0x279: {  	v0 =	vld.idx.msk @!p1 [tilespmem:v1+s25+$0x0], $0xffff;
	_ =	sdelay $0x1  }
0x27a: {  	v1 =	vld.idx.msk @!p1 [tilespmem:v2+s25+$0x0], $0xffff  }
0x27b: {  	v2 =	vor.u32 @!p1 v17, v9  }
0x27c: {  	v4 =	vor.u32 @!p1 v12, v2  }
0x27d: {  	v0 =	vmul.u32 @!p1 $0x7, v0  }
0x27e: {  	v2 =	vor.u32 @!p1 v13, v2  }
0x27f: {  	v0 =	vadd.s32 @!p1 v1, v0  }
0x280: {  	[tilespmem:s26+$0x103E8] =	vst @!p1 v0  }
0x281: {  	v0 =	vld.idx.msk @!p1 [tilespmem:v4+s25+$0x0], $0xffff;
	_ =	sdelay $0x1  }
0x282: {  	v1 =	vld.idx.msk @!p1 [tilespmem:v2+s25+$0x0], $0xffff  }
0x283: {  	v2 =	vor.u32 @!p1 v21, v9  }
0x284: {  	v4 =	vor.u32 @!p1 v11, v2  }
0x285: {  	v0 =	vmul.u32 @!p1 $0x7, v0  }
0x286: {  	v2 =	vor.u32 @!p1 v16, v2  }
0x287: {  	v0 =	vadd.s32 @!p1 v1, v0  }
0x288: {  	[tilespmem:s26+$0x103F8] =	vst @!p1 v0  }
0x289: {  	v0 =	vld.idx.msk @!p1 [tilespmem:v4+s25+$0x0], $0xffff;
	_ =	sdelay $0x1  }
0x28a: {  	v1 =	vld.idx.msk @!p1 [tilespmem:v2+s25+$0x0], $0xffff  }
0x28b: {  	v2 =	vor.u32 @!p1 v5, v9  }
0x28c: {  	v3 =	vor.u32 @!p1 v3, v2  }
0x28d: {  	v0 =	vmul.u32 @!p1 $0x7, v0  }
0x28e: {  	v2 =	vor.u32 @!p1 v7, v2  }
0x28f: {  	v0 =	vadd.s32 @!p1 v1, v0  }
0x290: {  	[tilespmem:s26+$0x10408] =	vst @!p1 v0  }
0x291: {  	v0 =	vld.idx.msk @!p1 [tilespmem:v3+s25+$0x0], $0xffff;
	_ =	sdelay $0x1  }
0x292: {  	v1 =	vld.idx.msk @!p1 [tilespmem:v2+s25+$0x0], $0xffff;
	_ =	sdelay $0x2  }
0x293: {  	v0 =	vmul.u32 @!p1 $0x7, v0  }
0x294: {  	p2 =	seq.s32 @!p1 s23, $0x0  }
0x295: {  	p2 =	por p1, !p2;
	v0 =	vadd.s32 @!p1 v1, v0  }
0x296: {  	[tilespmem:s26+$0x10418] =	vst @!p1 v0;
	p1 =	seq.s32 @p2 s23, $0x6C80  }
0x297: {  	p1 =	por !p2, !p1  }
.Ltmp4:
0x298: {  	_ = 	snop;
	(pc) =	sbr.rel @!p1 .LBB2_4-.Ltmp4, $4  }
0x299: {  	s25 =	simm.s32 @p2 $0x2  }
0x29a: {  	_ =	swait.ge @p2 [sflag:s25], $0x7000  }
0x29b: {  	[sflag:s25] =	ssyncset.done @p2 $0x0  }
0x29c: {  	[sflag:s25] =	ssyncadd.s32 @p2 $0xFFFF9000  }
0x29d: {  	s25 =	sand.u32 $0x1, s22  }
0x29e: {  	p1 =	seq.s32 s25, $0x1;
	s25 =	simm.s32 $0x7000  }
.Ltmp5:
0x29f: {  	s26 =	sshra.s32 s23, $0x2;
	s25 =	simm.s32 @!p1 $0x0;
	(pc) =	sbr.rel .LBB2_4-.Ltmp5, $4  }
0x2a0: {  	s29 =	sadd.s32 $0x10268, s26;
	s28 =	sadd.s32 $0x11D88, s25  }
0x2a1: {  	[tilespmem:s28], [sflag:$0x1] =	stream.indirect.gather [spmem:s1], $0x80, s29, s10, $0xb8;
	[tilespmem:$0x1FD88] =	vst v63  }
0x2a2: {  	s26 =	sadd.s32 $0x102D8, s26;
	s25 =	sadd.s32 $0x15588, s25  }
0x2a3: {  	[tilespmem:s25], [sflag:$0x1] =	stream.indirect.gather [spmem:s1], $0x80, s26, s10, $0xb8;
	[tilespmem:$0x1FD88] =	vst v63  }
.LBB2_6:
0x2a4: {  	_ =	sfence.sel $0x180000  }
0x2a5: {  	[bflag:$0x0] =	sbarrier.arrive $0xFFFF  }
0x2a6: {  	_ =	strace $0x90000047  }
0x2a7: {  	s0 =	sadd.s32 @!p0 $0x100000, s0;
	[bflag:$0x2] =	sbarrier.arrive $0xFFFF  }
0x2a8: {  	[sflag:s0] =	ssyncadd.tile.s32 @!p0 $0x1;
	_ =	shalt  }
.Lfunc_end2:
_tile_overlayer_lowered:
.L_overlay_start_2:
0x2a9: {  	(tag) =	ssettag $0x2  }
0x2aa: {  	s0 =	rddreg [dreg:$0x0];
	s2 =	stileid.u32  }
0x2ab: {  	s1 =	rddreg [dreg:$0x1];
	p0 =	sne.s32 s2, $0x0  }
0x2ac: {  	s3 =	rddreg [dreg:$0x2];
	[bflag:$0x3] =	sbarrier.arrive $0xFFFF;
	s2 =	simm.s32 @!p0 $0x1C03  }
0x2ad: {  	[timem:s3], [sflag:s2] =	dma.local @!p0 [hbm:s0], s1  }
0x2ae: {  	s0 =	simm.s32 @!p0 $0x3  }
0x2af: {  	_ =	swait.ge @!p0 [sflag:s0], s1  }
0x2b0: {  	s1 =	ssub.s32 @!p0 $0x0, s1;
	[sflag:s0] =	ssyncset.done @!p0 $0x0  }
0x2b1: {  	[sflag:s0] =	ssyncadd.s32 @!p0 s1  }
0x2b2: {  	[bflag:$0x3] =	sbarrier.arrive $0xFFFF  }
0x2b3: {  	_ =	shalt  }

</sc_bundles>
